<compile_context>
chip_gen: v7x
topology: tpu7x:2x2x1
jax: 0.10.2.dev20260603
libtpu: 0.0.44.dev20260713+nightly
codegen_flags: <defaults>
</compile_context>

<pallas_src>
import functools

import jax
import jax.numpy as jnp
from jax import lax
from jax.experimental import pallas as pl
from jax.experimental.pallas import tpu as pltpu
from jax.experimental.pallas import tpu_sc as plsc

N_NODES = 10000
N_EDGES = 320000
D = 128
DH = D // 2

NC = 2
NS = 16
EPT = N_EDGES // NS
C = 80
NCHUNK = EPT // C
RPT = 640
RPT_LAST = N_NODES - (NS - 1) * RPT


NBUF = 5


def _edge_pipeline(x_hbm, colbuf, rowbuf, valbuf, bufs, acc, gsems, ssems):
    def gather_start(ci, rows, sem):
        pltpu.async_copy(x_hbm.at[colbuf.at[ci]], rows, sem)

    def gather_wait(ci, rows, sem):
        pltpu.make_async_copy(x_hbm.at[colbuf.at[ci]], rows, sem).wait()

    def scat_start(ci, rows, sem):
        pltpu.async_copy(rows, acc.at[rowbuf.at[ci]], sem, add=True)

    def scat_wait(ci, rows, sem):
        pltpu.make_async_copy(rows, acc.at[rowbuf.at[ci]], sem).wait()

    def scale(rows, ci):
        @plsc.parallel_loop(0, C, 1, unroll=8)
        def _(i):
            v = plsc.load_gather(
                valbuf, [jnp.full((16,), ci, jnp.int32),
                         jnp.full((16,), i, jnp.int32)])
            for j in range(DH // 16):
                sl = pl.ds(j * 16, 16)
                rows[i, sl] = rows[i, sl] * v

    for b in range(3):
        gather_start(b, bufs[b], gsems[b])

    def step(k, carry):
        for j in range(NBUF):
            ci = NBUF * k + j
            jj = (j + 3) % NBUF

            if j >= 2:
                scat_wait(ci - 2, bufs[jj], ssems[jj])
            else:
                @pl.when(k > 0)
                def _():
                    scat_wait(ci - 2, bufs[jj], ssems[jj])

            if j < 2:
                gather_start(ci + 3, bufs[jj], gsems[jj])
            else:
                @pl.when(ci + 3 < NCHUNK)
                def _():
                    gather_start(ci + 3, bufs[jj], gsems[jj])

            gather_wait(ci, bufs[j], gsems[j])
            scale(bufs[j], ci)
            scat_start(ci, bufs[j], ssems[j])
        return carry

    lax.fori_loop(0, NCHUNK // NBUF, step, 0)
    scat_wait(NCHUNK - 2, bufs[3], ssems[3])
    scat_wait(NCHUNK - 1, bufs[4], ssems[4])


def _sc_body(x2_hbm, row_hbm, col_hbm, val_hbm, out_hbm,
             colbuf, rowbuf, valbuf,
             rows0, rows1, rows2, rows3, rows4, acc,
             gsem0, gsem1, gsem2, gsem3, gsem4,
             ssem0, ssem1, ssem2, ssem3, ssem4):
    bufs = (rows0, rows1, rows2, rows3, rows4)
    gsems = (gsem0, gsem1, gsem2, gsem3, gsem4)
    ssems = (ssem0, ssem1, ssem2, ssem3, ssem4)
    rowsA, rowsB = rows0, rows1
    cid = lax.axis_index("c")
    sid = lax.axis_index("s")

    zero16 = jnp.zeros((16,), jnp.float32)

    def zrow(i, carry):
        for j in range(DH // 16):
            rowsA[i, pl.ds(j * 16, 16)] = zero16
        return carry

    lax.fori_loop(0, C, zrow, 0)

    @pl.when(sid < NS - 1)
    def _():
        for s in range(RPT // C):
            pltpu.sync_copy(rowsA, acc.at[pl.ds(sid * RPT + s * C, C)])

    @pl.when(sid == NS - 1)
    def _():
        for s in range(RPT_LAST // C):
            pltpu.sync_copy(rowsA, acc.at[pl.ds((NS - 1) * RPT + s * C, C)])

    pltpu.sync_copy(row_hbm.at[sid], rowbuf)
    pltpu.sync_copy(col_hbm.at[sid], colbuf)
    pltpu.sync_copy(val_hbm.at[sid], valbuf)

    def xform(i, carry):
        for g in range(C // 16):
            sl = pl.ds(g * 16, 16)
            v = colbuf[i, sl]
            colbuf[i, sl] = v + v + cid
        return carry

    lax.fori_loop(0, NCHUNK, xform, 0)

    plsc.subcore_barrier()

    _edge_pipeline(x2_hbm, colbuf, rowbuf, valbuf, bufs, acc, gsems, ssems)

    plsc.subcore_barrier()

    def dump(nslices):
        for s in range(nslices):
            buf = rowsA if s % 2 == 0 else rowsB
            base = sid * RPT + s * C
            pltpu.sync_copy(acc.at[pl.ds(base, C)], buf)
            pltpu.sync_copy(buf, out_hbm.at[cid, pl.ds(base, C)])

    @pl.when(sid < NS - 1)
    def _():
        dump(RPT // C)

    @pl.when(sid == NS - 1)
    def _():
        dump(RPT_LAST // C)


_sc_aggregate = functools.partial(
    pl.kernel,
    out_type=jax.ShapeDtypeStruct((NC, N_NODES, DH), jnp.float32),
    mesh=plsc.VectorSubcoreMesh(core_axis_name="c", subcore_axis_name="s"),
    scratch_types=[
        pltpu.VMEM((NCHUNK, C), jnp.int32),
        pltpu.VMEM((NCHUNK, C), jnp.int32),
        pltpu.VMEM((NCHUNK, C), jnp.float32),
        pltpu.VMEM((C, DH), jnp.float32),
        pltpu.VMEM((C, DH), jnp.float32),
        pltpu.VMEM((C, DH), jnp.float32),
        pltpu.VMEM((C, DH), jnp.float32),
        pltpu.VMEM((C, DH), jnp.float32),
        pltpu.VMEM_SHARED((N_NODES, DH), jnp.float32),
    ] + [pltpu.SemaphoreType.DMA] * 10,
    compiler_params=pltpu.CompilerParams(needs_layout_passes=False,
                                         use_tc_tiling_on_sc=False),
)(_sc_body)


def _tc_body(p_ref, w_ref, o_ref):
    acc = (lax.dot(p_ref[0], w_ref[pl.ds(0, DH), :],
                   precision=lax.Precision.DEFAULT,
                   preferred_element_type=jnp.float32)
           + lax.dot(p_ref[1], w_ref[pl.ds(DH, DH), :],
                     precision=lax.Precision.DEFAULT,
                     preferred_element_type=jnp.float32))
    o_ref[...] = jnp.maximum(acc, 0.0)


def _tc_finalize(agg, W):
    G = 10
    BM = N_NODES // G
    return pl.pallas_call(
        _tc_body,
        grid=(G,),
        in_specs=[
            pl.BlockSpec((NC, BM, DH), lambda i: (0, i, 0)),
            pl.BlockSpec((D, D), lambda i: (0, 0)),
        ],
        out_specs=pl.BlockSpec((BM, D), lambda i: (i, 0)),
        out_shape=jax.ShapeDtypeStruct((N_NODES, D), jnp.float32),
    )(agg, W)


def kernel(x, edge_values, W, edge_index):
    ei = edge_index.astype(jnp.int32)
    row = ei[0].reshape(NS, NCHUNK, C)
    col = ei[1].reshape(NS, NCHUNK, C)
    val = edge_values.reshape(NS, NCHUNK, C)
    agg = _sc_aggregate(x.reshape(2 * N_NODES, DH), row, col, val)
    return _tc_finalize(agg, W)

# --- scband reference (transcript-rebuilt; emitter-appended) ---
"""Pipeline reference for scband-graph-convolution-27487790694774 (READ-ONLY COPY).

The authoritative reference and input builder live on the scoring server;
editing this copy changes nothing except your own understanding.
"""

import jax, jax.numpy as jnp
import numpy as np

N_NODES = 10000
N_EDGES = 320000
D_IN = 128
D_OUT = 128


def setup_inputs(seed: int = 0) -> dict:
    key = jax.random.key(seed)
    k1, k2, k3, k4 = jax.random.split(key, 4)
    x = jax.random.normal(k1, (N_NODES, D_IN), dtype=jnp.float32)
    edge_index = jax.random.randint(k2, (2, N_EDGES), 0, N_NODES).astype(jnp.int64)
    edge_values = jax.random.uniform(k3, (N_EDGES,), dtype=jnp.float32)
    W = jax.random.normal(k4, (D_IN, D_OUT), dtype=jnp.float32) * 0.05
    return {"x": x, "edge_values": edge_values, "W": W, "edge_index": edge_index}


def reference(x, edge_values, W, edge_index):
    # GraphConvolution.call with training=None, dropout=0.0 (identity),
    # is_sparse_inputs=False, featureless=False, bias=False, one support matrix.
    # pre_sup = x @ W  (dense matmul)
    pre_sup = jnp.matmul(x, W)
    # support = sparse_dense_matmul(A, pre_sup) where A is COO sparse:
    # out[row] += val * pre_sup[col]
    row = edge_index[0]
    col = edge_index[1]
    gathered = jnp.take(pre_sup, col, axis=0) * edge_values[:, None]
    output = jax.ops.segment_sum(gathered, row, num_segments=N_NODES)
    # tf.add_n over single support is identity; activation = relu
    return jax.nn.relu(output)

if __name__ == "__main__":
    import jax
    _d = setup_inputs()
    print(jax.jit(kernel)(*tuple(_d.values())))

</pallas_src>

<mosaic_0001>
#map = affine_map<(d0, d1) -> (0, 0)>
#map1 = affine_map<(d0, d1) -> (0, 0, 0)>
module attributes {stable_mosaic.version = 14 : i64} {
  func.func @_sc_body(%arg0: i32, %arg1: i32, %arg2: memref<20000x64xf32, #tpu.memory_space<hbm>>, %arg3: memref<16x250x80xi32, #tpu.memory_space<hbm>>, %arg4: memref<16x250x80xi32, #tpu.memory_space<hbm>>, %arg5: memref<16x250x80xf32, #tpu.memory_space<hbm>>, %arg6: memref<2x10000x64xf32, #tpu.memory_space<hbm>>, %arg7: memref<250x80xi32, #tpu.memory_space<vmem>>, %arg8: memref<250x80xi32, #tpu.memory_space<vmem>>, %arg9: memref<250x80xf32, #tpu.memory_space<vmem>>, %arg10: memref<80x64xf32, #tpu.memory_space<vmem>>, %arg11: memref<80x64xf32, #tpu.memory_space<vmem>>, %arg12: memref<80x64xf32, #tpu.memory_space<vmem>>, %arg13: memref<80x64xf32, #tpu.memory_space<vmem>>, %arg14: memref<80x64xf32, #tpu.memory_space<vmem>>, %arg15: memref<10000x64xf32, #tpu.memory_space<vmem_shared>>, %arg16: memref<!tpu.dma_semaphore, #tpu.memory_space<semaphore_mem>>, %arg17: memref<!tpu.dma_semaphore, #tpu.memory_space<semaphore_mem>>, %arg18: memref<!tpu.dma_semaphore, #tpu.memory_space<semaphore_mem>>, %arg19: memref<!tpu.dma_semaphore, #tpu.memory_space<semaphore_mem>>, %arg20: memref<!tpu.dma_semaphore, #tpu.memory_space<semaphore_mem>>, %arg21: memref<!tpu.dma_semaphore, #tpu.memory_space<semaphore_mem>>, %arg22: memref<!tpu.dma_semaphore, #tpu.memory_space<semaphore_mem>>, %arg23: memref<!tpu.dma_semaphore, #tpu.memory_space<semaphore_mem>>, %arg24: memref<!tpu.dma_semaphore, #tpu.memory_space<semaphore_mem>>, %arg25: memref<!tpu.dma_semaphore, #tpu.memory_space<semaphore_mem>>) attributes {dimension_semantics = [#tpu.dimension_semantics<core_parallel>, #tpu.dimension_semantics<subcore_parallel>], iteration_bounds = array<i64: 2, 16>, scalar_prefetch = 0 : i64, scratch_operands = 19 : i64, tpu.core_type = #tpu.core_type<sc_vector_subcore>, window_params = [{transform_indices = #map}, {transform_indices = #map1}, {transform_indices = #map1}, {transform_indices = #map1}, {transform_indices = #map1}]} {
    %broadcast_in_dim3A = arith.constant 0.000000e+00 : f32
    %broadcast_in_dim3A_0 = vector.broadcast %broadcast_in_dim3A : f32 to vector<16xf32>
    %scan3A = arith.constant 0 : i32
    %scan3A_1 = arith.constant 0 : i32
    %scan3A_2 = arith.constant 80 : i32
    %scan3A_3 = arith.addi %scan3A_1, %scan3A_2 : i32
    %scan3A_4 = arith.constant 1 : i32
    scf.for %scan3A_68 = %scan3A_1 to %scan3A_3 step %scan3A_4  : i32 {
      %swap3A = arith.index_cast %scan3A_68 : i32 to index
      %swap3A_69 = arith.constant 0 : index
      %swap3A_70 = tpu.vector_load %arg10[%swap3A, %swap3A_69] {strides = array<i32>} : memref<80x64xf32, #tpu.memory_space<vmem>>, vector<16xf32>,
      tpu.vector_store %arg10[%swap3A, %swap3A_69], %broadcast_in_dim3A_0 {strides = array<i32>} : memref<80x64xf32, #tpu.memory_space<vmem>>, vector<16xf32>,
      %swap3A_71 = arith.index_cast %scan3A_68 : i32 to index
      %swap3A_72 = arith.constant 16 : index
      %swap3A_73 = tpu.vector_load %arg10[%swap3A_71, %swap3A_72] {strides = array<i32>} : memref<80x64xf32, #tpu.memory_space<vmem>>, vector<16xf32>,
      tpu.vector_store %arg10[%swap3A_71, %swap3A_72], %broadcast_in_dim3A_0 {strides = array<i32>} : memref<80x64xf32, #tpu.memory_space<vmem>>, vector<16xf32>,
      %swap3A_74 = arith.index_cast %scan3A_68 : i32 to index
      %swap3A_75 = arith.constant 32 : index
      %swap3A_76 = tpu.vector_load %arg10[%swap3A_74, %swap3A_75] {strides = array<i32>} : memref<80x64xf32, #tpu.memory_space<vmem>>, vector<16xf32>,
      tpu.vector_store %arg10[%swap3A_74, %swap3A_75], %broadcast_in_dim3A_0 {strides = array<i32>} : memref<80x64xf32, #tpu.memory_space<vmem>>, vector<16xf32>,
      %swap3A_77 = arith.index_cast %scan3A_68 : i32 to index
      %swap3A_78 = arith.constant 48 : index
      %swap3A_79 = tpu.vector_load %arg10[%swap3A_77, %swap3A_78] {strides = array<i32>} : memref<80x64xf32, #tpu.memory_space<vmem>>, vector<16xf32>,
      tpu.vector_store %arg10[%swap3A_77, %swap3A_78], %broadcast_in_dim3A_0 {strides = array<i32>} : memref<80x64xf32, #tpu.memory_space<vmem>>, vector<16xf32>,
    }
    %scan3A_5 = arith.constant 80 : i32
    %lt3A = arith.constant 15 : i32
    %lt3A_6 = arith.cmpi slt, %arg1, %lt3A : i32
    %convert_element_type3A = arith.extui %lt3A_6 : i1 to i32
    %cond3A = arith.constant 0 : i32
    %cond3A_7 = arith.cmpi ne, %convert_element_type3A, %cond3A : i32
    scf.if %cond3A_7 {
      %mul3A = arith.constant 640 : i32
      %mul3A_68 = arith.muli %arg1, %mul3A : i32
      %add3A = arith.constant 0 : i32
      %add3A_69 = arith.addi %mul3A_68, %add3A : i32
      "tpu.region"() ({
        %run_scoped3A = tpu.sem_alloc : memref<!tpu.dma_semaphore, #tpu.memory_space<semaphore_mem>>
        %dma_start3A_98 = arith.constant 0 : i32
        %dma_start3A_99 = tpu.memref_slice %arg15[%add3A_69, %dma_start3A_98] : memref<10000x64xf32, #tpu.memory_space<vmem_shared>> -> memref<80x64xf32, #tpu.memory_space<vmem_shared>>
        %dma_start3A_100 = arith.constant 0 : i32
        %dma_start3A_101 = tpu.memref_slice %arg15[%add3A_69, %dma_start3A_100] : memref<10000x64xf32, #tpu.memory_space<vmem_shared>> -> memref<80x64xf32, #tpu.memory_space<vmem_shared>>
        tpu.enqueue_dma source(%arg10 : memref<80x64xf32, #tpu.memory_space<vmem>>) target(%dma_start3A_101 : memref<80x64xf32, #tpu.memory_space<vmem_shared>>) target_semaphore(%run_scoped3A : memref<!tpu.dma_semaphore, #tpu.memory_space<semaphore_mem>>)
        %dma_wait3A_102 = arith.constant 0 : i32
        %dma_wait3A_103 = tpu.memref_slice %arg15[%add3A_69, %dma_wait3A_102] : memref<10000x64xf32, #tpu.memory_space<vmem_shared>> -> memref<80x64xf32, #tpu.memory_space<vmem_shared>>
        %dma_wait3A_104 = arith.constant 0 : i32
        %dma_wait3A_105 = tpu.memref_slice %arg15[%add3A_69, %dma_wait3A_104] : memref<10000x64xf32, #tpu.memory_space<vmem_shared>> -> memref<80x64xf32, #tpu.memory_space<vmem_shared>>
        tpu.wait_dma2 semaphore(%run_scoped3A : memref<!tpu.dma_semaphore, #tpu.memory_space<semaphore_mem>>) src(%arg10 : memref<80x64xf32, #tpu.memory_space<vmem>>) dst(%dma_wait3A_105 : memref<80x64xf32, #tpu.memory_space<vmem_shared>>)
        tpu.yield
      }) : () -> ()
      %mul3A_70 = arith.constant 640 : i32
      %mul3A_71 = arith.muli %arg1, %mul3A_70 : i32
      %add3A_72 = arith.constant 80 : i32
      %add3A_73 = arith.addi %mul3A_71, %add3A_72 : i32
      "tpu.region"() ({
        %run_scoped3A = tpu.sem_alloc : memref<!tpu.dma_semaphore, #tpu.memory_space<semaphore_mem>>
        %dma_start3A_98 = arith.constant 0 : i32
        %dma_start3A_99 = tpu.memref_slice %arg15[%add3A_73, %dma_start3A_98] : memref<10000x64xf32, #tpu.memory_space<vmem_shared>> -> memref<80x64xf32, #tpu.memory_space<vmem_shared>>
        %dma_start3A_100 = arith.constant 0 : i32
        %dma_start3A_101 = tpu.memref_slice %arg15[%add3A_73, %dma_start3A_100] : memref<10000x64xf32, #tpu.memory_space<vmem_shared>> -> memref<80x64xf32, #tpu.memory_space<vmem_shared>>
        tpu.enqueue_dma source(%arg10 : memref<80x64xf32, #tpu.memory_space<vmem>>) target(%dma_start3A_101 : memref<80x64xf32, #tpu.memory_space<vmem_shared>>) target_semaphore(%run_scoped3A : memref<!tpu.dma_semaphore, #tpu.memory_space<semaphore_mem>>)
        %dma_wait3A_102 = arith.constant 0 : i32
        %dma_wait3A_103 = tpu.memref_slice %arg15[%add3A_73, %dma_wait3A_102] : memref<10000x64xf32, #tpu.memory_space<vmem_shared>> -> memref<80x64xf32, #tpu.memory_space<vmem_shared>>
        %dma_wait3A_104 = arith.constant 0 : i32
        %dma_wait3A_105 = tpu.memref_slice %arg15[%add3A_73, %dma_wait3A_104] : memref<10000x64xf32, #tpu.memory_space<vmem_shared>> -> memref<80x64xf32, #tpu.memory_space<vmem_shared>>
        tpu.wait_dma2 semaphore(%run_scoped3A : memref<!tpu.dma_semaphore, #tpu.memory_space<semaphore_mem>>) src(%arg10 : memref<80x64xf32, #tpu.memory_space<vmem>>) dst(%dma_wait3A_105 : memref<80x64xf32, #tpu.memory_space<vmem_shared>>)
        tpu.yield
      }) : () -> ()
      %mul3A_74 = arith.constant 640 : i32
      %mul3A_75 = arith.muli %arg1, %mul3A_74 : i32
      %add3A_76 = arith.constant 160 : i32
      %add3A_77 = arith.addi %mul3A_75, %add3A_76 : i32
      "tpu.region"() ({
        %run_scoped3A = tpu.sem_alloc : memref<!tpu.dma_semaphore, #tpu.memory_space<semaphore_mem>>
        %dma_start3A_98 = arith.constant 0 : i32
        %dma_start3A_99 = tpu.memref_slice %arg15[%add3A_77, %dma_start3A_98] : memref<10000x64xf32, #tpu.memory_space<vmem_shared>> -> memref<80x64xf32, #tpu.memory_space<vmem_shared>>
        %dma_start3A_100 = arith.constant 0 : i32
        %dma_start3A_101 = tpu.memref_slice %arg15[%add3A_77, %dma_start3A_100] : memref<10000x64xf32, #tpu.memory_space<vmem_shared>> -> memref<80x64xf32, #tpu.memory_space<vmem_shared>>
        tpu.enqueue_dma source(%arg10 : memref<80x64xf32, #tpu.memory_space<vmem>>) target(%dma_start3A_101 : memref<80x64xf32, #tpu.memory_space<vmem_shared>>) target_semaphore(%run_scoped3A : memref<!tpu.dma_semaphore, #tpu.memory_space<semaphore_mem>>)
        %dma_wait3A_102 = arith.constant 0 : i32
        %dma_wait3A_103 = tpu.memref_slice %arg15[%add3A_77, %dma_wait3A_102] : memref<10000x64xf32, #tpu.memory_space<vmem_shared>> -> memref<80x64xf32, #tpu.memory_space<vmem_shared>>
        %dma_wait3A_104 = arith.constant 0 : i32
        %dma_wait3A_105 = tpu.memref_slice %arg15[%add3A_77, %dma_wait3A_104] : memref<10000x64xf32, #tpu.memory_space<vmem_shared>> -> memref<80x64xf32, #tpu.memory_space<vmem_shared>>
        tpu.wait_dma2 semaphore(%run_scoped3A : memref<!tpu.dma_semaphore, #tpu.memory_space<semaphore_mem>>) src(%arg10 : memref<80x64xf32, #tpu.memory_space<vmem>>) dst(%dma_wait3A_105 : memref<80x64xf32, #tpu.memory_space<vmem_shared>>)
        tpu.yield
      }) : () -> ()
      %mul3A_78 = arith.constant 640 : i32
      %mul3A_79 = arith.muli %arg1, %mul3A_78 : i32
      %add3A_80 = arith.constant 240 : i32
      %add3A_81 = arith.addi %mul3A_79, %add3A_80 : i32
      "tpu.region"() ({
        %run_scoped3A = tpu.sem_alloc : memref<!tpu.dma_semaphore, #tpu.memory_space<semaphore_mem>>
        %dma_start3A_98 = arith.constant 0 : i32
        %dma_start3A_99 = tpu.memref_slice %arg15[%add3A_81, %dma_start3A_98] : memref<10000x64xf32, #tpu.memory_space<vmem_shared>> -> memref<80x64xf32, #tpu.memory_space<vmem_shared>>
        %dma_start3A_100 = arith.constant 0 : i32
        %dma_start3A_101 = tpu.memref_slice %arg15[%add3A_81, %dma_start3A_100] : memref<10000x64xf32, #tpu.memory_space<vmem_shared>> -> memref<80x64xf32, #tpu.memory_space<vmem_shared>>
        tpu.enqueue_dma source(%arg10 : memref<80x64xf32, #tpu.memory_space<vmem>>) target(%dma_start3A_101 : memref<80x64xf32, #tpu.memory_space<vmem_shared>>) target_semaphore(%run_scoped3A : memref<!tpu.dma_semaphore, #tpu.memory_space<semaphore_mem>>)
        %dma_wait3A_102 = arith.constant 0 : i32
        %dma_wait3A_103 = tpu.memref_slice %arg15[%add3A_81, %dma_wait3A_102] : memref<10000x64xf32, #tpu.memory_space<vmem_shared>> -> memref<80x64xf32, #tpu.memory_space<vmem_shared>>
        %dma_wait3A_104 = arith.constant 0 : i32
        %dma_wait3A_105 = tpu.memref_slice %arg15[%add3A_81, %dma_wait3A_104] : memref<10000x64xf32, #tpu.memory_space<vmem_shared>> -> memref<80x64xf32, #tpu.memory_space<vmem_shared>>
        tpu.wait_dma2 semaphore(%run_scoped3A : memref<!tpu.dma_semaphore, #tpu.memory_space<semaphore_mem>>) src(%arg10 : memref<80x64xf32, #tpu.memory_space<vmem>>) dst(%dma_wait3A_105 : memref<80x64xf32, #tpu.memory_space<vmem_shared>>)
        tpu.yield
      }) : () -> ()
      %mul3A_82 = arith.constant 640 : i32
      %mul3A_83 = arith.muli %arg1, %mul3A_82 : i32
      %add3A_84 = arith.constant 320 : i32
      %add3A_85 = arith.addi %mul3A_83, %add3A_84 : i32
      "tpu.region"() ({
        %run_scoped3A = tpu.sem_alloc : memref<!tpu.dma_semaphore, #tpu.memory_space<semaphore_mem>>
        %dma_start3A_98 = arith.constant 0 : i32
        %dma_start3A_99 = tpu.memref_slice %arg15[%add3A_85, %dma_start3A_98] : memref<10000x64xf32, #tpu.memory_space<vmem_shared>> -> memref<80x64xf32, #tpu.memory_space<vmem_shared>>
        %dma_start3A_100 = arith.constant 0 : i32
        %dma_start3A_101 = tpu.memref_slice %arg15[%add3A_85, %dma_start3A_100] : memref<10000x64xf32, #tpu.memory_space<vmem_shared>> -> memref<80x64xf32, #tpu.memory_space<vmem_shared>>
        tpu.enqueue_dma source(%arg10 : memref<80x64xf32, #tpu.memory_space<vmem>>) target(%dma_start3A_101 : memref<80x64xf32, #tpu.memory_space<vmem_shared>>) target_semaphore(%run_scoped3A : memref<!tpu.dma_semaphore, #tpu.memory_space<semaphore_mem>>)
        %dma_wait3A_102 = arith.constant 0 : i32
        %dma_wait3A_103 = tpu.memref_slice %arg15[%add3A_85, %dma_wait3A_102] : memref<10000x64xf32, #tpu.memory_space<vmem_shared>> -> memref<80x64xf32, #tpu.memory_space<vmem_shared>>
        %dma_wait3A_104 = arith.constant 0 : i32
        %dma_wait3A_105 = tpu.memref_slice %arg15[%add3A_85, %dma_wait3A_104] : memref<10000x64xf32, #tpu.memory_space<vmem_shared>> -> memref<80x64xf32, #tpu.memory_space<vmem_shared>>
        tpu.wait_dma2 semaphore(%run_scoped3A : memref<!tpu.dma_semaphore, #tpu.memory_space<semaphore_mem>>) src(%arg10 : memref<80x64xf32, #tpu.memory_space<vmem>>) dst(%dma_wait3A_105 : memref<80x64xf32, #tpu.memory_space<vmem_shared>>)
        tpu.yield
      }) : () -> ()
      %mul3A_86 = arith.constant 640 : i32
      %mul3A_87 = arith.muli %arg1, %mul3A_86 : i32
      %add3A_88 = arith.constant 400 : i32
      %add3A_89 = arith.addi %mul3A_87, %add3A_88 : i32
      "tpu.region"() ({
        %run_scoped3A = tpu.sem_alloc : memref<!tpu.dma_semaphore, #tpu.memory_space<semaphore_mem>>
        %dma_start3A_98 = arith.constant 0 : i32
        %dma_start3A_99 = tpu.memref_slice %arg15[%add3A_89, %dma_start3A_98] : memref<10000x64xf32, #tpu.memory_space<vmem_shared>> -> memref<80x64xf32, #tpu.memory_space<vmem_shared>>
        %dma_start3A_100 = arith.constant 0 : i32
        %dma_start3A_101 = tpu.memref_slice %arg15[%add3A_89, %dma_start3A_100] : memref<10000x64xf32, #tpu.memory_space<vmem_shared>> -> memref<80x64xf32, #tpu.memory_space<vmem_shared>>
        tpu.enqueue_dma source(%arg10 : memref<80x64xf32, #tpu.memory_space<vmem>>) target(%dma_start3A_101 : memref<80x64xf32, #tpu.memory_space<vmem_shared>>) target_semaphore(%run_scoped3A : memref<!tpu.dma_semaphore, #tpu.memory_space<semaphore_mem>>)
        %dma_wait3A_102 = arith.constant 0 : i32
        %dma_wait3A_103 = tpu.memref_slice %arg15[%add3A_89, %dma_wait3A_102] : memref<10000x64xf32, #tpu.memory_space<vmem_shared>> -> memref<80x64xf32, #tpu.memory_space<vmem_shared>>
        %dma_wait3A_104 = arith.constant 0 : i32
        %dma_wait3A_105 = tpu.memref_slice %arg15[%add3A_89, %dma_wait3A_104] : memref<10000x64xf32, #tpu.memory_space<vmem_shared>> -> memref<80x64xf32, #tpu.memory_space<vmem_shared>>
        tpu.wait_dma2 semaphore(%run_scoped3A : memref<!tpu.dma_semaphore, #tpu.memory_space<semaphore_mem>>) src(%arg10 : memref<80x64xf32, #tpu.memory_space<vmem>>) dst(%dma_wait3A_105 : memref<80x64xf32, #tpu.memory_space<vmem_shared>>)
        tpu.yield
      }) : () -> ()
      %mul3A_90 = arith.constant 640 : i32
      %mul3A_91 = arith.muli %arg1, %mul3A_90 : i32
      %add3A_92 = arith.constant 480 : i32
      %add3A_93 = arith.addi %mul3A_91, %add3A_92 : i32
      "tpu.region"() ({
        %run_scoped3A = tpu.sem_alloc : memref<!tpu.dma_semaphore, #tpu.memory_space<semaphore_mem>>
        %dma_start3A_98 = arith.constant 0 : i32
        %dma_start3A_99 = tpu.memref_slice %arg15[%add3A_93, %dma_start3A_98] : memref<10000x64xf32, #tpu.memory_space<vmem_shared>> -> memref<80x64xf32, #tpu.memory_space<vmem_shared>>
        %dma_start3A_100 = arith.constant 0 : i32
        %dma_start3A_101 = tpu.memref_slice %arg15[%add3A_93, %dma_start3A_100] : memref<10000x64xf32, #tpu.memory_space<vmem_shared>> -> memref<80x64xf32, #tpu.memory_space<vmem_shared>>
        tpu.enqueue_dma source(%arg10 : memref<80x64xf32, #tpu.memory_space<vmem>>) target(%dma_start3A_101 : memref<80x64xf32, #tpu.memory_space<vmem_shared>>) target_semaphore(%run_scoped3A : memref<!tpu.dma_semaphore, #tpu.memory_space<semaphore_mem>>)
        %dma_wait3A_102 = arith.constant 0 : i32
        %dma_wait3A_103 = tpu.memref_slice %arg15[%add3A_93, %dma_wait3A_102] : memref<10000x64xf32, #tpu.memory_space<vmem_shared>> -> memref<80x64xf32, #tpu.memory_space<vmem_shared>>
        %dma_wait3A_104 = arith.constant 0 : i32
        %dma_wait3A_105 = tpu.memref_slice %arg15[%add3A_93, %dma_wait3A_104] : memref<10000x64xf32, #tpu.memory_space<vmem_shared>> -> memref<80x64xf32, #tpu.memory_space<vmem_shared>>
        tpu.wait_dma2 semaphore(%run_scoped3A : memref<!tpu.dma_semaphore, #tpu.memory_space<semaphore_mem>>) src(%arg10 : memref<80x64xf32, #tpu.memory_space<vmem>>) dst(%dma_wait3A_105 : memref<80x64xf32, #tpu.memory_space<vmem_shared>>)
        tpu.yield
      }) : () -> ()
      %mul3A_94 = arith.constant 640 : i32
      %mul3A_95 = arith.muli %arg1, %mul3A_94 : i32
      %add3A_96 = arith.constant 560 : i32
      %add3A_97 = arith.addi %mul3A_95, %add3A_96 : i32
      "tpu.region"() ({
        %run_scoped3A = tpu.sem_alloc : memref<!tpu.dma_semaphore, #tpu.memory_space<semaphore_mem>>
        %dma_start3A_98 = arith.constant 0 : i32
        %dma_start3A_99 = tpu.memref_slice %arg15[%add3A_97, %dma_start3A_98] : memref<10000x64xf32, #tpu.memory_space<vmem_shared>> -> memref<80x64xf32, #tpu.memory_space<vmem_shared>>
        %dma_start3A_100 = arith.constant 0 : i32
        %dma_start3A_101 = tpu.memref_slice %arg15[%add3A_97, %dma_start3A_100] : memref<10000x64xf32, #tpu.memory_space<vmem_shared>> -> memref<80x64xf32, #tpu.memory_space<vmem_shared>>
        tpu.enqueue_dma source(%arg10 : memref<80x64xf32, #tpu.memory_space<vmem>>) target(%dma_start3A_101 : memref<80x64xf32, #tpu.memory_space<vmem_shared>>) target_semaphore(%run_scoped3A : memref<!tpu.dma_semaphore, #tpu.memory_space<semaphore_mem>>)
        %dma_wait3A_102 = arith.constant 0 : i32
        %dma_wait3A_103 = tpu.memref_slice %arg15[%add3A_97, %dma_wait3A_102] : memref<10000x64xf32, #tpu.memory_space<vmem_shared>> -> memref<80x64xf32, #tpu.memory_space<vmem_shared>>
        %dma_wait3A_104 = arith.constant 0 : i32
        %dma_wait3A_105 = tpu.memref_slice %arg15[%add3A_97, %dma_wait3A_104] : memref<10000x64xf32, #tpu.memory_space<vmem_shared>> -> memref<80x64xf32, #tpu.memory_space<vmem_shared>>
        tpu.wait_dma2 semaphore(%run_scoped3A : memref<!tpu.dma_semaphore, #tpu.memory_space<semaphore_mem>>) src(%arg10 : memref<80x64xf32, #tpu.memory_space<vmem>>) dst(%dma_wait3A_105 : memref<80x64xf32, #tpu.memory_space<vmem_shared>>)
        tpu.yield
      }) : () -> ()
    } else {
    }
    %eq3A = arith.constant 15 : i32
    %eq3A_8 = arith.cmpi eq, %arg1, %eq3A : i32
    %convert_element_type3A_9 = arith.extui %eq3A_8 : i1 to i32
    %cond3A_10 = arith.constant 0 : i32
    %cond3A_11 = arith.cmpi ne, %convert_element_type3A_9, %cond3A_10 : i32
    scf.if %cond3A_11 {
      "tpu.region"() ({
        %run_scoped3A = tpu.sem_alloc : memref<!tpu.dma_semaphore, #tpu.memory_space<semaphore_mem>>
        %dma_start3A_68 = arith.constant 9600 : i32
        %dma_start3A_69 = arith.constant 0 : i32
        %dma_start3A_70 = tpu.memref_slice %arg15[%dma_start3A_68, %dma_start3A_69] : memref<10000x64xf32, #tpu.memory_space<vmem_shared>> -> memref<80x64xf32, #tpu.memory_space<vmem_shared>>
        %dma_start3A_71 = arith.constant 9600 : i32
        %dma_start3A_72 = arith.constant 0 : i32
        %dma_start3A_73 = tpu.memref_slice %arg15[%dma_start3A_71, %dma_start3A_72] : memref<10000x64xf32, #tpu.memory_space<vmem_shared>> -> memref<80x64xf32, #tpu.memory_space<vmem_shared>>
        tpu.enqueue_dma source(%arg10 : memref<80x64xf32, #tpu.memory_space<vmem>>) target(%dma_start3A_73 : memref<80x64xf32, #tpu.memory_space<vmem_shared>>) target_semaphore(%run_scoped3A : memref<!tpu.dma_semaphore, #tpu.memory_space<semaphore_mem>>)
        %dma_wait3A_74 = arith.constant 9600 : i32
        %dma_wait3A_75 = arith.constant 0 : i32
        %dma_wait3A_76 = tpu.memref_slice %arg15[%dma_wait3A_74, %dma_wait3A_75] : memref<10000x64xf32, #tpu.memory_space<vmem_shared>> -> memref<80x64xf32, #tpu.memory_space<vmem_shared>>
        %dma_wait3A_77 = arith.constant 9600 : i32
        %dma_wait3A_78 = arith.constant 0 : i32
        %dma_wait3A_79 = tpu.memref_slice %arg15[%dma_wait3A_77, %dma_wait3A_78] : memref<10000x64xf32, #tpu.memory_space<vmem_shared>> -> memref<80x64xf32, #tpu.memory_space<vmem_shared>>
        tpu.wait_dma2 semaphore(%run_scoped3A : memref<!tpu.dma_semaphore, #tpu.memory_space<semaphore_mem>>) src(%arg10 : memref<80x64xf32, #tpu.memory_space<vmem>>) dst(%dma_wait3A_79 : memref<80x64xf32, #tpu.memory_space<vmem_shared>>)
        tpu.yield
      }) : () -> ()
      "tpu.region"() ({
        %run_scoped3A = tpu.sem_alloc : memref<!tpu.dma_semaphore, #tpu.memory_space<semaphore_mem>>
        %dma_start3A_68 = arith.constant 9680 : i32
        %dma_start3A_69 = arith.constant 0 : i32
        %dma_start3A_70 = tpu.memref_slice %arg15[%dma_start3A_68, %dma_start3A_69] : memref<10000x64xf32, #tpu.memory_space<vmem_shared>> -> memref<80x64xf32, #tpu.memory_space<vmem_shared>>
        %dma_start3A_71 = arith.constant 9680 : i32
        %dma_start3A_72 = arith.constant 0 : i32
        %dma_start3A_73 = tpu.memref_slice %arg15[%dma_start3A_71, %dma_start3A_72] : memref<10000x64xf32, #tpu.memory_space<vmem_shared>> -> memref<80x64xf32, #tpu.memory_space<vmem_shared>>
        tpu.enqueue_dma source(%arg10 : memref<80x64xf32, #tpu.memory_space<vmem>>) target(%dma_start3A_73 : memref<80x64xf32, #tpu.memory_space<vmem_shared>>) target_semaphore(%run_scoped3A : memref<!tpu.dma_semaphore, #tpu.memory_space<semaphore_mem>>)
        %dma_wait3A_74 = arith.constant 9680 : i32
        %dma_wait3A_75 = arith.constant 0 : i32
        %dma_wait3A_76 = tpu.memref_slice %arg15[%dma_wait3A_74, %dma_wait3A_75] : memref<10000x64xf32, #tpu.memory_space<vmem_shared>> -> memref<80x64xf32, #tpu.memory_space<vmem_shared>>
        %dma_wait3A_77 = arith.constant 9680 : i32
        %dma_wait3A_78 = arith.constant 0 : i32
        %dma_wait3A_79 = tpu.memref_slice %arg15[%dma_wait3A_77, %dma_wait3A_78] : memref<10000x64xf32, #tpu.memory_space<vmem_shared>> -> memref<80x64xf32, #tpu.memory_space<vmem_shared>>
        tpu.wait_dma2 semaphore(%run_scoped3A : memref<!tpu.dma_semaphore, #tpu.memory_space<semaphore_mem>>) src(%arg10 : memref<80x64xf32, #tpu.memory_space<vmem>>) dst(%dma_wait3A_79 : memref<80x64xf32, #tpu.memory_space<vmem_shared>>)
        tpu.yield
      }) : () -> ()
      "tpu.region"() ({
        %run_scoped3A = tpu.sem_alloc : memref<!tpu.dma_semaphore, #tpu.memory_space<semaphore_mem>>
        %dma_start3A_68 = arith.constant 9760 : i32
        %dma_start3A_69 = arith.constant 0 : i32
        %dma_start3A_70 = tpu.memref_slice %arg15[%dma_start3A_68, %dma_start3A_69] : memref<10000x64xf32, #tpu.memory_space<vmem_shared>> -> memref<80x64xf32, #tpu.memory_space<vmem_shared>>
        %dma_start3A_71 = arith.constant 9760 : i32
        %dma_start3A_72 = arith.constant 0 : i32
        %dma_start3A_73 = tpu.memref_slice %arg15[%dma_start3A_71, %dma_start3A_72] : memref<10000x64xf32, #tpu.memory_space<vmem_shared>> -> memref<80x64xf32, #tpu.memory_space<vmem_shared>>
        tpu.enqueue_dma source(%arg10 : memref<80x64xf32, #tpu.memory_space<vmem>>) target(%dma_start3A_73 : memref<80x64xf32, #tpu.memory_space<vmem_shared>>) target_semaphore(%run_scoped3A : memref<!tpu.dma_semaphore, #tpu.memory_space<semaphore_mem>>)
        %dma_wait3A_74 = arith.constant 9760 : i32
        %dma_wait3A_75 = arith.constant 0 : i32
        %dma_wait3A_76 = tpu.memref_slice %arg15[%dma_wait3A_74, %dma_wait3A_75] : memref<10000x64xf32, #tpu.memory_space<vmem_shared>> -> memref<80x64xf32, #tpu.memory_space<vmem_shared>>
        %dma_wait3A_77 = arith.constant 9760 : i32
        %dma_wait3A_78 = arith.constant 0 : i32
        %dma_wait3A_79 = tpu.memref_slice %arg15[%dma_wait3A_77, %dma_wait3A_78] : memref<10000x64xf32, #tpu.memory_space<vmem_shared>> -> memref<80x64xf32, #tpu.memory_space<vmem_shared>>
        tpu.wait_dma2 semaphore(%run_scoped3A : memref<!tpu.dma_semaphore, #tpu.memory_space<semaphore_mem>>) src(%arg10 : memref<80x64xf32, #tpu.memory_space<vmem>>) dst(%dma_wait3A_79 : memref<80x64xf32, #tpu.memory_space<vmem_shared>>)
        tpu.yield
      }) : () -> ()
      "tpu.region"() ({
        %run_scoped3A = tpu.sem_alloc : memref<!tpu.dma_semaphore, #tpu.memory_space<semaphore_mem>>
        %dma_start3A_68 = arith.constant 9840 : i32
        %dma_start3A_69 = arith.constant 0 : i32
        %dma_start3A_70 = tpu.memref_slice %arg15[%dma_start3A_68, %dma_start3A_69] : memref<10000x64xf32, #tpu.memory_space<vmem_shared>> -> memref<80x64xf32, #tpu.memory_space<vmem_shared>>
        %dma_start3A_71 = arith.constant 9840 : i32
        %dma_start3A_72 = arith.constant 0 : i32
        %dma_start3A_73 = tpu.memref_slice %arg15[%dma_start3A_71, %dma_start3A_72] : memref<10000x64xf32, #tpu.memory_space<vmem_shared>> -> memref<80x64xf32, #tpu.memory_space<vmem_shared>>
        tpu.enqueue_dma source(%arg10 : memref<80x64xf32, #tpu.memory_space<vmem>>) target(%dma_start3A_73 : memref<80x64xf32, #tpu.memory_space<vmem_shared>>) target_semaphore(%run_scoped3A : memref<!tpu.dma_semaphore, #tpu.memory_space<semaphore_mem>>)
        %dma_wait3A_74 = arith.constant 9840 : i32
        %dma_wait3A_75 = arith.constant 0 : i32
        %dma_wait3A_76 = tpu.memref_slice %arg15[%dma_wait3A_74, %dma_wait3A_75] : memref<10000x64xf32, #tpu.memory_space<vmem_shared>> -> memref<80x64xf32, #tpu.memory_space<vmem_shared>>
        %dma_wait3A_77 = arith.constant 9840 : i32
        %dma_wait3A_78 = arith.constant 0 : i32
        %dma_wait3A_79 = tpu.memref_slice %arg15[%dma_wait3A_77, %dma_wait3A_78] : memref<10000x64xf32, #tpu.memory_space<vmem_shared>> -> memref<80x64xf32, #tpu.memory_space<vmem_shared>>
        tpu.wait_dma2 semaphore(%run_scoped3A : memref<!tpu.dma_semaphore, #tpu.memory_space<semaphore_mem>>) src(%arg10 : memref<80x64xf32, #tpu.memory_space<vmem>>) dst(%dma_wait3A_79 : memref<80x64xf32, #tpu.memory_space<vmem_shared>>)
        tpu.yield
      }) : () -> ()
      "tpu.region"() ({
        %run_scoped3A = tpu.sem_alloc : memref<!tpu.dma_semaphore, #tpu.memory_space<semaphore_mem>>
        %dma_start3A_68 = arith.constant 9920 : i32
        %dma_start3A_69 = arith.constant 0 : i32
        %dma_start3A_70 = tpu.memref_slice %arg15[%dma_start3A_68, %dma_start3A_69] : memref<10000x64xf32, #tpu.memory_space<vmem_shared>> -> memref<80x64xf32, #tpu.memory_space<vmem_shared>>
        %dma_start3A_71 = arith.constant 9920 : i32
        %dma_start3A_72 = arith.constant 0 : i32
        %dma_start3A_73 = tpu.memref_slice %arg15[%dma_start3A_71, %dma_start3A_72] : memref<10000x64xf32, #tpu.memory_space<vmem_shared>> -> memref<80x64xf32, #tpu.memory_space<vmem_shared>>
        tpu.enqueue_dma source(%arg10 : memref<80x64xf32, #tpu.memory_space<vmem>>) target(%dma_start3A_73 : memref<80x64xf32, #tpu.memory_space<vmem_shared>>) target_semaphore(%run_scoped3A : memref<!tpu.dma_semaphore, #tpu.memory_space<semaphore_mem>>)
        %dma_wait3A_74 = arith.constant 9920 : i32
        %dma_wait3A_75 = arith.constant 0 : i32
        %dma_wait3A_76 = tpu.memref_slice %arg15[%dma_wait3A_74, %dma_wait3A_75] : memref<10000x64xf32, #tpu.memory_space<vmem_shared>> -> memref<80x64xf32, #tpu.memory_space<vmem_shared>>
        %dma_wait3A_77 = arith.constant 9920 : i32
        %dma_wait3A_78 = arith.constant 0 : i32
        %dma_wait3A_79 = tpu.memref_slice %arg15[%dma_wait3A_77, %dma_wait3A_78] : memref<10000x64xf32, #tpu.memory_space<vmem_shared>> -> memref<80x64xf32, #tpu.memory_space<vmem_shared>>
        tpu.wait_dma2 semaphore(%run_scoped3A : memref<!tpu.dma_semaphore, #tpu.memory_space<semaphore_mem>>) src(%arg10 : memref<80x64xf32, #tpu.memory_space<vmem>>) dst(%dma_wait3A_79 : memref<80x64xf32, #tpu.memory_space<vmem_shared>>)
        tpu.yield
      }) : () -> ()
    } else {
    }
    "tpu.region"() ({
      %run_scoped3A = tpu.sem_alloc : memref<!tpu.dma_semaphore, #tpu.memory_space<semaphore_mem>>
      %dma_start3A_68 = arith.constant 0 : i32
      %dma_start3A_69 = arith.constant 0 : i32
      %dma_start3A_70 = tpu.memref_slice %arg3[%arg1, %dma_start3A_68, %dma_start3A_69] : memref<16x250x80xi32, #tpu.memory_space<hbm>> -> memref<1x250x80xi32, #tpu.memory_space<hbm>>
      %dma_start3A_71 = tpu.memref_squeeze %dma_start3A_70 : memref<1x250x80xi32, #tpu.memory_space<hbm>> -> memref<250x80xi32, #tpu.memory_space<hbm>>
      %dma_start3A_72 = arith.constant 0 : i32
      %dma_start3A_73 = arith.constant 0 : i32
      %dma_start3A_74 = tpu.memref_slice %arg3[%arg1, %dma_start3A_72, %dma_start3A_73] : memref<16x250x80xi32, #tpu.memory_space<hbm>> -> memref<1x250x80xi32, #tpu.memory_space<hbm>>
      %dma_start3A_75 = tpu.memref_squeeze %dma_start3A_74 : memref<1x250x80xi32, #tpu.memory_space<hbm>> -> memref<250x80xi32, #tpu.memory_space<hbm>>
      tpu.enqueue_dma source(%dma_start3A_75 : memref<250x80xi32, #tpu.memory_space<hbm>>) target(%arg8 : memref<250x80xi32, #tpu.memory_space<vmem>>) target_semaphore(%run_scoped3A : memref<!tpu.dma_semaphore, #tpu.memory_space<semaphore_mem>>)
      %dma_wait3A_76 = arith.constant 0 : i32
      %dma_wait3A_77 = arith.constant 0 : i32
      %dma_wait3A_78 = tpu.memref_slice %arg3[%arg1, %dma_wait3A_76, %dma_wait3A_77] : memref<16x250x80xi32, #tpu.memory_space<hbm>> -> memref<1x250x80xi32, #tpu.memory_space<hbm>>
      %dma_wait3A_79 = tpu.memref_squeeze %dma_wait3A_78 : memref<1x250x80xi32, #tpu.memory_space<hbm>> -> memref<250x80xi32, #tpu.memory_space<hbm>>
      %dma_wait3A_80 = arith.constant 0 : i32
      %dma_wait3A_81 = arith.constant 0 : i32
      %dma_wait3A_82 = tpu.memref_slice %arg3[%arg1, %dma_wait3A_80, %dma_wait3A_81] : memref<16x250x80xi32, #tpu.memory_space<hbm>> -> memref<1x250x80xi32, #tpu.memory_space<hbm>>
      %dma_wait3A_83 = tpu.memref_squeeze %dma_wait3A_82 : memref<1x250x80xi32, #tpu.memory_space<hbm>> -> memref<250x80xi32, #tpu.memory_space<hbm>>
      tpu.wait_dma2 semaphore(%run_scoped3A : memref<!tpu.dma_semaphore, #tpu.memory_space<semaphore_mem>>) src(%dma_wait3A_83 : memref<250x80xi32, #tpu.memory_space<hbm>>) dst(%arg8 : memref<250x80xi32, #tpu.memory_space<vmem>>)
      tpu.yield
    }) : () -> ()
    "tpu.region"() ({
      %run_scoped3A = tpu.sem_alloc : memref<!tpu.dma_semaphore, #tpu.memory_space<semaphore_mem>>
      %dma_start3A_68 = arith.constant 0 : i32
      %dma_start3A_69 = arith.constant 0 : i32
      %dma_start3A_70 = tpu.memref_slice %arg4[%arg1, %dma_start3A_68, %dma_start3A_69] : memref<16x250x80xi32, #tpu.memory_space<hbm>> -> memref<1x250x80xi32, #tpu.memory_space<hbm>>
      %dma_start3A_71 = tpu.memref_squeeze %dma_start3A_70 : memref<1x250x80xi32, #tpu.memory_space<hbm>> -> memref<250x80xi32, #tpu.memory_space<hbm>>
      %dma_start3A_72 = arith.constant 0 : i32
      %dma_start3A_73 = arith.constant 0 : i32
      %dma_start3A_74 = tpu.memref_slice %arg4[%arg1, %dma_start3A_72, %dma_start3A_73] : memref<16x250x80xi32, #tpu.memory_space<hbm>> -> memref<1x250x80xi32, #tpu.memory_space<hbm>>
      %dma_start3A_75 = tpu.memref_squeeze %dma_start3A_74 : memref<1x250x80xi32, #tpu.memory_space<hbm>> -> memref<250x80xi32, #tpu.memory_space<hbm>>
      tpu.enqueue_dma source(%dma_start3A_75 : memref<250x80xi32, #tpu.memory_space<hbm>>) target(%arg7 : memref<250x80xi32, #tpu.memory_space<vmem>>) target_semaphore(%run_scoped3A : memref<!tpu.dma_semaphore, #tpu.memory_space<semaphore_mem>>)
      %dma_wait3A_76 = arith.constant 0 : i32
      %dma_wait3A_77 = arith.constant 0 : i32
      %dma_wait3A_78 = tpu.memref_slice %arg4[%arg1, %dma_wait3A_76, %dma_wait3A_77] : memref<16x250x80xi32, #tpu.memory_space<hbm>> -> memref<1x250x80xi32, #tpu.memory_space<hbm>>
      %dma_wait3A_79 = tpu.memref_squeeze %dma_wait3A_78 : memref<1x250x80xi32, #tpu.memory_space<hbm>> -> memref<250x80xi32, #tpu.memory_space<hbm>>
      %dma_wait3A_80 = arith.constant 0 : i32
      %dma_wait3A_81 = arith.constant 0 : i32
      %dma_wait3A_82 = tpu.memref_slice %arg4[%arg1, %dma_wait3A_80, %dma_wait3A_81] : memref<16x250x80xi32, #tpu.memory_space<hbm>> -> memref<1x250x80xi32, #tpu.memory_space<hbm>>
      %dma_wait3A_83 = tpu.memref_squeeze %dma_wait3A_82 : memref<1x250x80xi32, #tpu.memory_space<hbm>> -> memref<250x80xi32, #tpu.memory_space<hbm>>
      tpu.wait_dma2 semaphore(%run_scoped3A : memref<!tpu.dma_semaphore, #tpu.memory_space<semaphore_mem>>) src(%dma_wait3A_83 : memref<250x80xi32, #tpu.memory_space<hbm>>) dst(%arg7 : memref<250x80xi32, #tpu.memory_space<vmem>>)
      tpu.yield
    }) : () -> ()
    "tpu.region"() ({
      %run_scoped3A = tpu.sem_alloc : memref<!tpu.dma_semaphore, #tpu.memory_space<semaphore_mem>>
      %dma_start3A_68 = arith.constant 0 : i32
      %dma_start3A_69 = arith.constant 0 : i32
      %dma_start3A_70 = tpu.memref_slice %arg5[%arg1, %dma_start3A_68, %dma_start3A_69] : memref<16x250x80xf32, #tpu.memory_space<hbm>> -> memref<1x250x80xf32, #tpu.memory_space<hbm>>
      %dma_start3A_71 = tpu.memref_squeeze %dma_start3A_70 : memref<1x250x80xf32, #tpu.memory_space<hbm>> -> memref<250x80xf32, #tpu.memory_space<hbm>>
      %dma_start3A_72 = arith.constant 0 : i32
      %dma_start3A_73 = arith.constant 0 : i32
      %dma_start3A_74 = tpu.memref_slice %arg5[%arg1, %dma_start3A_72, %dma_start3A_73] : memref<16x250x80xf32, #tpu.memory_space<hbm>> -> memref<1x250x80xf32, #tpu.memory_space<hbm>>
      %dma_start3A_75 = tpu.memref_squeeze %dma_start3A_74 : memref<1x250x80xf32, #tpu.memory_space<hbm>> -> memref<250x80xf32, #tpu.memory_space<hbm>>
      tpu.enqueue_dma source(%dma_start3A_75 : memref<250x80xf32, #tpu.memory_space<hbm>>) target(%arg9 : memref<250x80xf32, #tpu.memory_space<vmem>>) target_semaphore(%run_scoped3A : memref<!tpu.dma_semaphore, #tpu.memory_space<semaphore_mem>>)
      %dma_wait3A_76 = arith.constant 0 : i32
      %dma_wait3A_77 = arith.constant 0 : i32
      %dma_wait3A_78 = tpu.memref_slice %arg5[%arg1, %dma_wait3A_76, %dma_wait3A_77] : memref<16x250x80xf32, #tpu.memory_space<hbm>> -> memref<1x250x80xf32, #tpu.memory_space<hbm>>
      %dma_wait3A_79 = tpu.memref_squeeze %dma_wait3A_78 : memref<1x250x80xf32, #tpu.memory_space<hbm>> -> memref<250x80xf32, #tpu.memory_space<hbm>>
      %dma_wait3A_80 = arith.constant 0 : i32
      %dma_wait3A_81 = arith.constant 0 : i32
      %dma_wait3A_82 = tpu.memref_slice %arg5[%arg1, %dma_wait3A_80, %dma_wait3A_81] : memref<16x250x80xf32, #tpu.memory_space<hbm>> -> memref<1x250x80xf32, #tpu.memory_space<hbm>>
      %dma_wait3A_83 = tpu.memref_squeeze %dma_wait3A_82 : memref<1x250x80xf32, #tpu.memory_space<hbm>> -> memref<250x80xf32, #tpu.memory_space<hbm>>
      tpu.wait_dma2 semaphore(%run_scoped3A : memref<!tpu.dma_semaphore, #tpu.memory_space<semaphore_mem>>) src(%dma_wait3A_83 : memref<250x80xf32, #tpu.memory_space<hbm>>) dst(%arg9 : memref<250x80xf32, #tpu.memory_space<vmem>>)
      tpu.yield
    }) : () -> ()
    %scan3A_12 = arith.constant 0 : i32
    %scan3A_13 = arith.constant 0 : i32
    %scan3A_14 = arith.constant 250 : i32
    %scan3A_15 = arith.addi %scan3A_13, %scan3A_14 : i32
    %scan3A_16 = arith.constant 1 : i32
    scf.for %scan3A_68 = %scan3A_13 to %scan3A_15 step %scan3A_16  : i32 {
      %get3A = arith.index_cast %scan3A_68 : i32 to index
      %get3A_69 = arith.constant 0 : index
      %get3A_70 = tpu.vector_load %arg7[%get3A, %get3A_69] {strides = array<i32>} : memref<250x80xi32, #tpu.memory_space<vmem>>, vector<16xi32>,
      %add3A = arith.addi %get3A_70, %get3A_70 : vector<16xi32>
      %add3A_71 = vector.broadcast %arg0 : i32 to vector<16xi32>
      %add3A_72 = arith.addi %add3A, %add3A_71 : vector<16xi32>
      %swap3A = arith.index_cast %scan3A_68 : i32 to index
      %swap3A_73 = arith.constant 0 : index
      %swap3A_74 = tpu.vector_load %arg7[%swap3A, %swap3A_73] {strides = array<i32>} : memref<250x80xi32, #tpu.memory_space<vmem>>, vector<16xi32>,
      tpu.vector_store %arg7[%swap3A, %swap3A_73], %add3A_72 {strides = array<i32>} : memref<250x80xi32, #tpu.memory_space<vmem>>, vector<16xi32>,
      %get3A_75 = arith.index_cast %scan3A_68 : i32 to index
      %get3A_76 = arith.constant 16 : index
      %get3A_77 = tpu.vector_load %arg7[%get3A_75, %get3A_76] {strides = array<i32>} : memref<250x80xi32, #tpu.memory_space<vmem>>, vector<16xi32>,
      %add3A_78 = arith.addi %get3A_77, %get3A_77 : vector<16xi32>
      %add3A_79 = vector.broadcast %arg0 : i32 to vector<16xi32>
      %add3A_80 = arith.addi %add3A_78, %add3A_79 : vector<16xi32>
      %swap3A_81 = arith.index_cast %scan3A_68 : i32 to index
      %swap3A_82 = arith.constant 16 : index
      %swap3A_83 = tpu.vector_load %arg7[%swap3A_81, %swap3A_82] {strides = array<i32>} : memref<250x80xi32, #tpu.memory_space<vmem>>, vector<16xi32>,
      tpu.vector_store %arg7[%swap3A_81, %swap3A_82], %add3A_80 {strides = array<i32>} : memref<250x80xi32, #tpu.memory_space<vmem>>, vector<16xi32>,
      %get3A_84 = arith.index_cast %scan3A_68 : i32 to index
      %get3A_85 = arith.constant 32 : index
      %get3A_86 = tpu.vector_load %arg7[%get3A_84, %get3A_85] {strides = array<i32>} : memref<250x80xi32, #tpu.memory_space<vmem>>, vector<16xi32>,
      %add3A_87 = arith.addi %get3A_86, %get3A_86 : vector<16xi32>
      %add3A_88 = vector.broadcast %arg0 : i32 to vector<16xi32>
      %add3A_89 = arith.addi %add3A_87, %add3A_88 : vector<16xi32>
      %swap3A_90 = arith.index_cast %scan3A_68 : i32 to index
      %swap3A_91 = arith.constant 32 : index
      %swap3A_92 = tpu.vector_load %arg7[%swap3A_90, %swap3A_91] {strides = array<i32>} : memref<250x80xi32, #tpu.memory_space<vmem>>, vector<16xi32>,
      tpu.vector_store %arg7[%swap3A_90, %swap3A_91], %add3A_89 {strides = array<i32>} : memref<250x80xi32, #tpu.memory_space<vmem>>, vector<16xi32>,
      %get3A_93 = arith.index_cast %scan3A_68 : i32 to index
      %get3A_94 = arith.constant 48 : index
      %get3A_95 = tpu.vector_load %arg7[%get3A_93, %get3A_94] {strides = array<i32>} : memref<250x80xi32, #tpu.memory_space<vmem>>, vector<16xi32>,
      %add3A_96 = arith.addi %get3A_95, %get3A_95 : vector<16xi32>
      %add3A_97 = vector.broadcast %arg0 : i32 to vector<16xi32>
      %add3A_98 = arith.addi %add3A_96, %add3A_97 : vector<16xi32>
      %swap3A_99 = arith.index_cast %scan3A_68 : i32 to index
      %swap3A_100 = arith.constant 48 : index
      %swap3A_101 = tpu.vector_load %arg7[%swap3A_99, %swap3A_100] {strides = array<i32>} : memref<250x80xi32, #tpu.memory_space<vmem>>, vector<16xi32>,
      tpu.vector_store %arg7[%swap3A_99, %swap3A_100], %add3A_98 {strides = array<i32>} : memref<250x80xi32, #tpu.memory_space<vmem>>, vector<16xi32>,
      %get3A_102 = arith.index_cast %scan3A_68 : i32 to index
      %get3A_103 = arith.constant 64 : index
      %get3A_104 = tpu.vector_load %arg7[%get3A_102, %get3A_103] {strides = array<i32>} : memref<250x80xi32, #tpu.memory_space<vmem>>, vector<16xi32>,
      %add3A_105 = arith.addi %get3A_104, %get3A_104 : vector<16xi32>
      %add3A_106 = vector.broadcast %arg0 : i32 to vector<16xi32>
      %add3A_107 = arith.addi %add3A_105, %add3A_106 : vector<16xi32>
      %swap3A_108 = arith.index_cast %scan3A_68 : i32 to index
      %swap3A_109 = arith.constant 64 : index
      %swap3A_110 = tpu.vector_load %arg7[%swap3A_108, %swap3A_109] {strides = array<i32>} : memref<250x80xi32, #tpu.memory_space<vmem>>, vector<16xi32>,
      tpu.vector_store %arg7[%swap3A_108, %swap3A_109], %add3A_107 {strides = array<i32>} : memref<250x80xi32, #tpu.memory_space<vmem>>, vector<16xi32>,
    }
    %scan3A_17 = arith.constant 250 : i32
    %barrier3A = arith.constant 0 : index
    tpu.barrier barrier_id(%barrier3A)
    %dma_start3A = arith.constant 0 : i32
    %dma_start3A_18 = arith.constant 0 : i32
    %dma_start3A_19 = tpu.memref_slice %arg7[%dma_start3A, %dma_start3A_18] : memref<250x80xi32, #tpu.memory_space<vmem>> -> memref<1x80xi32, #tpu.memory_space<vmem>>
    %dma_start3A_20 = tpu.memref_squeeze %dma_start3A_19 : memref<1x80xi32, #tpu.memory_space<vmem>> -> memref<80xi32, #tpu.memory_space<vmem>>
    %dma_start3A_21 = arith.constant 0 : i32
    %dma_start3A_22 = arith.constant 0 : i32
    %dma_start3A_23 = tpu.memref_slice %arg2[%dma_start3A_21, %dma_start3A_22] : memref<20000x64xf32, #tpu.memory_space<hbm>> -> memref<20000x64xf32, #tpu.memory_space<hbm>>
    tpu.enqueue_indirect_dma source(%dma_start3A_23 : memref<20000x64xf32, #tpu.memory_space<hbm>>) target(%arg10 : memref<80x64xf32, #tpu.memory_space<vmem>>) offsets(%dma_start3A_20 : memref<80xi32, #tpu.memory_space<vmem>>) semaphore(%arg16 : memref<!tpu.dma_semaphore, #tpu.memory_space<semaphore_mem>>)
    %dma_start3A_24 = arith.constant 1 : i32
    %dma_start3A_25 = arith.constant 0 : i32
    %dma_start3A_26 = tpu.memref_slice %arg7[%dma_start3A_24, %dma_start3A_25] : memref<250x80xi32, #tpu.memory_space<vmem>> -> memref<1x80xi32, #tpu.memory_space<vmem>>
    %dma_start3A_27 = tpu.memref_squeeze %dma_start3A_26 : memref<1x80xi32, #tpu.memory_space<vmem>> -> memref<80xi32, #tpu.memory_space<vmem>>
    %dma_start3A_28 = arith.constant 0 : i32
    %dma_start3A_29 = arith.constant 0 : i32
    %dma_start3A_30 = tpu.memref_slice %arg2[%dma_start3A_28, %dma_start3A_29] : memref<20000x64xf32, #tpu.memory_space<hbm>> -> memref<20000x64xf32, #tpu.memory_space<hbm>>
    tpu.enqueue_indirect_dma source(%dma_start3A_30 : memref<20000x64xf32, #tpu.memory_space<hbm>>) target(%arg11 : memref<80x64xf32, #tpu.memory_space<vmem>>) offsets(%dma_start3A_27 : memref<80xi32, #tpu.memory_space<vmem>>) semaphore(%arg17 : memref<!tpu.dma_semaphore, #tpu.memory_space<semaphore_mem>>)
    %dma_start3A_31 = arith.constant 2 : i32
    %dma_start3A_32 = arith.constant 0 : i32
    %dma_start3A_33 = tpu.memref_slice %arg7[%dma_start3A_31, %dma_start3A_32] : memref<250x80xi32, #tpu.memory_space<vmem>> -> memref<1x80xi32, #tpu.memory_space<vmem>>
    %dma_start3A_34 = tpu.memref_squeeze %dma_start3A_33 : memref<1x80xi32, #tpu.memory_space<vmem>> -> memref<80xi32, #tpu.memory_space<vmem>>
    %dma_start3A_35 = arith.constant 0 : i32
    %dma_start3A_36 = arith.constant 0 : i32
    %dma_start3A_37 = tpu.memref_slice %arg2[%dma_start3A_35, %dma_start3A_36] : memref<20000x64xf32, #tpu.memory_space<hbm>> -> memref<20000x64xf32, #tpu.memory_space<hbm>>
    tpu.enqueue_indirect_dma source(%dma_start3A_37 : memref<20000x64xf32, #tpu.memory_space<hbm>>) target(%arg12 : memref<80x64xf32, #tpu.memory_space<vmem>>) offsets(%dma_start3A_34 : memref<80xi32, #tpu.memory_space<vmem>>) semaphore(%arg18 : memref<!tpu.dma_semaphore, #tpu.memory_space<semaphore_mem>>)
    %scan3A_38 = arith.constant 0 : i32
    %scan3A_39 = arith.constant 0 : i32
    %scan3A_40 = arith.constant 50 : i32
    %scan3A_41 = arith.addi %scan3A_39, %scan3A_40 : i32
    %scan3A_42 = arith.constant 1 : i32
    scf.for %scan3A_68 = %scan3A_39 to %scan3A_41 step %scan3A_42  : i32 {
      %mul3A = arith.constant 5 : i32
      %mul3A_69 = arith.muli %mul3A, %scan3A_68 : i32
      %add3A = arith.constant 0 : i32
      %add3A_70 = arith.addi %mul3A_69, %add3A : i32
      %gt3A = arith.constant 0 : i32
      %gt3A_71 = arith.cmpi sgt, %scan3A_68, %gt3A : i32
      %convert_element_type3A_72 = arith.extui %gt3A_71 : i1 to i32
      %cond3A_73 = arith.constant 0 : i32
      %cond3A_74 = arith.cmpi ne, %convert_element_type3A_72, %cond3A_73 : i32
      scf.if %cond3A_74 {
        %sub3A_230 = arith.constant 2 : i32
        %sub3A_231 = arith.subi %add3A_70, %sub3A_230 : i32
        %dma_wait3A_232 = arith.constant 0 : i32
        %dma_wait3A_233 = tpu.memref_slice %arg8[%sub3A_231, %dma_wait3A_232] : memref<250x80xi32, #tpu.memory_space<vmem>> -> memref<1x80xi32, #tpu.memory_space<vmem>>
        %dma_wait3A_234 = tpu.memref_squeeze %dma_wait3A_233 : memref<1x80xi32, #tpu.memory_space<vmem>> -> memref<80xi32, #tpu.memory_space<vmem>>
        %dma_wait3A_235 = arith.constant 0 : i32
        %dma_wait3A_236 = arith.constant 0 : i32
        %dma_wait3A_237 = tpu.memref_slice %arg15[%dma_wait3A_235, %dma_wait3A_236] : memref<10000x64xf32, #tpu.memory_space<vmem_shared>> -> memref<10000x64xf32, #tpu.memory_space<vmem_shared>>
        tpu.wait_indirect_dma semaphore(%arg24 : memref<!tpu.dma_semaphore, #tpu.memory_space<semaphore_mem>>) src(%arg13 : memref<80x64xf32, #tpu.memory_space<vmem>>) dst(%dma_wait3A_237 : memref<10000x64xf32, #tpu.memory_space<vmem_shared>>)
      } else {
      }
      %add3A_75 = arith.constant 3 : i32
      %add3A_76 = arith.addi %add3A_70, %add3A_75 : i32
      %dma_start3A_77 = arith.constant 0 : i32
      %dma_start3A_78 = tpu.memref_slice %arg7[%add3A_76, %dma_start3A_77] : memref<250x80xi32, #tpu.memory_space<vmem>> -> memref<1x80xi32, #tpu.memory_space<vmem>>
      %dma_start3A_79 = tpu.memref_squeeze %dma_start3A_78 : memref<1x80xi32, #tpu.memory_space<vmem>> -> memref<80xi32, #tpu.memory_space<vmem>>
      %dma_start3A_80 = arith.constant 0 : i32
      %dma_start3A_81 = arith.constant 0 : i32
      %dma_start3A_82 = tpu.memref_slice %arg2[%dma_start3A_80, %dma_start3A_81] : memref<20000x64xf32, #tpu.memory_space<hbm>> -> memref<20000x64xf32, #tpu.memory_space<hbm>>
      tpu.enqueue_indirect_dma source(%dma_start3A_82 : memref<20000x64xf32, #tpu.memory_space<hbm>>) target(%arg13 : memref<80x64xf32, #tpu.memory_space<vmem>>) offsets(%dma_start3A_79 : memref<80xi32, #tpu.memory_space<vmem>>) semaphore(%arg19 : memref<!tpu.dma_semaphore, #tpu.memory_space<semaphore_mem>>)
      %dma_wait3A_83 = arith.constant 0 : i32
      %dma_wait3A_84 = tpu.memref_slice %arg7[%add3A_70, %dma_wait3A_83] : memref<250x80xi32, #tpu.memory_space<vmem>> -> memref<1x80xi32, #tpu.memory_space<vmem>>
      %dma_wait3A_85 = tpu.memref_squeeze %dma_wait3A_84 : memref<1x80xi32, #tpu.memory_space<vmem>> -> memref<80xi32, #tpu.memory_space<vmem>>
      %dma_wait3A_86 = arith.constant 0 : i32
      %dma_wait3A_87 = arith.constant 0 : i32
      %dma_wait3A_88 = tpu.memref_slice %arg2[%dma_wait3A_86, %dma_wait3A_87] : memref<20000x64xf32, #tpu.memory_space<hbm>> -> memref<20000x64xf32, #tpu.memory_space<hbm>>
      tpu.wait_indirect_dma semaphore(%arg16 : memref<!tpu.dma_semaphore, #tpu.memory_space<semaphore_mem>>) src(%dma_wait3A_88 : memref<20000x64xf32, #tpu.memory_space<hbm>>) dst(%arg10 : memref<80x64xf32, #tpu.memory_space<vmem>>)
      %parallel_loop3A = arith.constant 0 : i32
      %parallel_loop3A_89 = arith.constant 80 : i32
      %parallel_loop3A_90 = arith.constant 1 : i32
      scf.for %parallel_loop3A_230 = %parallel_loop3A to %parallel_loop3A_89 step %parallel_loop3A_90  : i32 {
        %parallel_loop3A_231 = vector.broadcast %add3A_70 : i32 to vector<16xi32>
        %parallel_loop3A_232 = vector.broadcast %parallel_loop3A_230 : i32 to vector<16xi32>
        %parallel_loop3A_233 = tpu.vector_load_idx %arg9[%parallel_loop3A_231, %parallel_loop3A_232] : memref<250x80xf32, #tpu.memory_space<vmem>>[vector<16xi32>, vector<16xi32>], vector<16xf32>,
        %parallel_loop3A_234 = arith.index_cast %parallel_loop3A_230 : i32 to index
        %parallel_loop3A_235 = arith.constant 0 : index
        %parallel_loop3A_236 = tpu.vector_load %arg10[%parallel_loop3A_234, %parallel_loop3A_235] {strides = array<i32>} : memref<80x64xf32, #tpu.memory_space<vmem>>, vector<16xf32>,
        %parallel_loop3A_237 = arith.mulf %parallel_loop3A_236, %parallel_loop3A_233 : vector<16xf32>
        %parallel_loop3A_238 = arith.index_cast %parallel_loop3A_230 : i32 to index
        %parallel_loop3A_239 = arith.constant 0 : index
        %parallel_loop3A_240 = tpu.vector_load %arg10[%parallel_loop3A_238, %parallel_loop3A_239] {strides = array<i32>} : memref<80x64xf32, #tpu.memory_space<vmem>>, vector<16xf32>,
        tpu.vector_store %arg10[%parallel_loop3A_238, %parallel_loop3A_239], %parallel_loop3A_237 {strides = array<i32>} : memref<80x64xf32, #tpu.memory_space<vmem>>, vector<16xf32>,
        %parallel_loop3A_241 = arith.index_cast %parallel_loop3A_230 : i32 to index
        %parallel_loop3A_242 = arith.constant 16 : index
        %parallel_loop3A_243 = tpu.vector_load %arg10[%parallel_loop3A_241, %parallel_loop3A_242] {strides = array<i32>} : memref<80x64xf32, #tpu.memory_space<vmem>>, vector<16xf32>,
        %parallel_loop3A_244 = arith.mulf %parallel_loop3A_243, %parallel_loop3A_233 : vector<16xf32>
        %parallel_loop3A_245 = arith.index_cast %parallel_loop3A_230 : i32 to index
        %parallel_loop3A_246 = arith.constant 16 : index
        %parallel_loop3A_247 = tpu.vector_load %arg10[%parallel_loop3A_245, %parallel_loop3A_246] {strides = array<i32>} : memref<80x64xf32, #tpu.memory_space<vmem>>, vector<16xf32>,
        tpu.vector_store %arg10[%parallel_loop3A_245, %parallel_loop3A_246], %parallel_loop3A_244 {strides = array<i32>} : memref<80x64xf32, #tpu.memory_space<vmem>>, vector<16xf32>,
        %parallel_loop3A_248 = arith.index_cast %parallel_loop3A_230 : i32 to index
        %parallel_loop3A_249 = arith.constant 32 : index
        %parallel_loop3A_250 = tpu.vector_load %arg10[%parallel_loop3A_248, %parallel_loop3A_249] {strides = array<i32>} : memref<80x64xf32, #tpu.memory_space<vmem>>, vector<16xf32>,
        %parallel_loop3A_251 = arith.mulf %parallel_loop3A_250, %parallel_loop3A_233 : vector<16xf32>
        %parallel_loop3A_252 = arith.index_cast %parallel_loop3A_230 : i32 to index
        %parallel_loop3A_253 = arith.constant 32 : index
        %parallel_loop3A_254 = tpu.vector_load %arg10[%parallel_loop3A_252, %parallel_loop3A_253] {strides = array<i32>} : memref<80x64xf32, #tpu.memory_space<vmem>>, vector<16xf32>,
        tpu.vector_store %arg10[%parallel_loop3A_252, %parallel_loop3A_253], %parallel_loop3A_251 {strides = array<i32>} : memref<80x64xf32, #tpu.memory_space<vmem>>, vector<16xf32>,
        %parallel_loop3A_255 = arith.index_cast %parallel_loop3A_230 : i32 to index
        %parallel_loop3A_256 = arith.constant 48 : index
        %parallel_loop3A_257 = tpu.vector_load %arg10[%parallel_loop3A_255, %parallel_loop3A_256] {strides = array<i32>} : memref<80x64xf32, #tpu.memory_space<vmem>>, vector<16xf32>,
        %parallel_loop3A_258 = arith.mulf %parallel_loop3A_257, %parallel_loop3A_233 : vector<16xf32>
        %parallel_loop3A_259 = arith.index_cast %parallel_loop3A_230 : i32 to index
        %parallel_loop3A_260 = arith.constant 48 : index
        %parallel_loop3A_261 = tpu.vector_load %arg10[%parallel_loop3A_259, %parallel_loop3A_260] {strides = array<i32>} : memref<80x64xf32, #tpu.memory_space<vmem>>, vector<16xf32>,
        tpu.vector_store %arg10[%parallel_loop3A_259, %parallel_loop3A_260], %parallel_loop3A_258 {strides = array<i32>} : memref<80x64xf32, #tpu.memory_space<vmem>>, vector<16xf32>,
      } {sc.loop_unroll_factor = 8 : i64, sc.parallel_access}
      %dma_start3A_91 = arith.constant 0 : i32
      %dma_start3A_92 = tpu.memref_slice %arg8[%add3A_70, %dma_start3A_91] : memref<250x80xi32, #tpu.memory_space<vmem>> -> memref<1x80xi32, #tpu.memory_space<vmem>>
      %dma_start3A_93 = tpu.memref_squeeze %dma_start3A_92 : memref<1x80xi32, #tpu.memory_space<vmem>> -> memref<80xi32, #tpu.memory_space<vmem>>
      %dma_start3A_94 = arith.constant 0 : i32
      %dma_start3A_95 = arith.constant 0 : i32
      %dma_start3A_96 = tpu.memref_slice %arg15[%dma_start3A_94, %dma_start3A_95] : memref<10000x64xf32, #tpu.memory_space<vmem_shared>> -> memref<10000x64xf32, #tpu.memory_space<vmem_shared>>
      tpu.enqueue_indirect_dma source(%arg10 : memref<80x64xf32, #tpu.memory_space<vmem>>) target(%dma_start3A_96 : memref<10000x64xf32, #tpu.memory_space<vmem_shared>>) offsets(%dma_start3A_93 : memref<80xi32, #tpu.memory_space<vmem>>) semaphore(%arg21 : memref<!tpu.dma_semaphore, #tpu.memory_space<semaphore_mem>>) {add = true}
      %mul3A_97 = arith.constant 5 : i32
      %mul3A_98 = arith.muli %mul3A_97, %scan3A_68 : i32
      %add3A_99 = arith.constant 1 : i32
      %add3A_100 = arith.addi %mul3A_98, %add3A_99 : i32
      %gt3A_101 = arith.constant 0 : i32
      %gt3A_102 = arith.cmpi sgt, %scan3A_68, %gt3A_101 : i32
      %convert_element_type3A_103 = arith.extui %gt3A_102 : i1 to i32
      %cond3A_104 = arith.constant 0 : i32
      %cond3A_105 = arith.cmpi ne, %convert_element_type3A_103, %cond3A_104 : i32
      scf.if %cond3A_105 {
        %sub3A_230 = arith.constant 2 : i32
        %sub3A_231 = arith.subi %add3A_100, %sub3A_230 : i32
        %dma_wait3A_232 = arith.constant 0 : i32
        %dma_wait3A_233 = tpu.memref_slice %arg8[%sub3A_231, %dma_wait3A_232] : memref<250x80xi32, #tpu.memory_space<vmem>> -> memref<1x80xi32, #tpu.memory_space<vmem>>
        %dma_wait3A_234 = tpu.memref_squeeze %dma_wait3A_233 : memref<1x80xi32, #tpu.memory_space<vmem>> -> memref<80xi32, #tpu.memory_space<vmem>>
        %dma_wait3A_235 = arith.constant 0 : i32
        %dma_wait3A_236 = arith.constant 0 : i32
        %dma_wait3A_237 = tpu.memref_slice %arg15[%dma_wait3A_235, %dma_wait3A_236] : memref<10000x64xf32, #tpu.memory_space<vmem_shared>> -> memref<10000x64xf32, #tpu.memory_space<vmem_shared>>
        tpu.wait_indirect_dma semaphore(%arg25 : memref<!tpu.dma_semaphore, #tpu.memory_space<semaphore_mem>>) src(%arg14 : memref<80x64xf32, #tpu.memory_space<vmem>>) dst(%dma_wait3A_237 : memref<10000x64xf32, #tpu.memory_space<vmem_shared>>)
      } else {
      }
      %add3A_106 = arith.constant 3 : i32
      %add3A_107 = arith.addi %add3A_100, %add3A_106 : i32
      %dma_start3A_108 = arith.constant 0 : i32
      %dma_start3A_109 = tpu.memref_slice %arg7[%add3A_107, %dma_start3A_108] : memref<250x80xi32, #tpu.memory_space<vmem>> -> memref<1x80xi32, #tpu.memory_space<vmem>>
      %dma_start3A_110 = tpu.memref_squeeze %dma_start3A_109 : memref<1x80xi32, #tpu.memory_space<vmem>> -> memref<80xi32, #tpu.memory_space<vmem>>
      %dma_start3A_111 = arith.constant 0 : i32
      %dma_start3A_112 = arith.constant 0 : i32
      %dma_start3A_113 = tpu.memref_slice %arg2[%dma_start3A_111, %dma_start3A_112] : memref<20000x64xf32, #tpu.memory_space<hbm>> -> memref<20000x64xf32, #tpu.memory_space<hbm>>
      tpu.enqueue_indirect_dma source(%dma_start3A_113 : memref<20000x64xf32, #tpu.memory_space<hbm>>) target(%arg14 : memref<80x64xf32, #tpu.memory_space<vmem>>) offsets(%dma_start3A_110 : memref<80xi32, #tpu.memory_space<vmem>>) semaphore(%arg20 : memref<!tpu.dma_semaphore, #tpu.memory_space<semaphore_mem>>)
      %dma_wait3A_114 = arith.constant 0 : i32
      %dma_wait3A_115 = tpu.memref_slice %arg7[%add3A_100, %dma_wait3A_114] : memref<250x80xi32, #tpu.memory_space<vmem>> -> memref<1x80xi32, #tpu.memory_space<vmem>>
      %dma_wait3A_116 = tpu.memref_squeeze %dma_wait3A_115 : memref<1x80xi32, #tpu.memory_space<vmem>> -> memref<80xi32, #tpu.memory_space<vmem>>
      %dma_wait3A_117 = arith.constant 0 : i32
      %dma_wait3A_118 = arith.constant 0 : i32
      %dma_wait3A_119 = tpu.memref_slice %arg2[%dma_wait3A_117, %dma_wait3A_118] : memref<20000x64xf32, #tpu.memory_space<hbm>> -> memref<20000x64xf32, #tpu.memory_space<hbm>>
      tpu.wait_indirect_dma semaphore(%arg17 : memref<!tpu.dma_semaphore, #tpu.memory_space<semaphore_mem>>) src(%dma_wait3A_119 : memref<20000x64xf32, #tpu.memory_space<hbm>>) dst(%arg11 : memref<80x64xf32, #tpu.memory_space<vmem>>)
      %parallel_loop3A_120 = arith.constant 0 : i32
      %parallel_loop3A_121 = arith.constant 80 : i32
      %parallel_loop3A_122 = arith.constant 1 : i32
      scf.for %parallel_loop3A_230 = %parallel_loop3A_120 to %parallel_loop3A_121 step %parallel_loop3A_122  : i32 {
        %parallel_loop3A_231 = vector.broadcast %add3A_100 : i32 to vector<16xi32>
        %parallel_loop3A_232 = vector.broadcast %parallel_loop3A_230 : i32 to vector<16xi32>
        %parallel_loop3A_233 = tpu.vector_load_idx %arg9[%parallel_loop3A_231, %parallel_loop3A_232] : memref<250x80xf32, #tpu.memory_space<vmem>>[vector<16xi32>, vector<16xi32>], vector<16xf32>,
        %parallel_loop3A_234 = arith.index_cast %parallel_loop3A_230 : i32 to index
        %parallel_loop3A_235 = arith.constant 0 : index
        %parallel_loop3A_236 = tpu.vector_load %arg11[%parallel_loop3A_234, %parallel_loop3A_235] {strides = array<i32>} : memref<80x64xf32, #tpu.memory_space<vmem>>, vector<16xf32>,
        %parallel_loop3A_237 = arith.mulf %parallel_loop3A_236, %parallel_loop3A_233 : vector<16xf32>
        %parallel_loop3A_238 = arith.index_cast %parallel_loop3A_230 : i32 to index
        %parallel_loop3A_239 = arith.constant 0 : index
        %parallel_loop3A_240 = tpu.vector_load %arg11[%parallel_loop3A_238, %parallel_loop3A_239] {strides = array<i32>} : memref<80x64xf32, #tpu.memory_space<vmem>>, vector<16xf32>,
        tpu.vector_store %arg11[%parallel_loop3A_238, %parallel_loop3A_239], %parallel_loop3A_237 {strides = array<i32>} : memref<80x64xf32, #tpu.memory_space<vmem>>, vector<16xf32>,
        %parallel_loop3A_241 = arith.index_cast %parallel_loop3A_230 : i32 to index
        %parallel_loop3A_242 = arith.constant 16 : index
        %parallel_loop3A_243 = tpu.vector_load %arg11[%parallel_loop3A_241, %parallel_loop3A_242] {strides = array<i32>} : memref<80x64xf32, #tpu.memory_space<vmem>>, vector<16xf32>,
        %parallel_loop3A_244 = arith.mulf %parallel_loop3A_243, %parallel_loop3A_233 : vector<16xf32>
        %parallel_loop3A_245 = arith.index_cast %parallel_loop3A_230 : i32 to index
        %parallel_loop3A_246 = arith.constant 16 : index
        %parallel_loop3A_247 = tpu.vector_load %arg11[%parallel_loop3A_245, %parallel_loop3A_246] {strides = array<i32>} : memref<80x64xf32, #tpu.memory_space<vmem>>, vector<16xf32>,
        tpu.vector_store %arg11[%parallel_loop3A_245, %parallel_loop3A_246], %parallel_loop3A_244 {strides = array<i32>} : memref<80x64xf32, #tpu.memory_space<vmem>>, vector<16xf32>,
        %parallel_loop3A_248 = arith.index_cast %parallel_loop3A_230 : i32 to index
        %parallel_loop3A_249 = arith.constant 32 : index
        %parallel_loop3A_250 = tpu.vector_load %arg11[%parallel_loop3A_248, %parallel_loop3A_249] {strides = array<i32>} : memref<80x64xf32, #tpu.memory_space<vmem>>, vector<16xf32>,
        %parallel_loop3A_251 = arith.mulf %parallel_loop3A_250, %parallel_loop3A_233 : vector<16xf32>
        %parallel_loop3A_252 = arith.index_cast %parallel_loop3A_230 : i32 to index
        %parallel_loop3A_253 = arith.constant 32 : index
        %parallel_loop3A_254 = tpu.vector_load %arg11[%parallel_loop3A_252, %parallel_loop3A_253] {strides = array<i32>} : memref<80x64xf32, #tpu.memory_space<vmem>>, vector<16xf32>,
        tpu.vector_store %arg11[%parallel_loop3A_252, %parallel_loop3A_253], %parallel_loop3A_251 {strides = array<i32>} : memref<80x64xf32, #tpu.memory_space<vmem>>, vector<16xf32>,
        %parallel_loop3A_255 = arith.index_cast %parallel_loop3A_230 : i32 to index
        %parallel_loop3A_256 = arith.constant 48 : index
        %parallel_loop3A_257 = tpu.vector_load %arg11[%parallel_loop3A_255, %parallel_loop3A_256] {strides = array<i32>} : memref<80x64xf32, #tpu.memory_space<vmem>>, vector<16xf32>,
        %parallel_loop3A_258 = arith.mulf %parallel_loop3A_257, %parallel_loop3A_233 : vector<16xf32>
        %parallel_loop3A_259 = arith.index_cast %parallel_loop3A_230 : i32 to index
        %parallel_loop3A_260 = arith.constant 48 : index
        %parallel_loop3A_261 = tpu.vector_load %arg11[%parallel_loop3A_259, %parallel_loop3A_260] {strides = array<i32>} : memref<80x64xf32, #tpu.memory_space<vmem>>, vector<16xf32>,
        tpu.vector_store %arg11[%parallel_loop3A_259, %parallel_loop3A_260], %parallel_loop3A_258 {strides = array<i32>} : memref<80x64xf32, #tpu.memory_space<vmem>>, vector<16xf32>,
      } {sc.loop_unroll_factor = 8 : i64, sc.parallel_access}
      %dma_start3A_123 = arith.constant 0 : i32
      %dma_start3A_124 = tpu.memref_slice %arg8[%add3A_100, %dma_start3A_123] : memref<250x80xi32, #tpu.memory_space<vmem>> -> memref<1x80xi32, #tpu.memory_space<vmem>>
      %dma_start3A_125 = tpu.memref_squeeze %dma_start3A_124 : memref<1x80xi32, #tpu.memory_space<vmem>> -> memref<80xi32, #tpu.memory_space<vmem>>
      %dma_start3A_126 = arith.constant 0 : i32
      %dma_start3A_127 = arith.constant 0 : i32
      %dma_start3A_128 = tpu.memref_slice %arg15[%dma_start3A_126, %dma_start3A_127] : memref<10000x64xf32, #tpu.memory_space<vmem_shared>> -> memref<10000x64xf32, #tpu.memory_space<vmem_shared>>
      tpu.enqueue_indirect_dma source(%arg11 : memref<80x64xf32, #tpu.memory_space<vmem>>) target(%dma_start3A_128 : memref<10000x64xf32, #tpu.memory_space<vmem_shared>>) offsets(%dma_start3A_125 : memref<80xi32, #tpu.memory_space<vmem>>) semaphore(%arg22 : memref<!tpu.dma_semaphore, #tpu.memory_space<semaphore_mem>>) {add = true}
      %mul3A_129 = arith.constant 5 : i32
      %mul3A_130 = arith.muli %mul3A_129, %scan3A_68 : i32
      %add3A_131 = arith.constant 2 : i32
      %add3A_132 = arith.addi %mul3A_130, %add3A_131 : i32
      %sub3A = arith.constant 2 : i32
      %sub3A_133 = arith.subi %add3A_132, %sub3A : i32
      %dma_wait3A_134 = arith.constant 0 : i32
      %dma_wait3A_135 = tpu.memref_slice %arg8[%sub3A_133, %dma_wait3A_134] : memref<250x80xi32, #tpu.memory_space<vmem>> -> memref<1x80xi32, #tpu.memory_space<vmem>>
      %dma_wait3A_136 = tpu.memref_squeeze %dma_wait3A_135 : memref<1x80xi32, #tpu.memory_space<vmem>> -> memref<80xi32, #tpu.memory_space<vmem>>
      %dma_wait3A_137 = arith.constant 0 : i32
      %dma_wait3A_138 = arith.constant 0 : i32
      %dma_wait3A_139 = tpu.memref_slice %arg15[%dma_wait3A_137, %dma_wait3A_138] : memref<10000x64xf32, #tpu.memory_space<vmem_shared>> -> memref<10000x64xf32, #tpu.memory_space<vmem_shared>>
      tpu.wait_indirect_dma semaphore(%arg21 : memref<!tpu.dma_semaphore, #tpu.memory_space<semaphore_mem>>) src(%arg10 : memref<80x64xf32, #tpu.memory_space<vmem>>) dst(%dma_wait3A_139 : memref<10000x64xf32, #tpu.memory_space<vmem_shared>>)
      %add3A_140 = arith.constant 3 : i32
      %add3A_141 = arith.addi %add3A_132, %add3A_140 : i32
      %lt3A_142 = arith.constant 250 : i32
      %lt3A_143 = arith.cmpi slt, %add3A_141, %lt3A_142 : i32
      %convert_element_type3A_144 = arith.extui %lt3A_143 : i1 to i32
      %cond3A_145 = arith.constant 0 : i32
      %cond3A_146 = arith.cmpi ne, %convert_element_type3A_144, %cond3A_145 : i32
      scf.if %cond3A_146 {
        %add3A_230 = arith.constant 3 : i32
        %add3A_231 = arith.addi %add3A_132, %add3A_230 : i32
        %dma_start3A_232 = arith.constant 0 : i32
        %dma_start3A_233 = tpu.memref_slice %arg7[%add3A_231, %dma_start3A_232] : memref<250x80xi32, #tpu.memory_space<vmem>> -> memref<1x80xi32, #tpu.memory_space<vmem>>
        %dma_start3A_234 = tpu.memref_squeeze %dma_start3A_233 : memref<1x80xi32, #tpu.memory_space<vmem>> -> memref<80xi32, #tpu.memory_space<vmem>>
        %dma_start3A_235 = arith.constant 0 : i32
        %dma_start3A_236 = arith.constant 0 : i32
        %dma_start3A_237 = tpu.memref_slice %arg2[%dma_start3A_235, %dma_start3A_236] : memref<20000x64xf32, #tpu.memory_space<hbm>> -> memref<20000x64xf32, #tpu.memory_space<hbm>>
        tpu.enqueue_indirect_dma source(%dma_start3A_237 : memref<20000x64xf32, #tpu.memory_space<hbm>>) target(%arg10 : memref<80x64xf32, #tpu.memory_space<vmem>>) offsets(%dma_start3A_234 : memref<80xi32, #tpu.memory_space<vmem>>) semaphore(%arg16 : memref<!tpu.dma_semaphore, #tpu.memory_space<semaphore_mem>>)
      } else {
      }
      %dma_wait3A_147 = arith.constant 0 : i32
      %dma_wait3A_148 = tpu.memref_slice %arg7[%add3A_132, %dma_wait3A_147] : memref<250x80xi32, #tpu.memory_space<vmem>> -> memref<1x80xi32, #tpu.memory_space<vmem>>
      %dma_wait3A_149 = tpu.memref_squeeze %dma_wait3A_148 : memref<1x80xi32, #tpu.memory_space<vmem>> -> memref<80xi32, #tpu.memory_space<vmem>>
      %dma_wait3A_150 = arith.constant 0 : i32
      %dma_wait3A_151 = arith.constant 0 : i32
      %dma_wait3A_152 = tpu.memref_slice %arg2[%dma_wait3A_150, %dma_wait3A_151] : memref<20000x64xf32, #tpu.memory_space<hbm>> -> memref<20000x64xf32, #tpu.memory_space<hbm>>
      tpu.wait_indirect_dma semaphore(%arg18 : memref<!tpu.dma_semaphore, #tpu.memory_space<semaphore_mem>>) src(%dma_wait3A_152 : memref<20000x64xf32, #tpu.memory_space<hbm>>) dst(%arg12 : memref<80x64xf32, #tpu.memory_space<vmem>>)
      %parallel_loop3A_153 = arith.constant 0 : i32
      %parallel_loop3A_154 = arith.constant 80 : i32
      %parallel_loop3A_155 = arith.constant 1 : i32
      scf.for %parallel_loop3A_230 = %parallel_loop3A_153 to %parallel_loop3A_154 step %parallel_loop3A_155  : i32 {
        %parallel_loop3A_231 = vector.broadcast %add3A_132 : i32 to vector<16xi32>
        %parallel_loop3A_232 = vector.broadcast %parallel_loop3A_230 : i32 to vector<16xi32>
        %parallel_loop3A_233 = tpu.vector_load_idx %arg9[%parallel_loop3A_231, %parallel_loop3A_232] : memref<250x80xf32, #tpu.memory_space<vmem>>[vector<16xi32>, vector<16xi32>], vector<16xf32>,
        %parallel_loop3A_234 = arith.index_cast %parallel_loop3A_230 : i32 to index
        %parallel_loop3A_235 = arith.constant 0 : index
        %parallel_loop3A_236 = tpu.vector_load %arg12[%parallel_loop3A_234, %parallel_loop3A_235] {strides = array<i32>} : memref<80x64xf32, #tpu.memory_space<vmem>>, vector<16xf32>,
        %parallel_loop3A_237 = arith.mulf %parallel_loop3A_236, %parallel_loop3A_233 : vector<16xf32>
        %parallel_loop3A_238 = arith.index_cast %parallel_loop3A_230 : i32 to index
        %parallel_loop3A_239 = arith.constant 0 : index
        %parallel_loop3A_240 = tpu.vector_load %arg12[%parallel_loop3A_238, %parallel_loop3A_239] {strides = array<i32>} : memref<80x64xf32, #tpu.memory_space<vmem>>, vector<16xf32>,
        tpu.vector_store %arg12[%parallel_loop3A_238, %parallel_loop3A_239], %parallel_loop3A_237 {strides = array<i32>} : memref<80x64xf32, #tpu.memory_space<vmem>>, vector<16xf32>,
        %parallel_loop3A_241 = arith.index_cast %parallel_loop3A_230 : i32 to index
        %parallel_loop3A_242 = arith.constant 16 : index
        %parallel_loop3A_243 = tpu.vector_load %arg12[%parallel_loop3A_241, %parallel_loop3A_242] {strides = array<i32>} : memref<80x64xf32, #tpu.memory_space<vmem>>, vector<16xf32>,
        %parallel_loop3A_244 = arith.mulf %parallel_loop3A_243, %parallel_loop3A_233 : vector<16xf32>
        %parallel_loop3A_245 = arith.index_cast %parallel_loop3A_230 : i32 to index
        %parallel_loop3A_246 = arith.constant 16 : index
        %parallel_loop3A_247 = tpu.vector_load %arg12[%parallel_loop3A_245, %parallel_loop3A_246] {strides = array<i32>} : memref<80x64xf32, #tpu.memory_space<vmem>>, vector<16xf32>,
        tpu.vector_store %arg12[%parallel_loop3A_245, %parallel_loop3A_246], %parallel_loop3A_244 {strides = array<i32>} : memref<80x64xf32, #tpu.memory_space<vmem>>, vector<16xf32>,
        %parallel_loop3A_248 = arith.index_cast %parallel_loop3A_230 : i32 to index
        %parallel_loop3A_249 = arith.constant 32 : index
        %parallel_loop3A_250 = tpu.vector_load %arg12[%parallel_loop3A_248, %parallel_loop3A_249] {strides = array<i32>} : memref<80x64xf32, #tpu.memory_space<vmem>>, vector<16xf32>,
        %parallel_loop3A_251 = arith.mulf %parallel_loop3A_250, %parallel_loop3A_233 : vector<16xf32>
        %parallel_loop3A_252 = arith.index_cast %parallel_loop3A_230 : i32 to index
        %parallel_loop3A_253 = arith.constant 32 : index
        %parallel_loop3A_254 = tpu.vector_load %arg12[%parallel_loop3A_252, %parallel_loop3A_253] {strides = array<i32>} : memref<80x64xf32, #tpu.memory_space<vmem>>, vector<16xf32>,
        tpu.vector_store %arg12[%parallel_loop3A_252, %parallel_loop3A_253], %parallel_loop3A_251 {strides = array<i32>} : memref<80x64xf32, #tpu.memory_space<vmem>>, vector<16xf32>,
        %parallel_loop3A_255 = arith.index_cast %parallel_loop3A_230 : i32 to index
        %parallel_loop3A_256 = arith.constant 48 : index
        %parallel_loop3A_257 = tpu.vector_load %arg12[%parallel_loop3A_255, %parallel_loop3A_256] {strides = array<i32>} : memref<80x64xf32, #tpu.memory_space<vmem>>, vector<16xf32>,
        %parallel_loop3A_258 = arith.mulf %parallel_loop3A_257, %parallel_loop3A_233 : vector<16xf32>
        %parallel_loop3A_259 = arith.index_cast %parallel_loop3A_230 : i32 to index
        %parallel_loop3A_260 = arith.constant 48 : index
        %parallel_loop3A_261 = tpu.vector_load %arg12[%parallel_loop3A_259, %parallel_loop3A_260] {strides = array<i32>} : memref<80x64xf32, #tpu.memory_space<vmem>>, vector<16xf32>,
        tpu.vector_store %arg12[%parallel_loop3A_259, %parallel_loop3A_260], %parallel_loop3A_258 {strides = array<i32>} : memref<80x64xf32, #tpu.memory_space<vmem>>, vector<16xf32>,
      } {sc.loop_unroll_factor = 8 : i64, sc.parallel_access}
      %dma_start3A_156 = arith.constant 0 : i32
      %dma_start3A_157 = tpu.memref_slice %arg8[%add3A_132, %dma_start3A_156] : memref<250x80xi32, #tpu.memory_space<vmem>> -> memref<1x80xi32, #tpu.memory_space<vmem>>
      %dma_start3A_158 = tpu.memref_squeeze %dma_start3A_157 : memref<1x80xi32, #tpu.memory_space<vmem>> -> memref<80xi32, #tpu.memory_space<vmem>>
      %dma_start3A_159 = arith.constant 0 : i32
      %dma_start3A_160 = arith.constant 0 : i32
      %dma_start3A_161 = tpu.memref_slice %arg15[%dma_start3A_159, %dma_start3A_160] : memref<10000x64xf32, #tpu.memory_space<vmem_shared>> -> memref<10000x64xf32, #tpu.memory_space<vmem_shared>>
      tpu.enqueue_indirect_dma source(%arg12 : memref<80x64xf32, #tpu.memory_space<vmem>>) target(%dma_start3A_161 : memref<10000x64xf32, #tpu.memory_space<vmem_shared>>) offsets(%dma_start3A_158 : memref<80xi32, #tpu.memory_space<vmem>>) semaphore(%arg23 : memref<!tpu.dma_semaphore, #tpu.memory_space<semaphore_mem>>) {add = true}
      %mul3A_162 = arith.constant 5 : i32
      %mul3A_163 = arith.muli %mul3A_162, %scan3A_68 : i32
      %add3A_164 = arith.constant 3 : i32
      %add3A_165 = arith.addi %mul3A_163, %add3A_164 : i32
      %sub3A_166 = arith.constant 2 : i32
      %sub3A_167 = arith.subi %add3A_165, %sub3A_166 : i32
      %dma_wait3A_168 = arith.constant 0 : i32
      %dma_wait3A_169 = tpu.memref_slice %arg8[%sub3A_167, %dma_wait3A_168] : memref<250x80xi32, #tpu.memory_space<vmem>> -> memref<1x80xi32, #tpu.memory_space<vmem>>
      %dma_wait3A_170 = tpu.memref_squeeze %dma_wait3A_169 : memref<1x80xi32, #tpu.memory_space<vmem>> -> memref<80xi32, #tpu.memory_space<vmem>>
      %dma_wait3A_171 = arith.constant 0 : i32
      %dma_wait3A_172 = arith.constant 0 : i32
      %dma_wait3A_173 = tpu.memref_slice %arg15[%dma_wait3A_171, %dma_wait3A_172] : memref<10000x64xf32, #tpu.memory_space<vmem_shared>> -> memref<10000x64xf32, #tpu.memory_space<vmem_shared>>
      tpu.wait_indirect_dma semaphore(%arg22 : memref<!tpu.dma_semaphore, #tpu.memory_space<semaphore_mem>>) src(%arg11 : memref<80x64xf32, #tpu.memory_space<vmem>>) dst(%dma_wait3A_173 : memref<10000x64xf32, #tpu.memory_space<vmem_shared>>)
      %add3A_174 = arith.constant 3 : i32
      %add3A_175 = arith.addi %add3A_165, %add3A_174 : i32
      %lt3A_176 = arith.constant 250 : i32
      %lt3A_177 = arith.cmpi slt, %add3A_175, %lt3A_176 : i32
      %convert_element_type3A_178 = arith.extui %lt3A_177 : i1 to i32
      %cond3A_179 = arith.constant 0 : i32
      %cond3A_180 = arith.cmpi ne, %convert_element_type3A_178, %cond3A_179 : i32
      scf.if %cond3A_180 {
        %add3A_230 = arith.constant 3 : i32
        %add3A_231 = arith.addi %add3A_165, %add3A_230 : i32
        %dma_start3A_232 = arith.constant 0 : i32
        %dma_start3A_233 = tpu.memref_slice %arg7[%add3A_231, %dma_start3A_232] : memref<250x80xi32, #tpu.memory_space<vmem>> -> memref<1x80xi32, #tpu.memory_space<vmem>>
        %dma_start3A_234 = tpu.memref_squeeze %dma_start3A_233 : memref<1x80xi32, #tpu.memory_space<vmem>> -> memref<80xi32, #tpu.memory_space<vmem>>
        %dma_start3A_235 = arith.constant 0 : i32
        %dma_start3A_236 = arith.constant 0 : i32
        %dma_start3A_237 = tpu.memref_slice %arg2[%dma_start3A_235, %dma_start3A_236] : memref<20000x64xf32, #tpu.memory_space<hbm>> -> memref<20000x64xf32, #tpu.memory_space<hbm>>
        tpu.enqueue_indirect_dma source(%dma_start3A_237 : memref<20000x64xf32, #tpu.memory_space<hbm>>) target(%arg11 : memref<80x64xf32, #tpu.memory_space<vmem>>) offsets(%dma_start3A_234 : memref<80xi32, #tpu.memory_space<vmem>>) semaphore(%arg17 : memref<!tpu.dma_semaphore, #tpu.memory_space<semaphore_mem>>)
      } else {
      }
      %dma_wait3A_181 = arith.constant 0 : i32
      %dma_wait3A_182 = tpu.memref_slice %arg7[%add3A_165, %dma_wait3A_181] : memref<250x80xi32, #tpu.memory_space<vmem>> -> memref<1x80xi32, #tpu.memory_space<vmem>>
      %dma_wait3A_183 = tpu.memref_squeeze %dma_wait3A_182 : memref<1x80xi32, #tpu.memory_space<vmem>> -> memref<80xi32, #tpu.memory_space<vmem>>
      %dma_wait3A_184 = arith.constant 0 : i32
      %dma_wait3A_185 = arith.constant 0 : i32
      %dma_wait3A_186 = tpu.memref_slice %arg2[%dma_wait3A_184, %dma_wait3A_185] : memref<20000x64xf32, #tpu.memory_space<hbm>> -> memref<20000x64xf32, #tpu.memory_space<hbm>>
      tpu.wait_indirect_dma semaphore(%arg19 : memref<!tpu.dma_semaphore, #tpu.memory_space<semaphore_mem>>) src(%dma_wait3A_186 : memref<20000x64xf32, #tpu.memory_space<hbm>>) dst(%arg13 : memref<80x64xf32, #tpu.memory_space<vmem>>)
      %parallel_loop3A_187 = arith.constant 0 : i32
      %parallel_loop3A_188 = arith.constant 80 : i32
      %parallel_loop3A_189 = arith.constant 1 : i32
      scf.for %parallel_loop3A_230 = %parallel_loop3A_187 to %parallel_loop3A_188 step %parallel_loop3A_189  : i32 {
        %parallel_loop3A_231 = vector.broadcast %add3A_165 : i32 to vector<16xi32>
        %parallel_loop3A_232 = vector.broadcast %parallel_loop3A_230 : i32 to vector<16xi32>
        %parallel_loop3A_233 = tpu.vector_load_idx %arg9[%parallel_loop3A_231, %parallel_loop3A_232] : memref<250x80xf32, #tpu.memory_space<vmem>>[vector<16xi32>, vector<16xi32>], vector<16xf32>,
        %parallel_loop3A_234 = arith.index_cast %parallel_loop3A_230 : i32 to index
        %parallel_loop3A_235 = arith.constant 0 : index
        %parallel_loop3A_236 = tpu.vector_load %arg13[%parallel_loop3A_234, %parallel_loop3A_235] {strides = array<i32>} : memref<80x64xf32, #tpu.memory_space<vmem>>, vector<16xf32>,
        %parallel_loop3A_237 = arith.mulf %parallel_loop3A_236, %parallel_loop3A_233 : vector<16xf32>
        %parallel_loop3A_238 = arith.index_cast %parallel_loop3A_230 : i32 to index
        %parallel_loop3A_239 = arith.constant 0 : index
        %parallel_loop3A_240 = tpu.vector_load %arg13[%parallel_loop3A_238, %parallel_loop3A_239] {strides = array<i32>} : memref<80x64xf32, #tpu.memory_space<vmem>>, vector<16xf32>,
        tpu.vector_store %arg13[%parallel_loop3A_238, %parallel_loop3A_239], %parallel_loop3A_237 {strides = array<i32>} : memref<80x64xf32, #tpu.memory_space<vmem>>, vector<16xf32>,
        %parallel_loop3A_241 = arith.index_cast %parallel_loop3A_230 : i32 to index
        %parallel_loop3A_242 = arith.constant 16 : index
        %parallel_loop3A_243 = tpu.vector_load %arg13[%parallel_loop3A_241, %parallel_loop3A_242] {strides = array<i32>} : memref<80x64xf32, #tpu.memory_space<vmem>>, vector<16xf32>,
        %parallel_loop3A_244 = arith.mulf %parallel_loop3A_243, %parallel_loop3A_233 : vector<16xf32>
        %parallel_loop3A_245 = arith.index_cast %parallel_loop3A_230 : i32 to index
        %parallel_loop3A_246 = arith.constant 16 : index
        %parallel_loop3A_247 = tpu.vector_load %arg13[%parallel_loop3A_245, %parallel_loop3A_246] {strides = array<i32>} : memref<80x64xf32, #tpu.memory_space<vmem>>, vector<16xf32>,
        tpu.vector_store %arg13[%parallel_loop3A_245, %parallel_loop3A_246], %parallel_loop3A_244 {strides = array<i32>} : memref<80x64xf32, #tpu.memory_space<vmem>>, vector<16xf32>,
        %parallel_loop3A_248 = arith.index_cast %parallel_loop3A_230 : i32 to index
        %parallel_loop3A_249 = arith.constant 32 : index
        %parallel_loop3A_250 = tpu.vector_load %arg13[%parallel_loop3A_248, %parallel_loop3A_249] {strides = array<i32>} : memref<80x64xf32, #tpu.memory_space<vmem>>, vector<16xf32>,
        %parallel_loop3A_251 = arith.mulf %parallel_loop3A_250, %parallel_loop3A_233 : vector<16xf32>
        %parallel_loop3A_252 = arith.index_cast %parallel_loop3A_230 : i32 to index
        %parallel_loop3A_253 = arith.constant 32 : index
        %parallel_loop3A_254 = tpu.vector_load %arg13[%parallel_loop3A_252, %parallel_loop3A_253] {strides = array<i32>} : memref<80x64xf32, #tpu.memory_space<vmem>>, vector<16xf32>,
        tpu.vector_store %arg13[%parallel_loop3A_252, %parallel_loop3A_253], %parallel_loop3A_251 {strides = array<i32>} : memref<80x64xf32, #tpu.memory_space<vmem>>, vector<16xf32>,
        %parallel_loop3A_255 = arith.index_cast %parallel_loop3A_230 : i32 to index
        %parallel_loop3A_256 = arith.constant 48 : index
        %parallel_loop3A_257 = tpu.vector_load %arg13[%parallel_loop3A_255, %parallel_loop3A_256] {strides = array<i32>} : memref<80x64xf32, #tpu.memory_space<vmem>>, vector<16xf32>,
        %parallel_loop3A_258 = arith.mulf %parallel_loop3A_257, %parallel_loop3A_233 : vector<16xf32>
        %parallel_loop3A_259 = arith.index_cast %parallel_loop3A_230 : i32 to index
        %parallel_loop3A_260 = arith.constant 48 : index
        %parallel_loop3A_261 = tpu.vector_load %arg13[%parallel_loop3A_259, %parallel_loop3A_260] {strides = array<i32>} : memref<80x64xf32, #tpu.memory_space<vmem>>, vector<16xf32>,
        tpu.vector_store %arg13[%parallel_loop3A_259, %parallel_loop3A_260], %parallel_loop3A_258 {strides = array<i32>} : memref<80x64xf32, #tpu.memory_space<vmem>>, vector<16xf32>,
      } {sc.loop_unroll_factor = 8 : i64, sc.parallel_access}
      %dma_start3A_190 = arith.constant 0 : i32
      %dma_start3A_191 = tpu.memref_slice %arg8[%add3A_165, %dma_start3A_190] : memref<250x80xi32, #tpu.memory_space<vmem>> -> memref<1x80xi32, #tpu.memory_space<vmem>>
      %dma_start3A_192 = tpu.memref_squeeze %dma_start3A_191 : memref<1x80xi32, #tpu.memory_space<vmem>> -> memref<80xi32, #tpu.memory_space<vmem>>
      %dma_start3A_193 = arith.constant 0 : i32
      %dma_start3A_194 = arith.constant 0 : i32
      %dma_start3A_195 = tpu.memref_slice %arg15[%dma_start3A_193, %dma_start3A_194] : memref<10000x64xf32, #tpu.memory_space<vmem_shared>> -> memref<10000x64xf32, #tpu.memory_space<vmem_shared>>
      tpu.enqueue_indirect_dma source(%arg13 : memref<80x64xf32, #tpu.memory_space<vmem>>) target(%dma_start3A_195 : memref<10000x64xf32, #tpu.memory_space<vmem_shared>>) offsets(%dma_start3A_192 : memref<80xi32, #tpu.memory_space<vmem>>) semaphore(%arg24 : memref<!tpu.dma_semaphore, #tpu.memory_space<semaphore_mem>>) {add = true}
      %mul3A_196 = arith.constant 5 : i32
      %mul3A_197 = arith.muli %mul3A_196, %scan3A_68 : i32
      %add3A_198 = arith.constant 4 : i32
      %add3A_199 = arith.addi %mul3A_197, %add3A_198 : i32
      %sub3A_200 = arith.constant 2 : i32
      %sub3A_201 = arith.subi %add3A_199, %sub3A_200 : i32
      %dma_wait3A_202 = arith.constant 0 : i32
      %dma_wait3A_203 = tpu.memref_slice %arg8[%sub3A_201, %dma_wait3A_202] : memref<250x80xi32, #tpu.memory_space<vmem>> -> memref<1x80xi32, #tpu.memory_space<vmem>>
      %dma_wait3A_204 = tpu.memref_squeeze %dma_wait3A_203 : memref<1x80xi32, #tpu.memory_space<vmem>> -> memref<80xi32, #tpu.memory_space<vmem>>
      %dma_wait3A_205 = arith.constant 0 : i32
      %dma_wait3A_206 = arith.constant 0 : i32
      %dma_wait3A_207 = tpu.memref_slice %arg15[%dma_wait3A_205, %dma_wait3A_206] : memref<10000x64xf32, #tpu.memory_space<vmem_shared>> -> memref<10000x64xf32, #tpu.memory_space<vmem_shared>>
      tpu.wait_indirect_dma semaphore(%arg23 : memref<!tpu.dma_semaphore, #tpu.memory_space<semaphore_mem>>) src(%arg12 : memref<80x64xf32, #tpu.memory_space<vmem>>) dst(%dma_wait3A_207 : memref<10000x64xf32, #tpu.memory_space<vmem_shared>>)
      %add3A_208 = arith.constant 3 : i32
      %add3A_209 = arith.addi %add3A_199, %add3A_208 : i32
      %lt3A_210 = arith.constant 250 : i32
      %lt3A_211 = arith.cmpi slt, %add3A_209, %lt3A_210 : i32
      %convert_element_type3A_212 = arith.extui %lt3A_211 : i1 to i32
      %cond3A_213 = arith.constant 0 : i32
      %cond3A_214 = arith.cmpi ne, %convert_element_type3A_212, %cond3A_213 : i32
      scf.if %cond3A_214 {
        %add3A_230 = arith.constant 3 : i32
        %add3A_231 = arith.addi %add3A_199, %add3A_230 : i32
        %dma_start3A_232 = arith.constant 0 : i32
        %dma_start3A_233 = tpu.memref_slice %arg7[%add3A_231, %dma_start3A_232] : memref<250x80xi32, #tpu.memory_space<vmem>> -> memref<1x80xi32, #tpu.memory_space<vmem>>
        %dma_start3A_234 = tpu.memref_squeeze %dma_start3A_233 : memref<1x80xi32, #tpu.memory_space<vmem>> -> memref<80xi32, #tpu.memory_space<vmem>>
        %dma_start3A_235 = arith.constant 0 : i32
        %dma_start3A_236 = arith.constant 0 : i32
        %dma_start3A_237 = tpu.memref_slice %arg2[%dma_start3A_235, %dma_start3A_236] : memref<20000x64xf32, #tpu.memory_space<hbm>> -> memref<20000x64xf32, #tpu.memory_space<hbm>>
        tpu.enqueue_indirect_dma source(%dma_start3A_237 : memref<20000x64xf32, #tpu.memory_space<hbm>>) target(%arg12 : memref<80x64xf32, #tpu.memory_space<vmem>>) offsets(%dma_start3A_234 : memref<80xi32, #tpu.memory_space<vmem>>) semaphore(%arg18 : memref<!tpu.dma_semaphore, #tpu.memory_space<semaphore_mem>>)
      } else {
      }
      %dma_wait3A_215 = arith.constant 0 : i32
      %dma_wait3A_216 = tpu.memref_slice %arg7[%add3A_199, %dma_wait3A_215] : memref<250x80xi32, #tpu.memory_space<vmem>> -> memref<1x80xi32, #tpu.memory_space<vmem>>
      %dma_wait3A_217 = tpu.memref_squeeze %dma_wait3A_216 : memref<1x80xi32, #tpu.memory_space<vmem>> -> memref<80xi32, #tpu.memory_space<vmem>>
      %dma_wait3A_218 = arith.constant 0 : i32
      %dma_wait3A_219 = arith.constant 0 : i32
      %dma_wait3A_220 = tpu.memref_slice %arg2[%dma_wait3A_218, %dma_wait3A_219] : memref<20000x64xf32, #tpu.memory_space<hbm>> -> memref<20000x64xf32, #tpu.memory_space<hbm>>
      tpu.wait_indirect_dma semaphore(%arg20 : memref<!tpu.dma_semaphore, #tpu.memory_space<semaphore_mem>>) src(%dma_wait3A_220 : memref<20000x64xf32, #tpu.memory_space<hbm>>) dst(%arg14 : memref<80x64xf32, #tpu.memory_space<vmem>>)
      %parallel_loop3A_221 = arith.constant 0 : i32
      %parallel_loop3A_222 = arith.constant 80 : i32
      %parallel_loop3A_223 = arith.constant 1 : i32
      scf.for %parallel_loop3A_230 = %parallel_loop3A_221 to %parallel_loop3A_222 step %parallel_loop3A_223  : i32 {
        %parallel_loop3A_231 = vector.broadcast %add3A_199 : i32 to vector<16xi32>
        %parallel_loop3A_232 = vector.broadcast %parallel_loop3A_230 : i32 to vector<16xi32>
        %parallel_loop3A_233 = tpu.vector_load_idx %arg9[%parallel_loop3A_231, %parallel_loop3A_232] : memref<250x80xf32, #tpu.memory_space<vmem>>[vector<16xi32>, vector<16xi32>], vector<16xf32>,
        %parallel_loop3A_234 = arith.index_cast %parallel_loop3A_230 : i32 to index
        %parallel_loop3A_235 = arith.constant 0 : index
        %parallel_loop3A_236 = tpu.vector_load %arg14[%parallel_loop3A_234, %parallel_loop3A_235] {strides = array<i32>} : memref<80x64xf32, #tpu.memory_space<vmem>>, vector<16xf32>,
        %parallel_loop3A_237 = arith.mulf %parallel_loop3A_236, %parallel_loop3A_233 : vector<16xf32>
        %parallel_loop3A_238 = arith.index_cast %parallel_loop3A_230 : i32 to index
        %parallel_loop3A_239 = arith.constant 0 : index
        %parallel_loop3A_240 = tpu.vector_load %arg14[%parallel_loop3A_238, %parallel_loop3A_239] {strides = array<i32>} : memref<80x64xf32, #tpu.memory_space<vmem>>, vector<16xf32>,
        tpu.vector_store %arg14[%parallel_loop3A_238, %parallel_loop3A_239], %parallel_loop3A_237 {strides = array<i32>} : memref<80x64xf32, #tpu.memory_space<vmem>>, vector<16xf32>,
        %parallel_loop3A_241 = arith.index_cast %parallel_loop3A_230 : i32 to index
        %parallel_loop3A_242 = arith.constant 16 : index
        %parallel_loop3A_243 = tpu.vector_load %arg14[%parallel_loop3A_241, %parallel_loop3A_242] {strides = array<i32>} : memref<80x64xf32, #tpu.memory_space<vmem>>, vector<16xf32>,
        %parallel_loop3A_244 = arith.mulf %parallel_loop3A_243, %parallel_loop3A_233 : vector<16xf32>
        %parallel_loop3A_245 = arith.index_cast %parallel_loop3A_230 : i32 to index
        %parallel_loop3A_246 = arith.constant 16 : index
        %parallel_loop3A_247 = tpu.vector_load %arg14[%parallel_loop3A_245, %parallel_loop3A_246] {strides = array<i32>} : memref<80x64xf32, #tpu.memory_space<vmem>>, vector<16xf32>,
        tpu.vector_store %arg14[%parallel_loop3A_245, %parallel_loop3A_246], %parallel_loop3A_244 {strides = array<i32>} : memref<80x64xf32, #tpu.memory_space<vmem>>, vector<16xf32>,
        %parallel_loop3A_248 = arith.index_cast %parallel_loop3A_230 : i32 to index
        %parallel_loop3A_249 = arith.constant 32 : index
        %parallel_loop3A_250 = tpu.vector_load %arg14[%parallel_loop3A_248, %parallel_loop3A_249] {strides = array<i32>} : memref<80x64xf32, #tpu.memory_space<vmem>>, vector<16xf32>,
        %parallel_loop3A_251 = arith.mulf %parallel_loop3A_250, %parallel_loop3A_233 : vector<16xf32>
        %parallel_loop3A_252 = arith.index_cast %parallel_loop3A_230 : i32 to index
        %parallel_loop3A_253 = arith.constant 32 : index
        %parallel_loop3A_254 = tpu.vector_load %arg14[%parallel_loop3A_252, %parallel_loop3A_253] {strides = array<i32>} : memref<80x64xf32, #tpu.memory_space<vmem>>, vector<16xf32>,
        tpu.vector_store %arg14[%parallel_loop3A_252, %parallel_loop3A_253], %parallel_loop3A_251 {strides = array<i32>} : memref<80x64xf32, #tpu.memory_space<vmem>>, vector<16xf32>,
        %parallel_loop3A_255 = arith.index_cast %parallel_loop3A_230 : i32 to index
        %parallel_loop3A_256 = arith.constant 48 : index
        %parallel_loop3A_257 = tpu.vector_load %arg14[%parallel_loop3A_255, %parallel_loop3A_256] {strides = array<i32>} : memref<80x64xf32, #tpu.memory_space<vmem>>, vector<16xf32>,
        %parallel_loop3A_258 = arith.mulf %parallel_loop3A_257, %parallel_loop3A_233 : vector<16xf32>
        %parallel_loop3A_259 = arith.index_cast %parallel_loop3A_230 : i32 to index
        %parallel_loop3A_260 = arith.constant 48 : index
        %parallel_loop3A_261 = tpu.vector_load %arg14[%parallel_loop3A_259, %parallel_loop3A_260] {strides = array<i32>} : memref<80x64xf32, #tpu.memory_space<vmem>>, vector<16xf32>,
        tpu.vector_store %arg14[%parallel_loop3A_259, %parallel_loop3A_260], %parallel_loop3A_258 {strides = array<i32>} : memref<80x64xf32, #tpu.memory_space<vmem>>, vector<16xf32>,
      } {sc.loop_unroll_factor = 8 : i64, sc.parallel_access}
      %dma_start3A_224 = arith.constant 0 : i32
      %dma_start3A_225 = tpu.memref_slice %arg8[%add3A_199, %dma_start3A_224] : memref<250x80xi32, #tpu.memory_space<vmem>> -> memref<1x80xi32, #tpu.memory_space<vmem>>
      %dma_start3A_226 = tpu.memref_squeeze %dma_start3A_225 : memref<1x80xi32, #tpu.memory_space<vmem>> -> memref<80xi32, #tpu.memory_space<vmem>>
      %dma_start3A_227 = arith.constant 0 : i32
      %dma_start3A_228 = arith.constant 0 : i32
      %dma_start3A_229 = tpu.memref_slice %arg15[%dma_start3A_227, %dma_start3A_228] : memref<10000x64xf32, #tpu.memory_space<vmem_shared>> -> memref<10000x64xf32, #tpu.memory_space<vmem_shared>>
      tpu.enqueue_indirect_dma source(%arg14 : memref<80x64xf32, #tpu.memory_space<vmem>>) target(%dma_start3A_229 : memref<10000x64xf32, #tpu.memory_space<vmem_shared>>) offsets(%dma_start3A_226 : memref<80xi32, #tpu.memory_space<vmem>>) semaphore(%arg25 : memref<!tpu.dma_semaphore, #tpu.memory_space<semaphore_mem>>) {add = true}
    }
    %scan3A_43 = arith.constant 50 : i32
    %dma_wait3A = arith.constant 248 : i32
    %dma_wait3A_44 = arith.constant 0 : i32
    %dma_wait3A_45 = tpu.memref_slice %arg8[%dma_wait3A, %dma_wait3A_44] : memref<250x80xi32, #tpu.memory_space<vmem>> -> memref<1x80xi32, #tpu.memory_space<vmem>>
    %dma_wait3A_46 = tpu.memref_squeeze %dma_wait3A_45 : memref<1x80xi32, #tpu.memory_space<vmem>> -> memref<80xi32, #tpu.memory_space<vmem>>
    %dma_wait3A_47 = arith.constant 0 : i32
    %dma_wait3A_48 = arith.constant 0 : i32
    %dma_wait3A_49 = tpu.memref_slice %arg15[%dma_wait3A_47, %dma_wait3A_48] : memref<10000x64xf32, #tpu.memory_space<vmem_shared>> -> memref<10000x64xf32, #tpu.memory_space<vmem_shared>>
    tpu.wait_indirect_dma semaphore(%arg24 : memref<!tpu.dma_semaphore, #tpu.memory_space<semaphore_mem>>) src(%arg13 : memref<80x64xf32, #tpu.memory_space<vmem>>) dst(%dma_wait3A_49 : memref<10000x64xf32, #tpu.memory_space<vmem_shared>>)
    %dma_wait3A_50 = arith.constant 249 : i32
    %dma_wait3A_51 = arith.constant 0 : i32
    %dma_wait3A_52 = tpu.memref_slice %arg8[%dma_wait3A_50, %dma_wait3A_51] : memref<250x80xi32, #tpu.memory_space<vmem>> -> memref<1x80xi32, #tpu.memory_space<vmem>>
    %dma_wait3A_53 = tpu.memref_squeeze %dma_wait3A_52 : memref<1x80xi32, #tpu.memory_space<vmem>> -> memref<80xi32, #tpu.memory_space<vmem>>
    %dma_wait3A_54 = arith.constant 0 : i32
    %dma_wait3A_55 = arith.constant 0 : i32
    %dma_wait3A_56 = tpu.memref_slice %arg15[%dma_wait3A_54, %dma_wait3A_55] : memref<10000x64xf32, #tpu.memory_space<vmem_shared>> -> memref<10000x64xf32, #tpu.memory_space<vmem_shared>>
    tpu.wait_indirect_dma semaphore(%arg25 : memref<!tpu.dma_semaphore, #tpu.memory_space<semaphore_mem>>) src(%arg14 : memref<80x64xf32, #tpu.memory_space<vmem>>) dst(%dma_wait3A_56 : memref<10000x64xf32, #tpu.memory_space<vmem_shared>>)
    %barrier3A_57 = arith.constant 0 : index
    tpu.barrier barrier_id(%barrier3A_57)
    %lt3A_58 = arith.constant 15 : i32
    %lt3A_59 = arith.cmpi slt, %arg1, %lt3A_58 : i32
    %convert_element_type3A_60 = arith.extui %lt3A_59 : i1 to i32
    %cond3A_61 = arith.constant 0 : i32
    %cond3A_62 = arith.cmpi ne, %convert_element_type3A_60, %cond3A_61 : i32
    scf.if %cond3A_62 {
      %mul3A = arith.constant 640 : i32
      %mul3A_68 = arith.muli %arg1, %mul3A : i32
      %add3A = arith.constant 0 : i32
      %add3A_69 = arith.addi %mul3A_68, %add3A : i32
      "tpu.region"() ({
        %run_scoped3A = tpu.sem_alloc : memref<!tpu.dma_semaphore, #tpu.memory_space<semaphore_mem>>
        %dma_start3A_98 = arith.constant 0 : i32
        %dma_start3A_99 = tpu.memref_slice %arg15[%add3A_69, %dma_start3A_98] : memref<10000x64xf32, #tpu.memory_space<vmem_shared>> -> memref<80x64xf32, #tpu.memory_space<vmem_shared>>
        %dma_start3A_100 = arith.constant 0 : i32
        %dma_start3A_101 = tpu.memref_slice %arg15[%add3A_69, %dma_start3A_100] : memref<10000x64xf32, #tpu.memory_space<vmem_shared>> -> memref<80x64xf32, #tpu.memory_space<vmem_shared>>
        tpu.enqueue_dma source(%dma_start3A_101 : memref<80x64xf32, #tpu.memory_space<vmem_shared>>) target(%arg10 : memref<80x64xf32, #tpu.memory_space<vmem>>) target_semaphore(%run_scoped3A : memref<!tpu.dma_semaphore, #tpu.memory_space<semaphore_mem>>)
        %dma_wait3A_102 = arith.constant 0 : i32
        %dma_wait3A_103 = tpu.memref_slice %arg15[%add3A_69, %dma_wait3A_102] : memref<10000x64xf32, #tpu.memory_space<vmem_shared>> -> memref<80x64xf32, #tpu.memory_space<vmem_shared>>
        %dma_wait3A_104 = arith.constant 0 : i32
        %dma_wait3A_105 = tpu.memref_slice %arg15[%add3A_69, %dma_wait3A_104] : memref<10000x64xf32, #tpu.memory_space<vmem_shared>> -> memref<80x64xf32, #tpu.memory_space<vmem_shared>>
        tpu.wait_dma2 semaphore(%run_scoped3A : memref<!tpu.dma_semaphore, #tpu.memory_space<semaphore_mem>>) src(%dma_wait3A_105 : memref<80x64xf32, #tpu.memory_space<vmem_shared>>) dst(%arg10 : memref<80x64xf32, #tpu.memory_space<vmem>>)
        tpu.yield
      }) : () -> ()
      "tpu.region"() ({
        %run_scoped3A = tpu.sem_alloc : memref<!tpu.dma_semaphore, #tpu.memory_space<semaphore_mem>>
        %dma_start3A_98 = arith.constant 0 : i32
        %dma_start3A_99 = tpu.memref_slice %arg6[%arg0, %add3A_69, %dma_start3A_98] : memref<2x10000x64xf32, #tpu.memory_space<hbm>> -> memref<1x80x64xf32, #tpu.memory_space<hbm>>
        %dma_start3A_100 = tpu.memref_squeeze %dma_start3A_99 : memref<1x80x64xf32, #tpu.memory_space<hbm>> -> memref<80x64xf32, #tpu.memory_space<hbm>>
        %dma_start3A_101 = arith.constant 0 : i32
        %dma_start3A_102 = tpu.memref_slice %arg6[%arg0, %add3A_69, %dma_start3A_101] : memref<2x10000x64xf32, #tpu.memory_space<hbm>> -> memref<1x80x64xf32, #tpu.memory_space<hbm>>
        %dma_start3A_103 = tpu.memref_squeeze %dma_start3A_102 : memref<1x80x64xf32, #tpu.memory_space<hbm>> -> memref<80x64xf32, #tpu.memory_space<hbm>>
        tpu.enqueue_dma source(%arg10 : memref<80x64xf32, #tpu.memory_space<vmem>>) target(%dma_start3A_103 : memref<80x64xf32, #tpu.memory_space<hbm>>) target_semaphore(%run_scoped3A : memref<!tpu.dma_semaphore, #tpu.memory_space<semaphore_mem>>)
        %dma_wait3A_104 = arith.constant 0 : i32
        %dma_wait3A_105 = tpu.memref_slice %arg6[%arg0, %add3A_69, %dma_wait3A_104] : memref<2x10000x64xf32, #tpu.memory_space<hbm>> -> memref<1x80x64xf32, #tpu.memory_space<hbm>>
        %dma_wait3A_106 = tpu.memref_squeeze %dma_wait3A_105 : memref<1x80x64xf32, #tpu.memory_space<hbm>> -> memref<80x64xf32, #tpu.memory_space<hbm>>
        %dma_wait3A_107 = arith.constant 0 : i32
        %dma_wait3A_108 = tpu.memref_slice %arg6[%arg0, %add3A_69, %dma_wait3A_107] : memref<2x10000x64xf32, #tpu.memory_space<hbm>> -> memref<1x80x64xf32, #tpu.memory_space<hbm>>
        %dma_wait3A_109 = tpu.memref_squeeze %dma_wait3A_108 : memref<1x80x64xf32, #tpu.memory_space<hbm>> -> memref<80x64xf32, #tpu.memory_space<hbm>>
        tpu.wait_dma2 semaphore(%run_scoped3A : memref<!tpu.dma_semaphore, #tpu.memory_space<semaphore_mem>>) src(%arg10 : memref<80x64xf32, #tpu.memory_space<vmem>>) dst(%dma_wait3A_109 : memref<80x64xf32, #tpu.memory_space<hbm>>)
        tpu.yield
      }) : () -> ()
      %mul3A_70 = arith.constant 640 : i32
      %mul3A_71 = arith.muli %arg1, %mul3A_70 : i32
      %add3A_72 = arith.constant 80 : i32
      %add3A_73 = arith.addi %mul3A_71, %add3A_72 : i32
      "tpu.region"() ({
        %run_scoped3A = tpu.sem_alloc : memref<!tpu.dma_semaphore, #tpu.memory_space<semaphore_mem>>
        %dma_start3A_98 = arith.constant 0 : i32
        %dma_start3A_99 = tpu.memref_slice %arg15[%add3A_73, %dma_start3A_98] : memref<10000x64xf32, #tpu.memory_space<vmem_shared>> -> memref<80x64xf32, #tpu.memory_space<vmem_shared>>
        %dma_start3A_100 = arith.constant 0 : i32
        %dma_start3A_101 = tpu.memref_slice %arg15[%add3A_73, %dma_start3A_100] : memref<10000x64xf32, #tpu.memory_space<vmem_shared>> -> memref<80x64xf32, #tpu.memory_space<vmem_shared>>
        tpu.enqueue_dma source(%dma_start3A_101 : memref<80x64xf32, #tpu.memory_space<vmem_shared>>) target(%arg11 : memref<80x64xf32, #tpu.memory_space<vmem>>) target_semaphore(%run_scoped3A : memref<!tpu.dma_semaphore, #tpu.memory_space<semaphore_mem>>)
        %dma_wait3A_102 = arith.constant 0 : i32
        %dma_wait3A_103 = tpu.memref_slice %arg15[%add3A_73, %dma_wait3A_102] : memref<10000x64xf32, #tpu.memory_space<vmem_shared>> -> memref<80x64xf32, #tpu.memory_space<vmem_shared>>
        %dma_wait3A_104 = arith.constant 0 : i32
        %dma_wait3A_105 = tpu.memref_slice %arg15[%add3A_73, %dma_wait3A_104] : memref<10000x64xf32, #tpu.memory_space<vmem_shared>> -> memref<80x64xf32, #tpu.memory_space<vmem_shared>>
        tpu.wait_dma2 semaphore(%run_scoped3A : memref<!tpu.dma_semaphore, #tpu.memory_space<semaphore_mem>>) src(%dma_wait3A_105 : memref<80x64xf32, #tpu.memory_space<vmem_shared>>) dst(%arg11 : memref<80x64xf32, #tpu.memory_space<vmem>>)
        tpu.yield
      }) : () -> ()
      "tpu.region"() ({
        %run_scoped3A = tpu.sem_alloc : memref<!tpu.dma_semaphore, #tpu.memory_space<semaphore_mem>>
        %dma_start3A_98 = arith.constant 0 : i32
        %dma_start3A_99 = tpu.memref_slice %arg6[%arg0, %add3A_73, %dma_start3A_98] : memref<2x10000x64xf32, #tpu.memory_space<hbm>> -> memref<1x80x64xf32, #tpu.memory_space<hbm>>
        %dma_start3A_100 = tpu.memref_squeeze %dma_start3A_99 : memref<1x80x64xf32, #tpu.memory_space<hbm>> -> memref<80x64xf32, #tpu.memory_space<hbm>>
        %dma_start3A_101 = arith.constant 0 : i32
        %dma_start3A_102 = tpu.memref_slice %arg6[%arg0, %add3A_73, %dma_start3A_101] : memref<2x10000x64xf32, #tpu.memory_space<hbm>> -> memref<1x80x64xf32, #tpu.memory_space<hbm>>
        %dma_start3A_103 = tpu.memref_squeeze %dma_start3A_102 : memref<1x80x64xf32, #tpu.memory_space<hbm>> -> memref<80x64xf32, #tpu.memory_space<hbm>>
        tpu.enqueue_dma source(%arg11 : memref<80x64xf32, #tpu.memory_space<vmem>>) target(%dma_start3A_103 : memref<80x64xf32, #tpu.memory_space<hbm>>) target_semaphore(%run_scoped3A : memref<!tpu.dma_semaphore, #tpu.memory_space<semaphore_mem>>)
        %dma_wait3A_104 = arith.constant 0 : i32
        %dma_wait3A_105 = tpu.memref_slice %arg6[%arg0, %add3A_73, %dma_wait3A_104] : memref<2x10000x64xf32, #tpu.memory_space<hbm>> -> memref<1x80x64xf32, #tpu.memory_space<hbm>>
        %dma_wait3A_106 = tpu.memref_squeeze %dma_wait3A_105 : memref<1x80x64xf32, #tpu.memory_space<hbm>> -> memref<80x64xf32, #tpu.memory_space<hbm>>
        %dma_wait3A_107 = arith.constant 0 : i32
        %dma_wait3A_108 = tpu.memref_slice %arg6[%arg0, %add3A_73, %dma_wait3A_107] : memref<2x10000x64xf32, #tpu.memory_space<hbm>> -> memref<1x80x64xf32, #tpu.memory_space<hbm>>
        %dma_wait3A_109 = tpu.memref_squeeze %dma_wait3A_108 : memref<1x80x64xf32, #tpu.memory_space<hbm>> -> memref<80x64xf32, #tpu.memory_space<hbm>>
        tpu.wait_dma2 semaphore(%run_scoped3A : memref<!tpu.dma_semaphore, #tpu.memory_space<semaphore_mem>>) src(%arg11 : memref<80x64xf32, #tpu.memory_space<vmem>>) dst(%dma_wait3A_109 : memref<80x64xf32, #tpu.memory_space<hbm>>)
        tpu.yield
      }) : () -> ()
      %mul3A_74 = arith.constant 640 : i32
      %mul3A_75 = arith.muli %arg1, %mul3A_74 : i32
      %add3A_76 = arith.constant 160 : i32
      %add3A_77 = arith.addi %mul3A_75, %add3A_76 : i32
      "tpu.region"() ({
        %run_scoped3A = tpu.sem_alloc : memref<!tpu.dma_semaphore, #tpu.memory_space<semaphore_mem>>
        %dma_start3A_98 = arith.constant 0 : i32
        %dma_start3A_99 = tpu.memref_slice %arg15[%add3A_77, %dma_start3A_98] : memref<10000x64xf32, #tpu.memory_space<vmem_shared>> -> memref<80x64xf32, #tpu.memory_space<vmem_shared>>
        %dma_start3A_100 = arith.constant 0 : i32
        %dma_start3A_101 = tpu.memref_slice %arg15[%add3A_77, %dma_start3A_100] : memref<10000x64xf32, #tpu.memory_space<vmem_shared>> -> memref<80x64xf32, #tpu.memory_space<vmem_shared>>
        tpu.enqueue_dma source(%dma_start3A_101 : memref<80x64xf32, #tpu.memory_space<vmem_shared>>) target(%arg10 : memref<80x64xf32, #tpu.memory_space<vmem>>) target_semaphore(%run_scoped3A : memref<!tpu.dma_semaphore, #tpu.memory_space<semaphore_mem>>)
        %dma_wait3A_102 = arith.constant 0 : i32
        %dma_wait3A_103 = tpu.memref_slice %arg15[%add3A_77, %dma_wait3A_102] : memref<10000x64xf32, #tpu.memory_space<vmem_shared>> -> memref<80x64xf32, #tpu.memory_space<vmem_shared>>
        %dma_wait3A_104 = arith.constant 0 : i32
        %dma_wait3A_105 = tpu.memref_slice %arg15[%add3A_77, %dma_wait3A_104] : memref<10000x64xf32, #tpu.memory_space<vmem_shared>> -> memref<80x64xf32, #tpu.memory_space<vmem_shared>>
        tpu.wait_dma2 semaphore(%run_scoped3A : memref<!tpu.dma_semaphore, #tpu.memory_space<semaphore_mem>>) src(%dma_wait3A_105 : memref<80x64xf32, #tpu.memory_space<vmem_shared>>) dst(%arg10 : memref<80x64xf32, #tpu.memory_space<vmem>>)
        tpu.yield
      }) : () -> ()
      "tpu.region"() ({
        %run_scoped3A = tpu.sem_alloc : memref<!tpu.dma_semaphore, #tpu.memory_space<semaphore_mem>>
        %dma_start3A_98 = arith.constant 0 : i32
        %dma_start3A_99 = tpu.memref_slice %arg6[%arg0, %add3A_77, %dma_start3A_98] : memref<2x10000x64xf32, #tpu.memory_space<hbm>> -> memref<1x80x64xf32, #tpu.memory_space<hbm>>
        %dma_start3A_100 = tpu.memref_squeeze %dma_start3A_99 : memref<1x80x64xf32, #tpu.memory_space<hbm>> -> memref<80x64xf32, #tpu.memory_space<hbm>>
        %dma_start3A_101 = arith.constant 0 : i32
        %dma_start3A_102 = tpu.memref_slice %arg6[%arg0, %add3A_77, %dma_start3A_101] : memref<2x10000x64xf32, #tpu.memory_space<hbm>> -> memref<1x80x64xf32, #tpu.memory_space<hbm>>
        %dma_start3A_103 = tpu.memref_squeeze %dma_start3A_102 : memref<1x80x64xf32, #tpu.memory_space<hbm>> -> memref<80x64xf32, #tpu.memory_space<hbm>>
        tpu.enqueue_dma source(%arg10 : memref<80x64xf32, #tpu.memory_space<vmem>>) target(%dma_start3A_103 : memref<80x64xf32, #tpu.memory_space<hbm>>) target_semaphore(%run_scoped3A : memref<!tpu.dma_semaphore, #tpu.memory_space<semaphore_mem>>)
        %dma_wait3A_104 = arith.constant 0 : i32
        %dma_wait3A_105 = tpu.memref_slice %arg6[%arg0, %add3A_77, %dma_wait3A_104] : memref<2x10000x64xf32, #tpu.memory_space<hbm>> -> memref<1x80x64xf32, #tpu.memory_space<hbm>>
        %dma_wait3A_106 = tpu.memref_squeeze %dma_wait3A_105 : memref<1x80x64xf32, #tpu.memory_space<hbm>> -> memref<80x64xf32, #tpu.memory_space<hbm>>
        %dma_wait3A_107 = arith.constant 0 : i32
        %dma_wait3A_108 = tpu.memref_slice %arg6[%arg0, %add3A_77, %dma_wait3A_107] : memref<2x10000x64xf32, #tpu.memory_space<hbm>> -> memref<1x80x64xf32, #tpu.memory_space<hbm>>
        %dma_wait3A_109 = tpu.memref_squeeze %dma_wait3A_108 : memref<1x80x64xf32, #tpu.memory_space<hbm>> -> memref<80x64xf32, #tpu.memory_space<hbm>>
        tpu.wait_dma2 semaphore(%run_scoped3A : memref<!tpu.dma_semaphore, #tpu.memory_space<semaphore_mem>>) src(%arg10 : memref<80x64xf32, #tpu.memory_space<vmem>>) dst(%dma_wait3A_109 : memref<80x64xf32, #tpu.memory_space<hbm>>)
        tpu.yield
      }) : () -> ()
      %mul3A_78 = arith.constant 640 : i32
      %mul3A_79 = arith.muli %arg1, %mul3A_78 : i32
      %add3A_80 = arith.constant 240 : i32
      %add3A_81 = arith.addi %mul3A_79, %add3A_80 : i32
      "tpu.region"() ({
        %run_scoped3A = tpu.sem_alloc : memref<!tpu.dma_semaphore, #tpu.memory_space<semaphore_mem>>
        %dma_start3A_98 = arith.constant 0 : i32
        %dma_start3A_99 = tpu.memref_slice %arg15[%add3A_81, %dma_start3A_98] : memref<10000x64xf32, #tpu.memory_space<vmem_shared>> -> memref<80x64xf32, #tpu.memory_space<vmem_shared>>
        %dma_start3A_100 = arith.constant 0 : i32
        %dma_start3A_101 = tpu.memref_slice %arg15[%add3A_81, %dma_start3A_100] : memref<10000x64xf32, #tpu.memory_space<vmem_shared>> -> memref<80x64xf32, #tpu.memory_space<vmem_shared>>
        tpu.enqueue_dma source(%dma_start3A_101 : memref<80x64xf32, #tpu.memory_space<vmem_shared>>) target(%arg11 : memref<80x64xf32, #tpu.memory_space<vmem>>) target_semaphore(%run_scoped3A : memref<!tpu.dma_semaphore, #tpu.memory_space<semaphore_mem>>)
        %dma_wait3A_102 = arith.constant 0 : i32
        %dma_wait3A_103 = tpu.memref_slice %arg15[%add3A_81, %dma_wait3A_102] : memref<10000x64xf32, #tpu.memory_space<vmem_shared>> -> memref<80x64xf32, #tpu.memory_space<vmem_shared>>
        %dma_wait3A_104 = arith.constant 0 : i32
        %dma_wait3A_105 = tpu.memref_slice %arg15[%add3A_81, %dma_wait3A_104] : memref<10000x64xf32, #tpu.memory_space<vmem_shared>> -> memref<80x64xf32, #tpu.memory_space<vmem_shared>>
        tpu.wait_dma2 semaphore(%run_scoped3A : memref<!tpu.dma_semaphore, #tpu.memory_space<semaphore_mem>>) src(%dma_wait3A_105 : memref<80x64xf32, #tpu.memory_space<vmem_shared>>) dst(%arg11 : memref<80x64xf32, #tpu.memory_space<vmem>>)
        tpu.yield
      }) : () -> ()
      "tpu.region"() ({
        %run_scoped3A = tpu.sem_alloc : memref<!tpu.dma_semaphore, #tpu.memory_space<semaphore_mem>>
        %dma_start3A_98 = arith.constant 0 : i32
        %dma_start3A_99 = tpu.memref_slice %arg6[%arg0, %add3A_81, %dma_start3A_98] : memref<2x10000x64xf32, #tpu.memory_space<hbm>> -> memref<1x80x64xf32, #tpu.memory_space<hbm>>
        %dma_start3A_100 = tpu.memref_squeeze %dma_start3A_99 : memref<1x80x64xf32, #tpu.memory_space<hbm>> -> memref<80x64xf32, #tpu.memory_space<hbm>>
        %dma_start3A_101 = arith.constant 0 : i32
        %dma_start3A_102 = tpu.memref_slice %arg6[%arg0, %add3A_81, %dma_start3A_101] : memref<2x10000x64xf32, #tpu.memory_space<hbm>> -> memref<1x80x64xf32, #tpu.memory_space<hbm>>
        %dma_start3A_103 = tpu.memref_squeeze %dma_start3A_102 : memref<1x80x64xf32, #tpu.memory_space<hbm>> -> memref<80x64xf32, #tpu.memory_space<hbm>>
        tpu.enqueue_dma source(%arg11 : memref<80x64xf32, #tpu.memory_space<vmem>>) target(%dma_start3A_103 : memref<80x64xf32, #tpu.memory_space<hbm>>) target_semaphore(%run_scoped3A : memref<!tpu.dma_semaphore, #tpu.memory_space<semaphore_mem>>)
        %dma_wait3A_104 = arith.constant 0 : i32
        %dma_wait3A_105 = tpu.memref_slice %arg6[%arg0, %add3A_81, %dma_wait3A_104] : memref<2x10000x64xf32, #tpu.memory_space<hbm>> -> memref<1x80x64xf32, #tpu.memory_space<hbm>>
        %dma_wait3A_106 = tpu.memref_squeeze %dma_wait3A_105 : memref<1x80x64xf32, #tpu.memory_space<hbm>> -> memref<80x64xf32, #tpu.memory_space<hbm>>
        %dma_wait3A_107 = arith.constant 0 : i32
        %dma_wait3A_108 = tpu.memref_slice %arg6[%arg0, %add3A_81, %dma_wait3A_107] : memref<2x10000x64xf32, #tpu.memory_space<hbm>> -> memref<1x80x64xf32, #tpu.memory_space<hbm>>
        %dma_wait3A_109 = tpu.memref_squeeze %dma_wait3A_108 : memref<1x80x64xf32, #tpu.memory_space<hbm>> -> memref<80x64xf32, #tpu.memory_space<hbm>>
        tpu.wait_dma2 semaphore(%run_scoped3A : memref<!tpu.dma_semaphore, #tpu.memory_space<semaphore_mem>>) src(%arg11 : memref<80x64xf32, #tpu.memory_space<vmem>>) dst(%dma_wait3A_109 : memref<80x64xf32, #tpu.memory_space<hbm>>)
        tpu.yield
      }) : () -> ()
      %mul3A_82 = arith.constant 640 : i32
      %mul3A_83 = arith.muli %arg1, %mul3A_82 : i32
      %add3A_84 = arith.constant 320 : i32
      %add3A_85 = arith.addi %mul3A_83, %add3A_84 : i32
      "tpu.region"() ({
        %run_scoped3A = tpu.sem_alloc : memref<!tpu.dma_semaphore, #tpu.memory_space<semaphore_mem>>
        %dma_start3A_98 = arith.constant 0 : i32
        %dma_start3A_99 = tpu.memref_slice %arg15[%add3A_85, %dma_start3A_98] : memref<10000x64xf32, #tpu.memory_space<vmem_shared>> -> memref<80x64xf32, #tpu.memory_space<vmem_shared>>
        %dma_start3A_100 = arith.constant 0 : i32
        %dma_start3A_101 = tpu.memref_slice %arg15[%add3A_85, %dma_start3A_100] : memref<10000x64xf32, #tpu.memory_space<vmem_shared>> -> memref<80x64xf32, #tpu.memory_space<vmem_shared>>
        tpu.enqueue_dma source(%dma_start3A_101 : memref<80x64xf32, #tpu.memory_space<vmem_shared>>) target(%arg10 : memref<80x64xf32, #tpu.memory_space<vmem>>) target_semaphore(%run_scoped3A : memref<!tpu.dma_semaphore, #tpu.memory_space<semaphore_mem>>)
        %dma_wait3A_102 = arith.constant 0 : i32
        %dma_wait3A_103 = tpu.memref_slice %arg15[%add3A_85, %dma_wait3A_102] : memref<10000x64xf32, #tpu.memory_space<vmem_shared>> -> memref<80x64xf32, #tpu.memory_space<vmem_shared>>
        %dma_wait3A_104 = arith.constant 0 : i32
        %dma_wait3A_105 = tpu.memref_slice %arg15[%add3A_85, %dma_wait3A_104] : memref<10000x64xf32, #tpu.memory_space<vmem_shared>> -> memref<80x64xf32, #tpu.memory_space<vmem_shared>>
        tpu.wait_dma2 semaphore(%run_scoped3A : memref<!tpu.dma_semaphore, #tpu.memory_space<semaphore_mem>>) src(%dma_wait3A_105 : memref<80x64xf32, #tpu.memory_space<vmem_shared>>) dst(%arg10 : memref<80x64xf32, #tpu.memory_space<vmem>>)
        tpu.yield
      }) : () -> ()
      "tpu.region"() ({
        %run_scoped3A = tpu.sem_alloc : memref<!tpu.dma_semaphore, #tpu.memory_space<semaphore_mem>>
        %dma_start3A_98 = arith.constant 0 : i32
        %dma_start3A_99 = tpu.memref_slice %arg6[%arg0, %add3A_85, %dma_start3A_98] : memref<2x10000x64xf32, #tpu.memory_space<hbm>> -> memref<1x80x64xf32, #tpu.memory_space<hbm>>
        %dma_start3A_100 = tpu.memref_squeeze %dma_start3A_99 : memref<1x80x64xf32, #tpu.memory_space<hbm>> -> memref<80x64xf32, #tpu.memory_space<hbm>>
        %dma_start3A_101 = arith.constant 0 : i32
        %dma_start3A_102 = tpu.memref_slice %arg6[%arg0, %add3A_85, %dma_start3A_101] : memref<2x10000x64xf32, #tpu.memory_space<hbm>> -> memref<1x80x64xf32, #tpu.memory_space<hbm>>
        %dma_start3A_103 = tpu.memref_squeeze %dma_start3A_102 : memref<1x80x64xf32, #tpu.memory_space<hbm>> -> memref<80x64xf32, #tpu.memory_space<hbm>>
        tpu.enqueue_dma source(%arg10 : memref<80x64xf32, #tpu.memory_space<vmem>>) target(%dma_start3A_103 : memref<80x64xf32, #tpu.memory_space<hbm>>) target_semaphore(%run_scoped3A : memref<!tpu.dma_semaphore, #tpu.memory_space<semaphore_mem>>)
        %dma_wait3A_104 = arith.constant 0 : i32
        %dma_wait3A_105 = tpu.memref_slice %arg6[%arg0, %add3A_85, %dma_wait3A_104] : memref<2x10000x64xf32, #tpu.memory_space<hbm>> -> memref<1x80x64xf32, #tpu.memory_space<hbm>>
        %dma_wait3A_106 = tpu.memref_squeeze %dma_wait3A_105 : memref<1x80x64xf32, #tpu.memory_space<hbm>> -> memref<80x64xf32, #tpu.memory_space<hbm>>
        %dma_wait3A_107 = arith.constant 0 : i32
        %dma_wait3A_108 = tpu.memref_slice %arg6[%arg0, %add3A_85, %dma_wait3A_107] : memref<2x10000x64xf32, #tpu.memory_space<hbm>> -> memref<1x80x64xf32, #tpu.memory_space<hbm>>
        %dma_wait3A_109 = tpu.memref_squeeze %dma_wait3A_108 : memref<1x80x64xf32, #tpu.memory_space<hbm>> -> memref<80x64xf32, #tpu.memory_space<hbm>>
        tpu.wait_dma2 semaphore(%run_scoped3A : memref<!tpu.dma_semaphore, #tpu.memory_space<semaphore_mem>>) src(%arg10 : memref<80x64xf32, #tpu.memory_space<vmem>>) dst(%dma_wait3A_109 : memref<80x64xf32, #tpu.memory_space<hbm>>)
        tpu.yield
      }) : () -> ()
      %mul3A_86 = arith.constant 640 : i32
      %mul3A_87 = arith.muli %arg1, %mul3A_86 : i32
      %add3A_88 = arith.constant 400 : i32
      %add3A_89 = arith.addi %mul3A_87, %add3A_88 : i32
      "tpu.region"() ({
        %run_scoped3A = tpu.sem_alloc : memref<!tpu.dma_semaphore, #tpu.memory_space<semaphore_mem>>
        %dma_start3A_98 = arith.constant 0 : i32
        %dma_start3A_99 = tpu.memref_slice %arg15[%add3A_89, %dma_start3A_98] : memref<10000x64xf32, #tpu.memory_space<vmem_shared>> -> memref<80x64xf32, #tpu.memory_space<vmem_shared>>
        %dma_start3A_100 = arith.constant 0 : i32
        %dma_start3A_101 = tpu.memref_slice %arg15[%add3A_89, %dma_start3A_100] : memref<10000x64xf32, #tpu.memory_space<vmem_shared>> -> memref<80x64xf32, #tpu.memory_space<vmem_shared>>
        tpu.enqueue_dma source(%dma_start3A_101 : memref<80x64xf32, #tpu.memory_space<vmem_shared>>) target(%arg11 : memref<80x64xf32, #tpu.memory_space<vmem>>) target_semaphore(%run_scoped3A : memref<!tpu.dma_semaphore, #tpu.memory_space<semaphore_mem>>)
        %dma_wait3A_102 = arith.constant 0 : i32
        %dma_wait3A_103 = tpu.memref_slice %arg15[%add3A_89, %dma_wait3A_102] : memref<10000x64xf32, #tpu.memory_space<vmem_shared>> -> memref<80x64xf32, #tpu.memory_space<vmem_shared>>
        %dma_wait3A_104 = arith.constant 0 : i32
        %dma_wait3A_105 = tpu.memref_slice %arg15[%add3A_89, %dma_wait3A_104] : memref<10000x64xf32, #tpu.memory_space<vmem_shared>> -> memref<80x64xf32, #tpu.memory_space<vmem_shared>>
        tpu.wait_dma2 semaphore(%run_scoped3A : memref<!tpu.dma_semaphore, #tpu.memory_space<semaphore_mem>>) src(%dma_wait3A_105 : memref<80x64xf32, #tpu.memory_space<vmem_shared>>) dst(%arg11 : memref<80x64xf32, #tpu.memory_space<vmem>>)
        tpu.yield
      }) : () -> ()
      "tpu.region"() ({
        %run_scoped3A = tpu.sem_alloc : memref<!tpu.dma_semaphore, #tpu.memory_space<semaphore_mem>>
        %dma_start3A_98 = arith.constant 0 : i32
        %dma_start3A_99 = tpu.memref_slice %arg6[%arg0, %add3A_89, %dma_start3A_98] : memref<2x10000x64xf32, #tpu.memory_space<hbm>> -> memref<1x80x64xf32, #tpu.memory_space<hbm>>
        %dma_start3A_100 = tpu.memref_squeeze %dma_start3A_99 : memref<1x80x64xf32, #tpu.memory_space<hbm>> -> memref<80x64xf32, #tpu.memory_space<hbm>>
        %dma_start3A_101 = arith.constant 0 : i32
        %dma_start3A_102 = tpu.memref_slice %arg6[%arg0, %add3A_89, %dma_start3A_101] : memref<2x10000x64xf32, #tpu.memory_space<hbm>> -> memref<1x80x64xf32, #tpu.memory_space<hbm>>
        %dma_start3A_103 = tpu.memref_squeeze %dma_start3A_102 : memref<1x80x64xf32, #tpu.memory_space<hbm>> -> memref<80x64xf32, #tpu.memory_space<hbm>>
        tpu.enqueue_dma source(%arg11 : memref<80x64xf32, #tpu.memory_space<vmem>>) target(%dma_start3A_103 : memref<80x64xf32, #tpu.memory_space<hbm>>) target_semaphore(%run_scoped3A : memref<!tpu.dma_semaphore, #tpu.memory_space<semaphore_mem>>)
        %dma_wait3A_104 = arith.constant 0 : i32
        %dma_wait3A_105 = tpu.memref_slice %arg6[%arg0, %add3A_89, %dma_wait3A_104] : memref<2x10000x64xf32, #tpu.memory_space<hbm>> -> memref<1x80x64xf32, #tpu.memory_space<hbm>>
        %dma_wait3A_106 = tpu.memref_squeeze %dma_wait3A_105 : memref<1x80x64xf32, #tpu.memory_space<hbm>> -> memref<80x64xf32, #tpu.memory_space<hbm>>
        %dma_wait3A_107 = arith.constant 0 : i32
        %dma_wait3A_108 = tpu.memref_slice %arg6[%arg0, %add3A_89, %dma_wait3A_107] : memref<2x10000x64xf32, #tpu.memory_space<hbm>> -> memref<1x80x64xf32, #tpu.memory_space<hbm>>
        %dma_wait3A_109 = tpu.memref_squeeze %dma_wait3A_108 : memref<1x80x64xf32, #tpu.memory_space<hbm>> -> memref<80x64xf32, #tpu.memory_space<hbm>>
        tpu.wait_dma2 semaphore(%run_scoped3A : memref<!tpu.dma_semaphore, #tpu.memory_space<semaphore_mem>>) src(%arg11 : memref<80x64xf32, #tpu.memory_space<vmem>>) dst(%dma_wait3A_109 : memref<80x64xf32, #tpu.memory_space<hbm>>)
        tpu.yield
      }) : () -> ()
      %mul3A_90 = arith.constant 640 : i32
      %mul3A_91 = arith.muli %arg1, %mul3A_90 : i32
      %add3A_92 = arith.constant 480 : i32
      %add3A_93 = arith.addi %mul3A_91, %add3A_92 : i32
      "tpu.region"() ({
        %run_scoped3A = tpu.sem_alloc : memref<!tpu.dma_semaphore, #tpu.memory_space<semaphore_mem>>
        %dma_start3A_98 = arith.constant 0 : i32
        %dma_start3A_99 = tpu.memref_slice %arg15[%add3A_93, %dma_start3A_98] : memref<10000x64xf32, #tpu.memory_space<vmem_shared>> -> memref<80x64xf32, #tpu.memory_space<vmem_shared>>
        %dma_start3A_100 = arith.constant 0 : i32
        %dma_start3A_101 = tpu.memref_slice %arg15[%add3A_93, %dma_start3A_100] : memref<10000x64xf32, #tpu.memory_space<vmem_shared>> -> memref<80x64xf32, #tpu.memory_space<vmem_shared>>
        tpu.enqueue_dma source(%dma_start3A_101 : memref<80x64xf32, #tpu.memory_space<vmem_shared>>) target(%arg10 : memref<80x64xf32, #tpu.memory_space<vmem>>) target_semaphore(%run_scoped3A : memref<!tpu.dma_semaphore, #tpu.memory_space<semaphore_mem>>)
        %dma_wait3A_102 = arith.constant 0 : i32
        %dma_wait3A_103 = tpu.memref_slice %arg15[%add3A_93, %dma_wait3A_102] : memref<10000x64xf32, #tpu.memory_space<vmem_shared>> -> memref<80x64xf32, #tpu.memory_space<vmem_shared>>
        %dma_wait3A_104 = arith.constant 0 : i32
        %dma_wait3A_105 = tpu.memref_slice %arg15[%add3A_93, %dma_wait3A_104] : memref<10000x64xf32, #tpu.memory_space<vmem_shared>> -> memref<80x64xf32, #tpu.memory_space<vmem_shared>>
        tpu.wait_dma2 semaphore(%run_scoped3A : memref<!tpu.dma_semaphore, #tpu.memory_space<semaphore_mem>>) src(%dma_wait3A_105 : memref<80x64xf32, #tpu.memory_space<vmem_shared>>) dst(%arg10 : memref<80x64xf32, #tpu.memory_space<vmem>>)
        tpu.yield
      }) : () -> ()
      "tpu.region"() ({
        %run_scoped3A = tpu.sem_alloc : memref<!tpu.dma_semaphore, #tpu.memory_space<semaphore_mem>>
        %dma_start3A_98 = arith.constant 0 : i32
        %dma_start3A_99 = tpu.memref_slice %arg6[%arg0, %add3A_93, %dma_start3A_98] : memref<2x10000x64xf32, #tpu.memory_space<hbm>> -> memref<1x80x64xf32, #tpu.memory_space<hbm>>
        %dma_start3A_100 = tpu.memref_squeeze %dma_start3A_99 : memref<1x80x64xf32, #tpu.memory_space<hbm>> -> memref<80x64xf32, #tpu.memory_space<hbm>>
        %dma_start3A_101 = arith.constant 0 : i32
        %dma_start3A_102 = tpu.memref_slice %arg6[%arg0, %add3A_93, %dma_start3A_101] : memref<2x10000x64xf32, #tpu.memory_space<hbm>> -> memref<1x80x64xf32, #tpu.memory_space<hbm>>
        %dma_start3A_103 = tpu.memref_squeeze %dma_start3A_102 : memref<1x80x64xf32, #tpu.memory_space<hbm>> -> memref<80x64xf32, #tpu.memory_space<hbm>>
        tpu.enqueue_dma source(%arg10 : memref<80x64xf32, #tpu.memory_space<vmem>>) target(%dma_start3A_103 : memref<80x64xf32, #tpu.memory_space<hbm>>) target_semaphore(%run_scoped3A : memref<!tpu.dma_semaphore, #tpu.memory_space<semaphore_mem>>)
        %dma_wait3A_104 = arith.constant 0 : i32
        %dma_wait3A_105 = tpu.memref_slice %arg6[%arg0, %add3A_93, %dma_wait3A_104] : memref<2x10000x64xf32, #tpu.memory_space<hbm>> -> memref<1x80x64xf32, #tpu.memory_space<hbm>>
        %dma_wait3A_106 = tpu.memref_squeeze %dma_wait3A_105 : memref<1x80x64xf32, #tpu.memory_space<hbm>> -> memref<80x64xf32, #tpu.memory_space<hbm>>
        %dma_wait3A_107 = arith.constant 0 : i32
        %dma_wait3A_108 = tpu.memref_slice %arg6[%arg0, %add3A_93, %dma_wait3A_107] : memref<2x10000x64xf32, #tpu.memory_space<hbm>> -> memref<1x80x64xf32, #tpu.memory_space<hbm>>
        %dma_wait3A_109 = tpu.memref_squeeze %dma_wait3A_108 : memref<1x80x64xf32, #tpu.memory_space<hbm>> -> memref<80x64xf32, #tpu.memory_space<hbm>>
        tpu.wait_dma2 semaphore(%run_scoped3A : memref<!tpu.dma_semaphore, #tpu.memory_space<semaphore_mem>>) src(%arg10 : memref<80x64xf32, #tpu.memory_space<vmem>>) dst(%dma_wait3A_109 : memref<80x64xf32, #tpu.memory_space<hbm>>)
        tpu.yield
      }) : () -> ()
      %mul3A_94 = arith.constant 640 : i32
      %mul3A_95 = arith.muli %arg1, %mul3A_94 : i32
      %add3A_96 = arith.constant 560 : i32
      %add3A_97 = arith.addi %mul3A_95, %add3A_96 : i32
      "tpu.region"() ({
        %run_scoped3A = tpu.sem_alloc : memref<!tpu.dma_semaphore, #tpu.memory_space<semaphore_mem>>
        %dma_start3A_98 = arith.constant 0 : i32
        %dma_start3A_99 = tpu.memref_slice %arg15[%add3A_97, %dma_start3A_98] : memref<10000x64xf32, #tpu.memory_space<vmem_shared>> -> memref<80x64xf32, #tpu.memory_space<vmem_shared>>
        %dma_start3A_100 = arith.constant 0 : i32
        %dma_start3A_101 = tpu.memref_slice %arg15[%add3A_97, %dma_start3A_100] : memref<10000x64xf32, #tpu.memory_space<vmem_shared>> -> memref<80x64xf32, #tpu.memory_space<vmem_shared>>
        tpu.enqueue_dma source(%dma_start3A_101 : memref<80x64xf32, #tpu.memory_space<vmem_shared>>) target(%arg11 : memref<80x64xf32, #tpu.memory_space<vmem>>) target_semaphore(%run_scoped3A : memref<!tpu.dma_semaphore, #tpu.memory_space<semaphore_mem>>)
        %dma_wait3A_102 = arith.constant 0 : i32
        %dma_wait3A_103 = tpu.memref_slice %arg15[%add3A_97, %dma_wait3A_102] : memref<10000x64xf32, #tpu.memory_space<vmem_shared>> -> memref<80x64xf32, #tpu.memory_space<vmem_shared>>
        %dma_wait3A_104 = arith.constant 0 : i32
        %dma_wait3A_105 = tpu.memref_slice %arg15[%add3A_97, %dma_wait3A_104] : memref<10000x64xf32, #tpu.memory_space<vmem_shared>> -> memref<80x64xf32, #tpu.memory_space<vmem_shared>>
        tpu.wait_dma2 semaphore(%run_scoped3A : memref<!tpu.dma_semaphore, #tpu.memory_space<semaphore_mem>>) src(%dma_wait3A_105 : memref<80x64xf32, #tpu.memory_space<vmem_shared>>) dst(%arg11 : memref<80x64xf32, #tpu.memory_space<vmem>>)
        tpu.yield
      }) : () -> ()
      "tpu.region"() ({
        %run_scoped3A = tpu.sem_alloc : memref<!tpu.dma_semaphore, #tpu.memory_space<semaphore_mem>>
        %dma_start3A_98 = arith.constant 0 : i32
        %dma_start3A_99 = tpu.memref_slice %arg6[%arg0, %add3A_97, %dma_start3A_98] : memref<2x10000x64xf32, #tpu.memory_space<hbm>> -> memref<1x80x64xf32, #tpu.memory_space<hbm>>
        %dma_start3A_100 = tpu.memref_squeeze %dma_start3A_99 : memref<1x80x64xf32, #tpu.memory_space<hbm>> -> memref<80x64xf32, #tpu.memory_space<hbm>>
        %dma_start3A_101 = arith.constant 0 : i32
        %dma_start3A_102 = tpu.memref_slice %arg6[%arg0, %add3A_97, %dma_start3A_101] : memref<2x10000x64xf32, #tpu.memory_space<hbm>> -> memref<1x80x64xf32, #tpu.memory_space<hbm>>
        %dma_start3A_103 = tpu.memref_squeeze %dma_start3A_102 : memref<1x80x64xf32, #tpu.memory_space<hbm>> -> memref<80x64xf32, #tpu.memory_space<hbm>>
        tpu.enqueue_dma source(%arg11 : memref<80x64xf32, #tpu.memory_space<vmem>>) target(%dma_start3A_103 : memref<80x64xf32, #tpu.memory_space<hbm>>) target_semaphore(%run_scoped3A : memref<!tpu.dma_semaphore, #tpu.memory_space<semaphore_mem>>)
        %dma_wait3A_104 = arith.constant 0 : i32
        %dma_wait3A_105 = tpu.memref_slice %arg6[%arg0, %add3A_97, %dma_wait3A_104] : memref<2x10000x64xf32, #tpu.memory_space<hbm>> -> memref<1x80x64xf32, #tpu.memory_space<hbm>>
        %dma_wait3A_106 = tpu.memref_squeeze %dma_wait3A_105 : memref<1x80x64xf32, #tpu.memory_space<hbm>> -> memref<80x64xf32, #tpu.memory_space<hbm>>
        %dma_wait3A_107 = arith.constant 0 : i32
        %dma_wait3A_108 = tpu.memref_slice %arg6[%arg0, %add3A_97, %dma_wait3A_107] : memref<2x10000x64xf32, #tpu.memory_space<hbm>> -> memref<1x80x64xf32, #tpu.memory_space<hbm>>
        %dma_wait3A_109 = tpu.memref_squeeze %dma_wait3A_108 : memref<1x80x64xf32, #tpu.memory_space<hbm>> -> memref<80x64xf32, #tpu.memory_space<hbm>>
        tpu.wait_dma2 semaphore(%run_scoped3A : memref<!tpu.dma_semaphore, #tpu.memory_space<semaphore_mem>>) src(%arg11 : memref<80x64xf32, #tpu.memory_space<vmem>>) dst(%dma_wait3A_109 : memref<80x64xf32, #tpu.memory_space<hbm>>)
        tpu.yield
      }) : () -> ()
    } else {
    }
    %eq3A_63 = arith.constant 15 : i32
    %eq3A_64 = arith.cmpi eq, %arg1, %eq3A_63 : i32
    %convert_element_type3A_65 = arith.extui %eq3A_64 : i1 to i32
    %cond3A_66 = arith.constant 0 : i32
    %cond3A_67 = arith.cmpi ne, %convert_element_type3A_65, %cond3A_66 : i32
    scf.if %cond3A_67 {
      %mul3A = arith.constant 640 : i32
      %mul3A_68 = arith.muli %arg1, %mul3A : i32
      %add3A = arith.constant 0 : i32
      %add3A_69 = arith.addi %mul3A_68, %add3A : i32
      "tpu.region"() ({
        %run_scoped3A = tpu.sem_alloc : memref<!tpu.dma_semaphore, #tpu.memory_space<semaphore_mem>>
        %dma_start3A_86 = arith.constant 0 : i32
        %dma_start3A_87 = tpu.memref_slice %arg15[%add3A_69, %dma_start3A_86] : memref<10000x64xf32, #tpu.memory_space<vmem_shared>> -> memref<80x64xf32, #tpu.memory_space<vmem_shared>>
        %dma_start3A_88 = arith.constant 0 : i32
        %dma_start3A_89 = tpu.memref_slice %arg15[%add3A_69, %dma_start3A_88] : memref<10000x64xf32, #tpu.memory_space<vmem_shared>> -> memref<80x64xf32, #tpu.memory_space<vmem_shared>>
        tpu.enqueue_dma source(%dma_start3A_89 : memref<80x64xf32, #tpu.memory_space<vmem_shared>>) target(%arg10 : memref<80x64xf32, #tpu.memory_space<vmem>>) target_semaphore(%run_scoped3A : memref<!tpu.dma_semaphore, #tpu.memory_space<semaphore_mem>>)
        %dma_wait3A_90 = arith.constant 0 : i32
        %dma_wait3A_91 = tpu.memref_slice %arg15[%add3A_69, %dma_wait3A_90] : memref<10000x64xf32, #tpu.memory_space<vmem_shared>> -> memref<80x64xf32, #tpu.memory_space<vmem_shared>>
        %dma_wait3A_92 = arith.constant 0 : i32
        %dma_wait3A_93 = tpu.memref_slice %arg15[%add3A_69, %dma_wait3A_92] : memref<10000x64xf32, #tpu.memory_space<vmem_shared>> -> memref<80x64xf32, #tpu.memory_space<vmem_shared>>
        tpu.wait_dma2 semaphore(%run_scoped3A : memref<!tpu.dma_semaphore, #tpu.memory_space<semaphore_mem>>) src(%dma_wait3A_93 : memref<80x64xf32, #tpu.memory_space<vmem_shared>>) dst(%arg10 : memref<80x64xf32, #tpu.memory_space<vmem>>)
        tpu.yield
      }) : () -> ()
      "tpu.region"() ({
        %run_scoped3A = tpu.sem_alloc : memref<!tpu.dma_semaphore, #tpu.memory_space<semaphore_mem>>
        %dma_start3A_86 = arith.constant 0 : i32
        %dma_start3A_87 = tpu.memref_slice %arg6[%arg0, %add3A_69, %dma_start3A_86] : memref<2x10000x64xf32, #tpu.memory_space<hbm>> -> memref<1x80x64xf32, #tpu.memory_space<hbm>>
        %dma_start3A_88 = tpu.memref_squeeze %dma_start3A_87 : memref<1x80x64xf32, #tpu.memory_space<hbm>> -> memref<80x64xf32, #tpu.memory_space<hbm>>
        %dma_start3A_89 = arith.constant 0 : i32
        %dma_start3A_90 = tpu.memref_slice %arg6[%arg0, %add3A_69, %dma_start3A_89] : memref<2x10000x64xf32, #tpu.memory_space<hbm>> -> memref<1x80x64xf32, #tpu.memory_space<hbm>>
        %dma_start3A_91 = tpu.memref_squeeze %dma_start3A_90 : memref<1x80x64xf32, #tpu.memory_space<hbm>> -> memref<80x64xf32, #tpu.memory_space<hbm>>
        tpu.enqueue_dma source(%arg10 : memref<80x64xf32, #tpu.memory_space<vmem>>) target(%dma_start3A_91 : memref<80x64xf32, #tpu.memory_space<hbm>>) target_semaphore(%run_scoped3A : memref<!tpu.dma_semaphore, #tpu.memory_space<semaphore_mem>>)
        %dma_wait3A_92 = arith.constant 0 : i32
        %dma_wait3A_93 = tpu.memref_slice %arg6[%arg0, %add3A_69, %dma_wait3A_92] : memref<2x10000x64xf32, #tpu.memory_space<hbm>> -> memref<1x80x64xf32, #tpu.memory_space<hbm>>
        %dma_wait3A_94 = tpu.memref_squeeze %dma_wait3A_93 : memref<1x80x64xf32, #tpu.memory_space<hbm>> -> memref<80x64xf32, #tpu.memory_space<hbm>>
        %dma_wait3A_95 = arith.constant 0 : i32
        %dma_wait3A_96 = tpu.memref_slice %arg6[%arg0, %add3A_69, %dma_wait3A_95] : memref<2x10000x64xf32, #tpu.memory_space<hbm>> -> memref<1x80x64xf32, #tpu.memory_space<hbm>>
        %dma_wait3A_97 = tpu.memref_squeeze %dma_wait3A_96 : memref<1x80x64xf32, #tpu.memory_space<hbm>> -> memref<80x64xf32, #tpu.memory_space<hbm>>
        tpu.wait_dma2 semaphore(%run_scoped3A : memref<!tpu.dma_semaphore, #tpu.memory_space<semaphore_mem>>) src(%arg10 : memref<80x64xf32, #tpu.memory_space<vmem>>) dst(%dma_wait3A_97 : memref<80x64xf32, #tpu.memory_space<hbm>>)
        tpu.yield
      }) : () -> ()
      %mul3A_70 = arith.constant 640 : i32
      %mul3A_71 = arith.muli %arg1, %mul3A_70 : i32
      %add3A_72 = arith.constant 80 : i32
      %add3A_73 = arith.addi %mul3A_71, %add3A_72 : i32
      "tpu.region"() ({
        %run_scoped3A = tpu.sem_alloc : memref<!tpu.dma_semaphore, #tpu.memory_space<semaphore_mem>>
        %dma_start3A_86 = arith.constant 0 : i32
        %dma_start3A_87 = tpu.memref_slice %arg15[%add3A_73, %dma_start3A_86] : memref<10000x64xf32, #tpu.memory_space<vmem_shared>> -> memref<80x64xf32, #tpu.memory_space<vmem_shared>>
        %dma_start3A_88 = arith.constant 0 : i32
        %dma_start3A_89 = tpu.memref_slice %arg15[%add3A_73, %dma_start3A_88] : memref<10000x64xf32, #tpu.memory_space<vmem_shared>> -> memref<80x64xf32, #tpu.memory_space<vmem_shared>>
        tpu.enqueue_dma source(%dma_start3A_89 : memref<80x64xf32, #tpu.memory_space<vmem_shared>>) target(%arg11 : memref<80x64xf32, #tpu.memory_space<vmem>>) target_semaphore(%run_scoped3A : memref<!tpu.dma_semaphore, #tpu.memory_space<semaphore_mem>>)
        %dma_wait3A_90 = arith.constant 0 : i32
        %dma_wait3A_91 = tpu.memref_slice %arg15[%add3A_73, %dma_wait3A_90] : memref<10000x64xf32, #tpu.memory_space<vmem_shared>> -> memref<80x64xf32, #tpu.memory_space<vmem_shared>>
        %dma_wait3A_92 = arith.constant 0 : i32
        %dma_wait3A_93 = tpu.memref_slice %arg15[%add3A_73, %dma_wait3A_92] : memref<10000x64xf32, #tpu.memory_space<vmem_shared>> -> memref<80x64xf32, #tpu.memory_space<vmem_shared>>
        tpu.wait_dma2 semaphore(%run_scoped3A : memref<!tpu.dma_semaphore, #tpu.memory_space<semaphore_mem>>) src(%dma_wait3A_93 : memref<80x64xf32, #tpu.memory_space<vmem_shared>>) dst(%arg11 : memref<80x64xf32, #tpu.memory_space<vmem>>)
        tpu.yield
      }) : () -> ()
      "tpu.region"() ({
        %run_scoped3A = tpu.sem_alloc : memref<!tpu.dma_semaphore, #tpu.memory_space<semaphore_mem>>
        %dma_start3A_86 = arith.constant 0 : i32
        %dma_start3A_87 = tpu.memref_slice %arg6[%arg0, %add3A_73, %dma_start3A_86] : memref<2x10000x64xf32, #tpu.memory_space<hbm>> -> memref<1x80x64xf32, #tpu.memory_space<hbm>>
        %dma_start3A_88 = tpu.memref_squeeze %dma_start3A_87 : memref<1x80x64xf32, #tpu.memory_space<hbm>> -> memref<80x64xf32, #tpu.memory_space<hbm>>
        %dma_start3A_89 = arith.constant 0 : i32
        %dma_start3A_90 = tpu.memref_slice %arg6[%arg0, %add3A_73, %dma_start3A_89] : memref<2x10000x64xf32, #tpu.memory_space<hbm>> -> memref<1x80x64xf32, #tpu.memory_space<hbm>>
        %dma_start3A_91 = tpu.memref_squeeze %dma_start3A_90 : memref<1x80x64xf32, #tpu.memory_space<hbm>> -> memref<80x64xf32, #tpu.memory_space<hbm>>
        tpu.enqueue_dma source(%arg11 : memref<80x64xf32, #tpu.memory_space<vmem>>) target(%dma_start3A_91 : memref<80x64xf32, #tpu.memory_space<hbm>>) target_semaphore(%run_scoped3A : memref<!tpu.dma_semaphore, #tpu.memory_space<semaphore_mem>>)
        %dma_wait3A_92 = arith.constant 0 : i32
        %dma_wait3A_93 = tpu.memref_slice %arg6[%arg0, %add3A_73, %dma_wait3A_92] : memref<2x10000x64xf32, #tpu.memory_space<hbm>> -> memref<1x80x64xf32, #tpu.memory_space<hbm>>
        %dma_wait3A_94 = tpu.memref_squeeze %dma_wait3A_93 : memref<1x80x64xf32, #tpu.memory_space<hbm>> -> memref<80x64xf32, #tpu.memory_space<hbm>>
        %dma_wait3A_95 = arith.constant 0 : i32
        %dma_wait3A_96 = tpu.memref_slice %arg6[%arg0, %add3A_73, %dma_wait3A_95] : memref<2x10000x64xf32, #tpu.memory_space<hbm>> -> memref<1x80x64xf32, #tpu.memory_space<hbm>>
        %dma_wait3A_97 = tpu.memref_squeeze %dma_wait3A_96 : memref<1x80x64xf32, #tpu.memory_space<hbm>> -> memref<80x64xf32, #tpu.memory_space<hbm>>
        tpu.wait_dma2 semaphore(%run_scoped3A : memref<!tpu.dma_semaphore, #tpu.memory_space<semaphore_mem>>) src(%arg11 : memref<80x64xf32, #tpu.memory_space<vmem>>) dst(%dma_wait3A_97 : memref<80x64xf32, #tpu.memory_space<hbm>>)
        tpu.yield
      }) : () -> ()
      %mul3A_74 = arith.constant 640 : i32
      %mul3A_75 = arith.muli %arg1, %mul3A_74 : i32
      %add3A_76 = arith.constant 160 : i32
      %add3A_77 = arith.addi %mul3A_75, %add3A_76 : i32
      "tpu.region"() ({
        %run_scoped3A = tpu.sem_alloc : memref<!tpu.dma_semaphore, #tpu.memory_space<semaphore_mem>>
        %dma_start3A_86 = arith.constant 0 : i32
        %dma_start3A_87 = tpu.memref_slice %arg15[%add3A_77, %dma_start3A_86] : memref<10000x64xf32, #tpu.memory_space<vmem_shared>> -> memref<80x64xf32, #tpu.memory_space<vmem_shared>>
        %dma_start3A_88 = arith.constant 0 : i32
        %dma_start3A_89 = tpu.memref_slice %arg15[%add3A_77, %dma_start3A_88] : memref<10000x64xf32, #tpu.memory_space<vmem_shared>> -> memref<80x64xf32, #tpu.memory_space<vmem_shared>>
        tpu.enqueue_dma source(%dma_start3A_89 : memref<80x64xf32, #tpu.memory_space<vmem_shared>>) target(%arg10 : memref<80x64xf32, #tpu.memory_space<vmem>>) target_semaphore(%run_scoped3A : memref<!tpu.dma_semaphore, #tpu.memory_space<semaphore_mem>>)
        %dma_wait3A_90 = arith.constant 0 : i32
        %dma_wait3A_91 = tpu.memref_slice %arg15[%add3A_77, %dma_wait3A_90] : memref<10000x64xf32, #tpu.memory_space<vmem_shared>> -> memref<80x64xf32, #tpu.memory_space<vmem_shared>>
        %dma_wait3A_92 = arith.constant 0 : i32
        %dma_wait3A_93 = tpu.memref_slice %arg15[%add3A_77, %dma_wait3A_92] : memref<10000x64xf32, #tpu.memory_space<vmem_shared>> -> memref<80x64xf32, #tpu.memory_space<vmem_shared>>
        tpu.wait_dma2 semaphore(%run_scoped3A : memref<!tpu.dma_semaphore, #tpu.memory_space<semaphore_mem>>) src(%dma_wait3A_93 : memref<80x64xf32, #tpu.memory_space<vmem_shared>>) dst(%arg10 : memref<80x64xf32, #tpu.memory_space<vmem>>)
        tpu.yield
      }) : () -> ()
      "tpu.region"() ({
        %run_scoped3A = tpu.sem_alloc : memref<!tpu.dma_semaphore, #tpu.memory_space<semaphore_mem>>
        %dma_start3A_86 = arith.constant 0 : i32
        %dma_start3A_87 = tpu.memref_slice %arg6[%arg0, %add3A_77, %dma_start3A_86] : memref<2x10000x64xf32, #tpu.memory_space<hbm>> -> memref<1x80x64xf32, #tpu.memory_space<hbm>>
        %dma_start3A_88 = tpu.memref_squeeze %dma_start3A_87 : memref<1x80x64xf32, #tpu.memory_space<hbm>> -> memref<80x64xf32, #tpu.memory_space<hbm>>
        %dma_start3A_89 = arith.constant 0 : i32
        %dma_start3A_90 = tpu.memref_slice %arg6[%arg0, %add3A_77, %dma_start3A_89] : memref<2x10000x64xf32, #tpu.memory_space<hbm>> -> memref<1x80x64xf32, #tpu.memory_space<hbm>>
        %dma_start3A_91 = tpu.memref_squeeze %dma_start3A_90 : memref<1x80x64xf32, #tpu.memory_space<hbm>> -> memref<80x64xf32, #tpu.memory_space<hbm>>
        tpu.enqueue_dma source(%arg10 : memref<80x64xf32, #tpu.memory_space<vmem>>) target(%dma_start3A_91 : memref<80x64xf32, #tpu.memory_space<hbm>>) target_semaphore(%run_scoped3A : memref<!tpu.dma_semaphore, #tpu.memory_space<semaphore_mem>>)
        %dma_wait3A_92 = arith.constant 0 : i32
        %dma_wait3A_93 = tpu.memref_slice %arg6[%arg0, %add3A_77, %dma_wait3A_92] : memref<2x10000x64xf32, #tpu.memory_space<hbm>> -> memref<1x80x64xf32, #tpu.memory_space<hbm>>
        %dma_wait3A_94 = tpu.memref_squeeze %dma_wait3A_93 : memref<1x80x64xf32, #tpu.memory_space<hbm>> -> memref<80x64xf32, #tpu.memory_space<hbm>>
        %dma_wait3A_95 = arith.constant 0 : i32
        %dma_wait3A_96 = tpu.memref_slice %arg6[%arg0, %add3A_77, %dma_wait3A_95] : memref<2x10000x64xf32, #tpu.memory_space<hbm>> -> memref<1x80x64xf32, #tpu.memory_space<hbm>>
        %dma_wait3A_97 = tpu.memref_squeeze %dma_wait3A_96 : memref<1x80x64xf32, #tpu.memory_space<hbm>> -> memref<80x64xf32, #tpu.memory_space<hbm>>
        tpu.wait_dma2 semaphore(%run_scoped3A : memref<!tpu.dma_semaphore, #tpu.memory_space<semaphore_mem>>) src(%arg10 : memref<80x64xf32, #tpu.memory_space<vmem>>) dst(%dma_wait3A_97 : memref<80x64xf32, #tpu.memory_space<hbm>>)
        tpu.yield
      }) : () -> ()
      %mul3A_78 = arith.constant 640 : i32
      %mul3A_79 = arith.muli %arg1, %mul3A_78 : i32
      %add3A_80 = arith.constant 240 : i32
      %add3A_81 = arith.addi %mul3A_79, %add3A_80 : i32
      "tpu.region"() ({
        %run_scoped3A = tpu.sem_alloc : memref<!tpu.dma_semaphore, #tpu.memory_space<semaphore_mem>>
        %dma_start3A_86 = arith.constant 0 : i32
        %dma_start3A_87 = tpu.memref_slice %arg15[%add3A_81, %dma_start3A_86] : memref<10000x64xf32, #tpu.memory_space<vmem_shared>> -> memref<80x64xf32, #tpu.memory_space<vmem_shared>>
        %dma_start3A_88 = arith.constant 0 : i32
        %dma_start3A_89 = tpu.memref_slice %arg15[%add3A_81, %dma_start3A_88] : memref<10000x64xf32, #tpu.memory_space<vmem_shared>> -> memref<80x64xf32, #tpu.memory_space<vmem_shared>>
        tpu.enqueue_dma source(%dma_start3A_89 : memref<80x64xf32, #tpu.memory_space<vmem_shared>>) target(%arg11 : memref<80x64xf32, #tpu.memory_space<vmem>>) target_semaphore(%run_scoped3A : memref<!tpu.dma_semaphore, #tpu.memory_space<semaphore_mem>>)
        %dma_wait3A_90 = arith.constant 0 : i32
        %dma_wait3A_91 = tpu.memref_slice %arg15[%add3A_81, %dma_wait3A_90] : memref<10000x64xf32, #tpu.memory_space<vmem_shared>> -> memref<80x64xf32, #tpu.memory_space<vmem_shared>>
        %dma_wait3A_92 = arith.constant 0 : i32
        %dma_wait3A_93 = tpu.memref_slice %arg15[%add3A_81, %dma_wait3A_92] : memref<10000x64xf32, #tpu.memory_space<vmem_shared>> -> memref<80x64xf32, #tpu.memory_space<vmem_shared>>
        tpu.wait_dma2 semaphore(%run_scoped3A : memref<!tpu.dma_semaphore, #tpu.memory_space<semaphore_mem>>) src(%dma_wait3A_93 : memref<80x64xf32, #tpu.memory_space<vmem_shared>>) dst(%arg11 : memref<80x64xf32, #tpu.memory_space<vmem>>)
        tpu.yield
      }) : () -> ()
      "tpu.region"() ({
        %run_scoped3A = tpu.sem_alloc : memref<!tpu.dma_semaphore, #tpu.memory_space<semaphore_mem>>
        %dma_start3A_86 = arith.constant 0 : i32
        %dma_start3A_87 = tpu.memref_slice %arg6[%arg0, %add3A_81, %dma_start3A_86] : memref<2x10000x64xf32, #tpu.memory_space<hbm>> -> memref<1x80x64xf32, #tpu.memory_space<hbm>>
        %dma_start3A_88 = tpu.memref_squeeze %dma_start3A_87 : memref<1x80x64xf32, #tpu.memory_space<hbm>> -> memref<80x64xf32, #tpu.memory_space<hbm>>
        %dma_start3A_89 = arith.constant 0 : i32
        %dma_start3A_90 = tpu.memref_slice %arg6[%arg0, %add3A_81, %dma_start3A_89] : memref<2x10000x64xf32, #tpu.memory_space<hbm>> -> memref<1x80x64xf32, #tpu.memory_space<hbm>>
        %dma_start3A_91 = tpu.memref_squeeze %dma_start3A_90 : memref<1x80x64xf32, #tpu.memory_space<hbm>> -> memref<80x64xf32, #tpu.memory_space<hbm>>
        tpu.enqueue_dma source(%arg11 : memref<80x64xf32, #tpu.memory_space<vmem>>) target(%dma_start3A_91 : memref<80x64xf32, #tpu.memory_space<hbm>>) target_semaphore(%run_scoped3A : memref<!tpu.dma_semaphore, #tpu.memory_space<semaphore_mem>>)
        %dma_wait3A_92 = arith.constant 0 : i32
        %dma_wait3A_93 = tpu.memref_slice %arg6[%arg0, %add3A_81, %dma_wait3A_92] : memref<2x10000x64xf32, #tpu.memory_space<hbm>> -> memref<1x80x64xf32, #tpu.memory_space<hbm>>
        %dma_wait3A_94 = tpu.memref_squeeze %dma_wait3A_93 : memref<1x80x64xf32, #tpu.memory_space<hbm>> -> memref<80x64xf32, #tpu.memory_space<hbm>>
        %dma_wait3A_95 = arith.constant 0 : i32
        %dma_wait3A_96 = tpu.memref_slice %arg6[%arg0, %add3A_81, %dma_wait3A_95] : memref<2x10000x64xf32, #tpu.memory_space<hbm>> -> memref<1x80x64xf32, #tpu.memory_space<hbm>>
        %dma_wait3A_97 = tpu.memref_squeeze %dma_wait3A_96 : memref<1x80x64xf32, #tpu.memory_space<hbm>> -> memref<80x64xf32, #tpu.memory_space<hbm>>
        tpu.wait_dma2 semaphore(%run_scoped3A : memref<!tpu.dma_semaphore, #tpu.memory_space<semaphore_mem>>) src(%arg11 : memref<80x64xf32, #tpu.memory_space<vmem>>) dst(%dma_wait3A_97 : memref<80x64xf32, #tpu.memory_space<hbm>>)
        tpu.yield
      }) : () -> ()
      %mul3A_82 = arith.constant 640 : i32
      %mul3A_83 = arith.muli %arg1, %mul3A_82 : i32
      %add3A_84 = arith.constant 320 : i32
      %add3A_85 = arith.addi %mul3A_83, %add3A_84 : i32
      "tpu.region"() ({
        %run_scoped3A = tpu.sem_alloc : memref<!tpu.dma_semaphore, #tpu.memory_space<semaphore_mem>>
        %dma_start3A_86 = arith.constant 0 : i32
        %dma_start3A_87 = tpu.memref_slice %arg15[%add3A_85, %dma_start3A_86] : memref<10000x64xf32, #tpu.memory_space<vmem_shared>> -> memref<80x64xf32, #tpu.memory_space<vmem_shared>>
        %dma_start3A_88 = arith.constant 0 : i32
        %dma_start3A_89 = tpu.memref_slice %arg15[%add3A_85, %dma_start3A_88] : memref<10000x64xf32, #tpu.memory_space<vmem_shared>> -> memref<80x64xf32, #tpu.memory_space<vmem_shared>>
        tpu.enqueue_dma source(%dma_start3A_89 : memref<80x64xf32, #tpu.memory_space<vmem_shared>>) target(%arg10 : memref<80x64xf32, #tpu.memory_space<vmem>>) target_semaphore(%run_scoped3A : memref<!tpu.dma_semaphore, #tpu.memory_space<semaphore_mem>>)
        %dma_wait3A_90 = arith.constant 0 : i32
        %dma_wait3A_91 = tpu.memref_slice %arg15[%add3A_85, %dma_wait3A_90] : memref<10000x64xf32, #tpu.memory_space<vmem_shared>> -> memref<80x64xf32, #tpu.memory_space<vmem_shared>>
        %dma_wait3A_92 = arith.constant 0 : i32
        %dma_wait3A_93 = tpu.memref_slice %arg15[%add3A_85, %dma_wait3A_92] : memref<10000x64xf32, #tpu.memory_space<vmem_shared>> -> memref<80x64xf32, #tpu.memory_space<vmem_shared>>
        tpu.wait_dma2 semaphore(%run_scoped3A : memref<!tpu.dma_semaphore, #tpu.memory_space<semaphore_mem>>) src(%dma_wait3A_93 : memref<80x64xf32, #tpu.memory_space<vmem_shared>>) dst(%arg10 : memref<80x64xf32, #tpu.memory_space<vmem>>)
        tpu.yield
      }) : () -> ()
      "tpu.region"() ({
        %run_scoped3A = tpu.sem_alloc : memref<!tpu.dma_semaphore, #tpu.memory_space<semaphore_mem>>
        %dma_start3A_86 = arith.constant 0 : i32
        %dma_start3A_87 = tpu.memref_slice %arg6[%arg0, %add3A_85, %dma_start3A_86] : memref<2x10000x64xf32, #tpu.memory_space<hbm>> -> memref<1x80x64xf32, #tpu.memory_space<hbm>>
        %dma_start3A_88 = tpu.memref_squeeze %dma_start3A_87 : memref<1x80x64xf32, #tpu.memory_space<hbm>> -> memref<80x64xf32, #tpu.memory_space<hbm>>
        %dma_start3A_89 = arith.constant 0 : i32
        %dma_start3A_90 = tpu.memref_slice %arg6[%arg0, %add3A_85, %dma_start3A_89] : memref<2x10000x64xf32, #tpu.memory_space<hbm>> -> memref<1x80x64xf32, #tpu.memory_space<hbm>>
        %dma_start3A_91 = tpu.memref_squeeze %dma_start3A_90 : memref<1x80x64xf32, #tpu.memory_space<hbm>> -> memref<80x64xf32, #tpu.memory_space<hbm>>
        tpu.enqueue_dma source(%arg10 : memref<80x64xf32, #tpu.memory_space<vmem>>) target(%dma_start3A_91 : memref<80x64xf32, #tpu.memory_space<hbm>>) target_semaphore(%run_scoped3A : memref<!tpu.dma_semaphore, #tpu.memory_space<semaphore_mem>>)
        %dma_wait3A_92 = arith.constant 0 : i32
        %dma_wait3A_93 = tpu.memref_slice %arg6[%arg0, %add3A_85, %dma_wait3A_92] : memref<2x10000x64xf32, #tpu.memory_space<hbm>> -> memref<1x80x64xf32, #tpu.memory_space<hbm>>
        %dma_wait3A_94 = tpu.memref_squeeze %dma_wait3A_93 : memref<1x80x64xf32, #tpu.memory_space<hbm>> -> memref<80x64xf32, #tpu.memory_space<hbm>>
        %dma_wait3A_95 = arith.constant 0 : i32
        %dma_wait3A_96 = tpu.memref_slice %arg6[%arg0, %add3A_85, %dma_wait3A_95] : memref<2x10000x64xf32, #tpu.memory_space<hbm>> -> memref<1x80x64xf32, #tpu.memory_space<hbm>>
        %dma_wait3A_97 = tpu.memref_squeeze %dma_wait3A_96 : memref<1x80x64xf32, #tpu.memory_space<hbm>> -> memref<80x64xf32, #tpu.memory_space<hbm>>
        tpu.wait_dma2 semaphore(%run_scoped3A : memref<!tpu.dma_semaphore, #tpu.memory_space<semaphore_mem>>) src(%arg10 : memref<80x64xf32, #tpu.memory_space<vmem>>) dst(%dma_wait3A_97 : memref<80x64xf32, #tpu.memory_space<hbm>>)
        tpu.yield
      }) : () -> ()
    } else {
    }
    return
  }
}

module attributes {stable_mosaic.version = 14 : i64} {
  func.func @_tc_body(%arg0: i32, %arg1: memref<2x1000x64xf32, #tpu.memory_space<vmem>>, %arg2: memref<128x128xf32, #tpu.memory_space<vmem>>, %arg3: memref<1000x128xf32, #tpu.memory_space<vmem>>) attributes {dimension_semantics = [#tpu.dimension_semantics<arbitrary>], iteration_bounds = array<i64: 10>, scalar_prefetch = 0 : i64, scratch_operands = 0 : i64, tpu.core_type = #tpu.core_type<tc>, window_params = [{transform_indices = @transform_0, window_bounds = array<i64: 2, 1000, 64>}, {pipeline_mode = #tpu.pipeline_mode<synchronous>, transform_indices = @transform_1, window_bounds = array<i64: 128, 128>}, {transform_indices = @transform_2, window_bounds = array<i64: 1000, 128>}]} {
    %get3A = arith.constant 0 : index
    %get3A_0 = arith.constant 0 : index
    %get3A_1 = arith.constant 0 : index
    %get3A_2 = vector.load %arg1[%get3A, %get3A_0, %get3A_1] : memref<2x1000x64xf32, #tpu.memory_space<vmem>>, vector<1x1000x64xf32>
    %get3A_3 = vector.shape_cast %get3A_2 : vector<1x1000x64xf32> to vector<1000x64xf32>
    %get3A_4 = arith.constant 0 : index
    %get3A_5 = arith.constant 0 : index
    %get3A_6 = vector.load %arg2[%get3A_4, %get3A_5] : memref<128x128xf32, #tpu.memory_space<vmem>>, vector<64x128xf32>
    %dot_general3A = arith.constant dense<0.000000e+00> : vector<1000x128xf32>
    %dot_general3A_7 = tpu.matmul %get3A_3, %get3A_6, %dot_general3A {dimension_numbers = #tpu.dot_dimension_numbers<[1], [0], [0], [1], [0, 0, 1, 1], [], []>, transpose_lhs_hint = false} : vector<1000x64xf32>, vector<64x128xf32>, vector<1000x128xf32> -> vector<1000x128xf32>
    %get3A_8 = arith.constant 1 : index
    %get3A_9 = arith.constant 0 : index
    %get3A_10 = arith.constant 0 : index
    %get3A_11 = vector.load %arg1[%get3A_8, %get3A_9, %get3A_10] : memref<2x1000x64xf32, #tpu.memory_space<vmem>>, vector<1x1000x64xf32>
    %get3A_12 = vector.shape_cast %get3A_11 : vector<1x1000x64xf32> to vector<1000x64xf32>
    %get3A_13 = arith.constant 64 : index
    %get3A_14 = arith.constant 0 : index
    %get3A_15 = vector.load %arg2[%get3A_13, %get3A_14] : memref<128x128xf32, #tpu.memory_space<vmem>>, vector<64x128xf32>
    %dot_general3A_16 = arith.constant dense<0.000000e+00> : vector<1000x128xf32>
    %dot_general3A_17 = tpu.matmul %get3A_12, %get3A_15, %dot_general3A_16 {dimension_numbers = #tpu.dot_dimension_numbers<[1], [0], [0], [1], [0, 0, 1, 1], [], []>, transpose_lhs_hint = false} : vector<1000x64xf32>, vector<64x128xf32>, vector<1000x128xf32> -> vector<1000x128xf32>
    %add3A = arith.addf %dot_general3A_7, %dot_general3A_17 : vector<1000x128xf32>
    %max3A = arith.constant 0.000000e+00 : f32
    %max3A_18 = vector.broadcast %max3A : f32 to vector<1000x128xf32>
    %max3A_19 = arith.maximumf %add3A, %max3A_18 : vector<1000x128xf32>
    %swap3A = arith.constant 0 : index
    %swap3A_20 = arith.constant 0 : index
    %swap3A_21 = vector.load %arg3[%swap3A, %swap3A_20] : memref<1000x128xf32, #tpu.memory_space<vmem>>, vector<1000x128xf32>
    tpu.vector_store %arg3[%swap3A, %swap3A_20], %max3A_19 {strides = array<i32>} : memref<1000x128xf32, #tpu.memory_space<vmem>>, vector<1000x128xf32>,
    return
  }
  func.func @transform_0(%arg0: i32) -> (i32, i32, i32) {
    %c0_i32 = arith.constant 0 : i32
    %c0_i32_0 = arith.constant 0 : i32
    %c0_i32_1 = arith.constant 0 : i32
    return %c0_i32, %arg0, %c0_i32_0 : i32, i32, i32
  }
  func.func @transform_1(%arg0: i32) -> (i32, i32) {
    %c0_i32 = arith.constant 0 : i32
    %c0_i32_0 = arith.constant 0 : i32
    %c0_i32_1 = arith.constant 0 : i32
    return %c0_i32, %c0_i32_0 : i32, i32
  }
  func.func @transform_2(%arg0: i32) -> (i32, i32) {
    %c0_i32 = arith.constant 0 : i32
    %c0_i32_0 = arith.constant 0 : i32
    return %arg0, %c0_i32 : i32, i32
  }
}

</mosaic_0001>

<sc_bundles>
// kernel: kernel.4.cloned.1.call-start
scs
__scs_entry_jumppad:
0x0: {  	(pc) =	sbr.rel $0x88, $3  }
0x1: {  	(tag) =	ssettag $0x0;
	lr =	simm.s32 $0x1  }
0x2: {  	[smem:$0x3F9D] =	sst lr;
	_ =	strace $0xD0000000  }
0x3: {  	_ = 	snop  }
0x4: {  	_ = 	snop  }
0x5: {  	_ = 	snop  }
0x6: {  	_ = 	snop  }
0x7: {  	_ = 	snop  }
__scs_overlays_trampoline_lowered:
0x8: {  	[smem:$0x3FAC] =	sst s0  }
0x9: {  	[smem:$0x3FAD] =	sst s1  }
0xa: {  	[smem:$0x3FAE] =	sst s2  }
0xb: {  	[smem:$0x3FAF] =	sst s3  }
0xc: {  	[smem:$0x3FB0] =	sst s4  }
0xd: {  	[smem:$0x3FB1] =	sst s5  }
0xe: {  	[smem:$0x3FB2] =	sst s6  }
0xf: {  	[smem:$0x3FB3] =	sst s7  }
0x10: {  	[smem:$0x3FB4] =	sst s8  }
0x11: {  	[smem:$0x3FB5] =	sst s9;
	s0 =	simm.s32 @!p0 $0x0  }
0x12: {  	s1 =	sld [smem:$0x3F9B];
	s0 =	simm.s32 @p0 $0x1  }
0x13: {  	[smem:$0x3FB6] =	sst s0;
	s0 =	simm.s32 @!p1 $0x0  }
0x14: {  	s2 =	sld [smem:$0x3F9A];
	s0 =	simm.s32 @p1 $0x1  }
0x15: {  	[smem:$0x3FB7] =	sst s0;
	s0 =	simm.s32 @!p2 $0x0  }
0x16: {  	s3 =	sld [smem:$0x3FDB];
	s0 =	simm.s32 @p2 $0x1  }
0x17: {  	s4 =	simm.s32 $0x1BF5;
	[smem:$0x3FB9] =	sst s0  }
0x18: {  	s0 =	sld [smem:$0x3F9C];
	_ =	swait.ge [sflag:s4], $0x0  }
0x19: {  	s7 =	sld [smem:$0x3F9D]  }
0x1a: {  	s8 =	sadd.s32 $0xFFFFE003, lr  }
0x1b: {  	s9 =	sadd.s32 $0xFFFFFEF7, lr;
	s5 =	simm.s32 $0xFFFFFFFF;
	p2 =	slt.u32 s8, $0xFFFFF086  }
0x1c: {  	p1 =	slt.u32 s9, $0xF7A;
	s5 =	simm.s32 @!p2 $0x0  }
0x1d: {  	s5 =	simm.s32 @p1 $0x1;
	p0 =	seq.s32 s7, s2  }
0x1e: {  	s7 =	smul.u32 @!p0 $0xF7A, s2;
	p2 =	seq.s32 @!p0 s5, $0x0  }
0x1f: {  	s9 =	smul.u32 $0xF7A, s1;
	s8 =	simm.s32 @!p0 $0x1BF5;
	p2 =	por !p2, p0  }
0x20: {  	[sflag:s8] =	ssyncset.s32 @!p0 $0xFFFFF086;
	s6 =	sadd.s32 @!p0 s3, s7;
	s7 =	simm.s32 @!p0 $0x108  }
0x21: {  	s3 =	sadd.s32 s3, s9;
	s6 =	sadd.s32 @!p0 $0x88, s6;
	s7 =	simm.s32 @p2 $0x1082  }
0x22: {  	[simem:s7], [sflag:s8] =	dma.local @!p0 [hbm:s6], $0xF7A  }
0x23: {  	s9 =	sor.u32 $0xD0000000, s2;
	s6 =	simm.s32 $0x108;
	_ =	swait.ge @!p0 [sflag:s8], $0x0  }
0x24: {  	s3 =	sadd.s32 $0x88, s3;
	s6 =	simm.s32 @!p1 $0x1082;
	[sflag:s4] =	ssyncset.s32 $0xFFFFF086  }
0x25: {  	[simem:s6], [sflag:s4] =	dma.local [hbm:s3], $0xF7A  }
0x26: {  	[smem:$0x3F9D] =	sst s1;
	(tag) =	ssettag s2;
	_ =	strace s9  }
0x27: {  	s1 =	sld [smem:$0x3FAD]  }
0x28: {  	s2 =	sld [smem:$0x3FAE]  }
0x29: {  	s4 =	sld [smem:$0x3FB0]  }
0x2a: {  	p0 =	seq.s32 s5, $0x0;
	s5 =	sld [smem:$0x3FB1]  }
0x2b: {  	s6 =	sld [smem:$0x3FB2]  }
0x2c: {  	s7 =	sld [smem:$0x3FB3]  }
0x2d: {  	s3 =	simm.s32 $0x108;
	s8 =	sld [smem:$0x3FB4]  }
0x2e: {  	s3 =	simm.s32 @!p0 $0x1082;
	s9 =	sld [smem:$0x3FB5]  }
0x2f: {  	lr =	sadd.s32 s0, s3;
	s0 =	sld [smem:$0x3FAC]  }
0x30: {  	s3 =	sld [smem:$0x3FAF]  }
0x31: {  	[smem:$0x3FB8] =	sst s10  }
0x32: {  	s10 =	sld [smem:$0x3FB6];
	_ =	sdelay $0x3  }
0x33: {  	p0 =	seq.s32 s10, $0x1;
	s10 =	sld [smem:$0x3FB8];
	_ =	sdelay $0x3  }
0x34: {  	[smem:$0x3FB8] =	sst s10  }
0x35: {  	s10 =	sld [smem:$0x3FB7];
	_ =	sdelay $0x3  }
0x36: {  	p1 =	seq.s32 s10, $0x1;
	s10 =	sld [smem:$0x3FB8];
	_ =	sdelay $0x3  }
0x37: {  	[smem:$0x3FB8] =	sst s10  }
0x38: {  	s10 =	sld [smem:$0x3FB9]  }
0x39: {  	_ = 	snop;
	(pc) =	sbr.ind lr, $3  }
0x3a: {  	_ = 	snop  }
0x3b: {  	_ = 	snop  }
0x3c: {  	p2 =	seq.s32 s10, $0x1;
	s10 =	sld [smem:$0x3FB8]  }
0x3d: {  	_ =	shalt  }
0x3e: {  	_ =	shalt  }
0x3f: {  	_ =	shalt  }
0x40: {  	_ =	shalt  }
0x41: {  	_ =	shalt  }
0x42: {  	_ =	shalt  }
0x43: {  	_ =	shalt  }
0x44: {  	_ =	shalt  }
0x45: {  	_ =	shalt  }
0x46: {  	_ =	shalt  }
0x47: {  	_ =	shalt  }
0x48: {  	_ =	shalt  }
0x49: {  	_ =	shalt  }
0x4a: {  	_ =	shalt  }
0x4b: {  	_ =	shalt  }
0x4c: {  	_ =	shalt  }
0x4d: {  	_ =	shalt  }
0x4e: {  	_ =	shalt  }
0x4f: {  	_ =	shalt  }
0x50: {  	_ =	shalt  }
0x51: {  	_ =	shalt  }
0x52: {  	_ =	shalt  }
0x53: {  	_ =	shalt  }
0x54: {  	_ =	shalt  }
0x55: {  	_ =	shalt  }
0x56: {  	_ =	shalt  }
0x57: {  	_ =	shalt  }
0x58: {  	_ =	shalt  }
0x59: {  	_ =	shalt  }
0x5a: {  	_ =	shalt  }
0x5b: {  	_ =	shalt  }
0x5c: {  	_ =	shalt  }
0x5d: {  	_ =	shalt  }
0x5e: {  	_ =	shalt  }
0x5f: {  	_ =	shalt  }
0x60: {  	_ =	shalt  }
0x61: {  	_ =	shalt  }
0x62: {  	_ =	shalt  }
0x63: {  	_ =	shalt  }
0x64: {  	_ =	shalt  }
0x65: {  	_ =	shalt  }
0x66: {  	_ =	shalt  }
0x67: {  	_ =	shalt  }
0x68: {  	_ =	shalt  }
0x69: {  	_ =	shalt  }
0x6a: {  	_ =	shalt  }
0x6b: {  	_ =	shalt  }
0x6c: {  	_ =	shalt  }
0x6d: {  	_ =	shalt  }
0x6e: {  	_ =	shalt  }
0x6f: {  	_ =	shalt  }
0x70: {  	_ =	shalt  }
0x71: {  	_ =	shalt  }
0x72: {  	_ =	shalt  }
0x73: {  	_ =	shalt  }
0x74: {  	_ =	shalt  }
0x75: {  	_ =	shalt  }
0x76: {  	_ =	shalt  }
0x77: {  	_ =	shalt  }
0x78: {  	_ =	shalt  }
0x79: {  	_ =	shalt  }
0x7a: {  	_ =	shalt  }
0x7b: {  	_ =	shalt  }
0x7c: {  	_ =	shalt  }
0x7d: {  	_ =	shalt  }
0x7e: {  	_ =	shalt  }
0x7f: {  	_ =	shalt  }
0x80: {  	_ =	shalt  }
0x81: {  	_ =	shalt  }
0x82: {  	_ =	shalt  }
0x83: {  	_ =	shalt  }
0x84: {  	_ =	shalt  }
0x85: {  	_ =	shalt  }
0x86: {  	_ =	shalt  }
0x87: {  	_ =	shalt  }
.Lfunc_end0:
.L_simem_size_0:
called_computation_lowered:
.L_overlay_start_0:
0x88: {  	s2 =	sld [smem:$0x3FD9]  }
0x89: {  	s3 =	sld [smem:$0x3FFE];
	_ =	sdelay $0x1  }
0x8a: {  	s1 =	srdreg.scid  }
0x8b: {  	s0 =	sand.u32 $0x1, s1  }
0x8c: {  	s17 =	sshll.u32 s0, $0xA;
	s2 =	sadd.s32 s3, s2  }
0x8d: {  	s2 =	sadd.s32 s2, s17  }
0x8e: {  	[smem:$0x3FC4] =	sst s2  }
0x8f: {  	_ = 	snop  }
0x90: {  	s2 =	sld [smem:$0x3FC9]  }
0x91: {  	s18 =	sld [smem:$0x3FC8]  }
0x92: {  	s4 =	sld [smem:$0x3FD0];
	(tm) =	ssettm $0x1  }
0x93: {  	s5 =	sld [smem:$0x3FFB];
	_ =	sdelay $0x3  }
0x94: {  	_ =	strace s5  }
0x95: {  	s5 =	sld [smem:$0x3FFC];
	_ =	sdelay $0x3  }
0x96: {  	_ =	strace s5  }
0x97: {  	s5 =	sld [smem:$0x3FFD];
	_ =	sdelay $0x3  }
0x98: {  	_ =	strace s5  }
0x99: {  	_ =	strace $0x8FFFFFFF  }
0x9a: {  	s19 =	sld [smem:$0x3FDB];
	_ =	sdelay $0x1  }
0x9b: {  	s6 =	simm.s32 $_scs_section_size  }
0x9c: {  	s7 =	simm.s32 $_size__tile_overlayer_lowered;
	s8 =	simm.s32 $_tile_overlayer_lowered  }
0x9d: {  	s22 =	simm.s32 $0x1BFF;
	s21 =	sshll.u32 s8, $0x1;
	s5 =	sadd.s32 s6, s19  }
0x9e: {  	s9 =	simm.s32 $0x0;
	s20 =	sshll.u32 s7, $0x1;
	s7 =	sadd.s32 s21, s5  }
0x9f: {  	[timem:s9], [sflag:s22] =	dma.local [hbm:s7], s20  }
0xa0: {  	_ =	swait.ge [sflag:s22], s20  }
0xa1: {  	s6 =	ssub.s32 $0x0, s20;
	[sflag:s22] =	ssyncset.done $0x0  }
0xa2: {  	[sflag:s22] =	ssyncadd.s32 s6;
	_ =	sdelay $0x1  }
0xa3: {  	s23 =	simm.s32 $0x1B8B  }
0xa4: {  	_ =	swait.ge [sflag:s23], $0x1  }
0xa5: {  	[sflag:s23] =	ssyncset.done $0x0  }
0xa6: {  	s25 =	simm.s32 $0x1B8E;
	s24 =	sld [smem:$0x3FFE];
	[sflag:s23] =	ssyncadd.s32 $0xFFFFFFFF  }
0xa7: {  	s26 =	simm.s32 $execute0_lowered;
	[smem:$0x3FD2] =	sst s25  }
0xa8: {  	s7 =	sshll.u32 s26, $0x1;
	_ =	strace $0x80000046;
	[dreg:$0x1] =	wrdreg $0xFFFFFFFF  }
0xa9: {  	s28 =	simm.s32 $_size_execute0_lowered;
	s5 =	sadd.s32 s5, s7;
	[dreg:$0x0] =	wrdreg $0x0  }
0xaa: {  	s7 =	sshll.u32 s28, $0x1;
	[dreg:$0x2] =	wrdreg s5  }
0xab: {  	[dreg:$0x3] =	wrdreg s7  }
0xac: {  	[dreg:$0x4] =	wrdreg $0xC0  }
0xad: {  	_ =	task [dreg:s9], $0x5FFFF  }
0xae: {  	[dreg:$0x1] =	wrdreg $0xFFFFFFFF  }
0xaf: {  	[dreg:$0x0] =	wrdreg $0x60  }
0xb0: {  	[dreg:$0x2] =	wrdreg s2  }
0xb1: {  	[dreg:$0x3] =	wrdreg s24  }
0xb2: {  	[dreg:$0x4] =	wrdreg s18  }
0xb3: {  	[dreg:$0x5] =	wrdreg s4  }
0xb4: {  	[dreg:$0x6] =	wrdreg $0x14E600  }
0xb5: {  	[dreg:$0x7] =	wrdreg $0x9  }
0xb6: {  	_ =	task.clear_ibuf [dreg:s9], $0x8FFFF;
	_ =	strace $0x90000046  }
0xb7: {  	s29 =	simm.s32 $0x9;
	_ =	strace $0x80000048  }
0xb8: {  	_ =	swait.ge [sflag:s29], $0x1  }
0xb9: {  	[sflag:s29] =	ssyncadd.s32 $0xFFFFFFFF  }
0xba: {  	_ =	strace $0x90000048  }
0xbb: {  	_ =	sfence  }
0xbc: {  	s30 =	sld [smem:$0x0];
	_ =	sdelay $0x2  }
0xbd: {  	s31 =	sshll.u32 s1, $0xD;
	s1 =	sshrl.u32 s1, $0x2  }
0xbe: {  	s3 =	sand.u32 $0x4000, s31;
	s1 =	sadd.s32 s1, s30  }
0xbf: {  	s0 =	sor.u32 s3, s0;
	s1 =	sshll.u32 s1, $0x11  }
0xc0: {  	s0 =	sor.u32 s1, s0  }
0xc1: {  	s0 =	sadd.s32 $0x8F2B, s0  }
0xc2: {  	[sflag:s0] =	ssyncadd.remote.s32 $0x1  }
0xc3: {  	_ =	sfence.sel $0xFFFF  }
0xc4: {  	[dreg:$0x0] =	wrdreg $0xFFFFFFFF;
	(pc) =	sbr.abs _section_cstart, $3  }
0xc5: {  	[dreg:$0x1] =	wrdreg $0xFFFFFFFF  }
0xc6: {  	_ =	task.clear_ibuf [dreg:s9], $0x2FFFF;
	_ =	strace $0x9FFFFFFF  }
0xc7: {  	(tm) =	ssettm $0x7FFFFFFF  }
tec
execute0_lowered:
.L_overlay_start_1:
0x0: {  	(tag) =	ssettag $0x1  }
0x1: {  	s1 =	rddreg [dreg:$0x0]  }
0x2: {  	s3 =	rddreg [dreg:$0x1]  }
0x3: {  	s0 =	srdreg.scid;
	s17 =	stileid.u32  }
0x4: {  	s4 =	rddreg [dreg:$0x2];
	s6 =	smul.u32 $0xA000, s17  }
0x5: {  	s5 =	rddreg [dreg:$0x3];
	s9 =	simm.s32 $0x0;
	s31 =	smul.u32 $0x9C4, s17  }
0x6: {  	s0 =	sand.u32 $0x1, s0;
	[smem:$0x7FF] =	sst s9;
	s9 =	smul.u32 $0x28000, s17  }
0x7: {  	p0 =	seq.s32 s17, $0xF;
	s2 =	ssub.s32 $0x2, s0;
	s8 =	smul.u32 $0x9C400, s0  }
0x8: {  	s7 =	sshrl.u32 s2, $0x1;
	s11 =	sor.u32 $0x1400, s6;
	s18 =	sadd.s32 s3, s31  }
0x9: {  	s4 =	sadd.s32 s4, s31;
	s21 =	sadd.s32 $0x6400, s6;
	s2 =	ssub.s32 s2, s7  }
0xa: {  	s10 =	sadd.s32 s6, s8;
	s13 =	sadd.s32 s8, s11;
	[dreg:$0x7] =	wrdreg s4  }
0xb: {  	s4 =	sadd.s32 $0x3C00, s6;
	s22 =	sadd.s32 s8, s21;
	s12 =	sshrl.u32 s10, $0x3  }
0xc: {  	s14 =	sshrl.u32 s13, $0x3;
	s16 =	sadd.s32 s8, s4;
	s24 =	sshrl.u32 s22, $0x3  }
0xd: {  	s3 =	sadd.s32 s5, s12;
	s12 =	sadd.s32 $0x5000, s6;
	s10 =	sshrl.u32 s16, $0x3  }
0xe: {  	s16 =	sadd.s32 $0x9B000, s8;
	[dreg:$0x8] =	wrdreg s3;
	s3 =	sadd.s32 s5, s14  }
0xf: {  	s13 =	sadd.s32 s8, s12;
	[dreg:$0x9] =	wrdreg s3;
	s3 =	sadd.s32 $0x2800, s6  }
0x10: {  	s19 =	sadd.s32 s5, s10;
	s14 =	sadd.s32 $0x7800, s6;
	s15 =	sadd.s32 s8, s3  }
0x11: {  	[dreg:$0xb] =	wrdreg s19;
	s20 =	sshrl.u32 s13, $0x3;
	s7 =	sshrl.u32 s15, $0x3  }
0x12: {  	s23 =	sadd.s32 s8, s14;
	s15 =	sadd.s32 $0x8C00, s6;
	s7 =	sadd.s32 s5, s7  }
0x13: {  	s13 =	sadd.s32 s8, s15;
	[dreg:$0xa] =	wrdreg s7;
	s7 =	sadd.s32 s5, s20  }
0x14: {  	s13 =	smov.u32 @p0 s16;
	s16 =	sshrl.u32 s23, $0x3;
	[dreg:$0xc] =	wrdreg s7  }
0x15: {  	s7 =	sadd.s32 s5, s24;
	s31 =	sshrl.u32 s13, $0x3;
	s13 =	rddreg [dreg:$0x4]  }
0x16: {  	s26 =	sshrl.u32 s8, $0x3;
	s25 =	sadd.s32 s5, s16;
	[dreg:$0xd] =	wrdreg s7  }
0x17: {  	[dreg:$0xe] =	wrdreg s25;
	s7 =	sadd.s32 s5, s26;
	s5 =	sadd.s32 s5, s31  }
0x18: {  	s8 =	sshrl.u32 s9, $0x2;
	s6 =	sadd.s32 s6, s13;
	[dreg:$0xf] =	wrdreg s5  }
0x19: {  	s9 =	sadd.s32 s11, s13;
	_ =	strace $0x80000047;
	[dreg:$0x11] =	wrdreg s6  }
0x1a: {  	s3 =	sadd.s32 s3, s13;
	[dreg:$0x12] =	wrdreg s9  }
0x1b: {  	s11 =	sadd.s32 s4, s13;
	[dreg:$0x13] =	wrdreg s3  }
0x1c: {  	s16 =	sadd.s32 s12, s13;
	[dreg:$0x14] =	wrdreg s11  }
0x1d: {  	s17 =	sadd.s32 s21, s13;
	[dreg:$0x15] =	wrdreg s16  }
0x1e: {  	s19 =	sadd.s32 s14, s13;
	[dreg:$0x16] =	wrdreg s17  }
0x1f: {  	s20 =	sadd.s32 s15, s13;
	[dreg:$0x17] =	wrdreg s19  }
0x20: {  	s21 =	sadd.s32 $0x12C00, s7;
	[dreg:$0x18] =	wrdreg s20  }
0x21: {  	s28 =	simm.s32 $0x6;
	s22 =	sadd.s32 $0x12E80, s7;
	[dreg:$0x1b] =	wrdreg s21  }
0x22: {  	s29 =	simm.s32 $0x3;
	s23 =	sadd.s32 $0x13100, s7;
	[dreg:$0x1c] =	wrdreg s22  }
0x23: {  	s30 =	simm.s32 $0x7;
	s24 =	sadd.s32 $0x13380, s7;
	[dreg:$0x1d] =	wrdreg s23  }
0x24: {  	s2 =	smax.u32 s2, $0x1;
	s4 =	sadd.s32 $0x96000, s13;
	[dreg:$0x1e] =	wrdreg s24  }
0x25: {  	s10 =	simm.s32 $0x5;
	s7 =	sadd.s32 $0x98800, s13;
	[dreg:$0x1a] =	wrdreg s4  }
0x26: {  	s31 =	sadd.s32 $0x9E00, s18;
	s14 =	simm.s32 $0xEA60;
	[smem:$0x7F4] =	sst s7  }
0x27: {  	s5 =	sadd.s32 s8, s13;
	s8 =	simm.s32 $0x4;
	[smem:$0x7F6] =	sst s2  }
0x28: {  	s3 =	sadd.s32 $0x3C00, s5;
	s6 =	sadd.s32 $0x97400, s13;
	[dreg:$0x10] =	wrdreg s5  }
0x29: {  	s25 =	sadd.s32 $0x1400, s5;
	s26 =	sadd.s32 $0x2800, s5;
	[dreg:$0x6] =	wrdreg s18  }
0x2a: {  	[smem:$0x7FD] =	sst s31;
	s16 =	simm.s32 $0xB;
	s17 =	simm.s32 $0x9C40  }
0x2b: {  	s18 =	simm.s32 $0x50;
	s19 =	simm.s32 $0xFE60;
	[smem:$0x7F3] =	sst s6  }
0x2c: {  	s20 =	simm.s32 $0x11260;
	s21 =	simm.s32 $0x12660;
	[smem:$0x7FB] =	sst s25  }
0x2d: {  	s3 =	smov.u32 @p0 s4;
	s4 =	sadd.s32 $0x6400, s5;
	[smem:$0x7FC] =	sst s26  }
0x2e: {  	s22 =	simm.s32 $0x1;
	[dreg:$0x19] =	wrdreg s3;
	s4 =	smov.u32 @p0 s7  }
0x2f: {  	s3 =	sadd.s32 $0x5000, s5;
	s7 =	sadd.s32 $0x9B000, s13;
	[smem:$0x7F5] =	sst s4  }
0x30: {  	s23 =	simm.s32 $0x13A60;
	s3 =	smov.u32 @p0 s6;
	[smem:$0x7F9] =	sst s7  }
0x31: {  	s4 =	sadd.s32 $0x8C00, s5;
	s6 =	sadd.s32 $0x99C00, s13;
	[dreg:$0x1f] =	wrdreg s3  }
0x32: {  	s3 =	sadd.s32 $0x7800, s5;
	[smem:$0x7F7] =	sst s6;
	s4 =	smov.u32 @p0 s7  }
0x33: {  	v2 =	vimm.s32 $0x0;
	vm0 =	vcmask $0x300;
	s9 =	simm.s32 $0x8;
	s3 =	smov.u32 @p0 s6;
	[smem:$0x7FA] =	sst s4  }
0x34: {  	v1 =	vimm.f32 $0.0e+00;
	v2 =	vsel vm0, $0x3, v2;
	v0 =	vmov s0;
	s2 =	simm.s32 $0x0;
	s26 =	simm.s32 $0x2;
	[smem:$0x7F8] =	sst s3  }
.LBB2_1:
0x35: {  	[smem:$0x7F2] =	sst s2;
	s2 =	simm.s32 $0x100;
	s0 =	simm.s32 $0x0  }
.LBB2_2:
0x36: {  	p1 =	sne.s32 s2, $0x4F00;
	[tilespmem:s0+$0xEA90] =	vst v1;
	s3 =	smov.u32 s2;
	s2 =	sadd.s32 $0x100, s2  }
.Ltmp0:
0x37: {  	[tilespmem:s0+$0xEA80] =	vst v1;
	(pc) =	sbr.rel @p1 .LBB2_2-.Ltmp0, $3  }
0x38: {  	[tilespmem:s0+$0xEA60] =	vst v1  }
0x39: {  	[tilespmem:s0+$0xEA70] =	vst v1;
	_ =	sdelay $0x1  }
0x3a: {  	s0 =	sshra.s32 s3, $0x2  }
0x3b: {  	[tilespmem:s0+$0xEA90] =	vst v1  }
0x3c: {  	[tilespmem:s0+$0xEA80] =	vst v1  }
0x3d: {  	[tilespmem:s0+$0xEA60] =	vst v1  }
0x3e: {  	[tilespmem:s0+$0xEA70] =	vst v1;
	s0 =	simm.s32 @!p0 $0xEA60;
	s2 =	rddreg [dreg:$0x10]  }
0x3f: {  	[spmem:s2] =	stream.linear.scatter @!p0 [tilespmem:s0], [sflag:$0xB], $0x1400, $0x38;
	[tilespmem:$0x1EAA0] =	vst v63  }
0x40: {  	s2 =	simm.s32 @!p0 $0xB  }
0x41: {  	_ =	swait.ge @!p0 [sflag:s2], $0x1400  }
0x42: {  	s3 =	sld [smem:$0x7FB]  }
0x43: {  	[sflag:s2] =	ssyncset.done @!p0 $0x0  }
0x44: {  	[sflag:s2] =	ssyncadd.s32 @!p0 $0xFFFFEC00  }
0x45: {  	[spmem:s3] =	stream.linear.scatter @!p0 [tilespmem:s0], [sflag:$0xB], $0x1400, $0x38;
	[tilespmem:$0x1EAA0] =	vst v63  }
0x46: {  	_ =	swait.ge @!p0 [sflag:s2], $0x1400  }
0x47: {  	s3 =	sld [smem:$0x7FC]  }
0x48: {  	[sflag:s2] =	ssyncset.done @!p0 $0x0  }
0x49: {  	[sflag:s2] =	ssyncadd.s32 @!p0 $0xFFFFEC00  }
0x4a: {  	[spmem:s3] =	stream.linear.scatter @!p0 [tilespmem:s0], [sflag:$0xB], $0x1400, $0x38;
	[tilespmem:$0x1EAA0] =	vst v63  }
0x4b: {  	_ =	swait.ge @!p0 [sflag:s2], $0x1400  }
0x4c: {  	[sflag:s2] =	ssyncset.done @!p0 $0x0  }
0x4d: {  	s4 =	rddreg [dreg:$0x19];
	[sflag:s2] =	ssyncadd.s32 @!p0 $0xFFFFEC00  }
0x4e: {  	[spmem:s4] =	stream.linear.scatter [tilespmem:s14], [sflag:$0xB], $0x1400, $0x38;
	[tilespmem:$0x1EAA0] =	vst v63  }
0x4f: {  	_ =	swait.ge [sflag:s16], $0x1400  }
0x50: {  	[sflag:s16] =	ssyncset.done $0x0  }
0x51: {  	s5 =	rddreg [dreg:$0x1f];
	[sflag:s16] =	ssyncadd.s32 $0xFFFFEC00  }
0x52: {  	[spmem:s5] =	stream.linear.scatter [tilespmem:s14], [sflag:$0xB], $0x1400, $0x38;
	[tilespmem:$0x1EAA0] =	vst v63  }
0x53: {  	_ =	swait.ge [sflag:s16], $0x1400  }
0x54: {  	s6 =	sld [smem:$0x7F5]  }
0x55: {  	[sflag:s16] =	ssyncset.done $0x0  }
0x56: {  	[sflag:s16] =	ssyncadd.s32 $0xFFFFEC00  }
0x57: {  	[spmem:s6] =	stream.linear.scatter [tilespmem:s14], [sflag:$0xB], $0x1400, $0x38;
	[tilespmem:$0x1EAA0] =	vst v63  }
0x58: {  	_ =	swait.ge [sflag:s16], $0x1400  }
0x59: {  	s7 =	sld [smem:$0x7F8]  }
0x5a: {  	[sflag:s16] =	ssyncset.done $0x0  }
0x5b: {  	[sflag:s16] =	ssyncadd.s32 $0xFFFFEC00  }
0x5c: {  	[spmem:s7] =	stream.linear.scatter [tilespmem:s14], [sflag:$0xB], $0x1400, $0x38;
	[tilespmem:$0x1EAA0] =	vst v63  }
0x5d: {  	_ =	swait.ge [sflag:s16], $0x1400  }
0x5e: {  	s11 =	sld [smem:$0x7FA]  }
0x5f: {  	[sflag:s16] =	ssyncset.done $0x0  }
0x60: {  	[sflag:s16] =	ssyncadd.s32 $0xFFFFEC00  }
0x61: {  	[spmem:s11] =	stream.linear.scatter [tilespmem:s14], [sflag:$0xB], $0x1400, $0x38;
	[tilespmem:$0x1EAA0] =	vst v63  }
0x62: {  	_ =	swait.ge [sflag:s16], $0x1400  }
0x63: {  	s15 =	sld [smem:$0x7FD]  }
0x64: {  	[sflag:s16] =	ssyncset.done $0x0  }
0x65: {  	s12 =	simm.s32 $0x0;
	s24 =	simm.s32 $0x4E20;
	[sflag:s16] =	ssyncadd.s32 $0xFFFFEC00  }
0x66: {  	[tilespmem:s24], [sflag:$0xB] =	stream.linear.gather [hbm4b:s15+s12], $0x4E20, $0x38;
	[tilespmem:$0x1EAA0] =	vst v63  }
0x67: {  	_ =	swait.ge [sflag:s16], $0x4E20  }
0x68: {  	[sflag:s16] =	ssyncset.done $0x0  }
0x69: {  	s25 =	rddreg [dreg:$0x6];
	[sflag:s16] =	ssyncadd.s32 $0xFFFFB1E0  }
0x6a: {  	[tilespmem:s12], [sflag:$0xB] =	stream.linear.gather [hbm4b:s25+s12], $0x4E20, $0x38;
	[tilespmem:$0x1EAA0] =	vst v63  }
0x6b: {  	_ =	swait.ge [sflag:s16], $0x4E20  }
0x6c: {  	[sflag:s16] =	ssyncset.done $0x0  }
0x6d: {  	s31 =	rddreg [dreg:$0x7];
	[sflag:s16] =	ssyncadd.s32 $0xFFFFB1E0  }
0x6e: {  	[tilespmem:s17], [sflag:$0xB] =	stream.linear.gather [hbm4b:s31+s12], $0x4E20, $0x38;
	[tilespmem:$0x1EAA0] =	vst v63  }
0x6f: {  	_ =	swait.ge [sflag:s16], $0x4E20  }
0x70: {  	[sflag:s16] =	ssyncset.done $0x0  }
0x71: {  	s0 =	simm.s32 $0x0;
	[sflag:s16] =	ssyncadd.s32 $0xFFFFB1E0  }
0x72: {  	v5 =	vld [tilespmem:s0+$0x0]  }
0x73: {  	v6 =	vld [tilespmem:s0+$0x10]  }
0x74: {  	v4 =	vld [tilespmem:s0+$0x20]  }
0x75: {  	s2 =	simm.s32 $0x140;
	v3 =	vld [tilespmem:s0+$0x30]  }
.LBB2_4:
0x76: {  	p1 =	sne.s32 s2, $0x13740;
	v7 =	vld [tilespmem:s0+$0x40]  }
0x77: {  	v5 =	vshll.u32 v5, $0x1  }
0x78: {  	v5 =	vor.u32 v0, v5;
	v6 =	vshll.u32 v6, $0x1  }
.Ltmp1:
0x79: {  	s3 =	sshra.s32 s2, $0x2;
	[tilespmem:s0+$0x0] =	vst v5;
	v6 =	vor.u32 v0, v6;
	v4 =	vshll.u32 v4, $0x1;
	(pc) =	sbr.rel @p1 .LBB2_4-.Ltmp1, $4  }
0x7a: {  	v5 =	vld [tilespmem:s3+$0x0];
	[tilespmem:s0+$0x10] =	vst v6;
	v4 =	vor.u32 v0, v4;
	v3 =	vshll.u32 v3, $0x1  }
0x7b: {  	v6 =	vld [tilespmem:s3+$0x10];
	[tilespmem:s0+$0x20] =	vst v4;
	v3 =	vor.u32 v0, v3;
	v7 =	vshll.u32 v7, $0x1  }
0x7c: {  	v4 =	vld [tilespmem:s3+$0x20];
	[tilespmem:s0+$0x30] =	vst v3;
	v7 =	vor.u32 v0, v7  }
0x7d: {  	s2 =	sadd.s32 $0x140, s2;
	v3 =	vld [tilespmem:s3+$0x30];
	[tilespmem:s0+$0x40] =	vst v7;
	s0 =	smov.u32 s3  }
0x7e: {  	v7 =	vld [tilespmem:s0+$0x40]  }
0x7f: {  	v5 =	vshll.u32 v5, $0x1  }
0x80: {  	v5 =	vor.u32 v0, v5;
	v6 =	vshll.u32 v6, $0x1  }
0x81: {  	[tilespmem:s0+$0x0] =	vst v5;
	v62 =	vor.u32 v0, v6;
	v4 =	vshll.u32 v4, $0x1  }
0x82: {  	[tilespmem:s0+$0x10] =	vst v62;
	v4 =	vor.u32 v0, v4;
	v3 =	vshll.u32 v3, $0x1  }
0x83: {  	[tilespmem:s0+$0x20] =	vst v4;
	v3 =	vor.u32 v0, v3;
	v63 =	vshll.u32 v7, $0x1  }
0x84: {  	[tilespmem:s0+$0x30] =	vst v3;
	v3 =	vor.u32 v0, v63  }
0x85: {  	[tilespmem:s0+$0x40] =	vst v3  }
0x86: {  	s0 =	simm.s32 $0x0;
	[bflag:$0x0] =	sbarrier.arrive $0xFFFF  }
0x87: {  	[tilespmem:s14], [sflag:$0x1] =	stream.indirect.gather [hbm4b:s1+s18], $0x40, s0, s18, $0xb8;
	[tilespmem:$0x1EAA0] =	vst v63  }
0x88: {  	_ = 	snop  }
0x89: {  	[tilespmem:s19], [sflag:$0x2] =	stream.indirect.gather [hbm4b:s1+s18], $0x40, s18, s18, $0xb8;
	[tilespmem:$0x1EAA0] =	vst v63  }
0x8a: {  	s2 =	simm.s32 $0xA0  }
0x8b: {  	[tilespmem:s20], [sflag:$0x3] =	stream.indirect.gather [hbm4b:s1+s18], $0x40, s2, s18, $0xb8;
	[tilespmem:$0x1EAA0] =	vst v63  }
0x8c: {  	s2 =	simm.s32 $0x0  }
.LBB2_6:
0x8d: {  	s12 =	smul.u32 $0x5, s2;
	v11 =	vmov s0  }
0x8e: {  	s3 =	simm.s32 $0x1;
	s4 =	simm.s32 $0x2;
	s15 =	simm.s32 $0x4;
	v11 =	vshrl.u32 v11, $0x3  }
0x8f: {  	s5 =	simm.s32 $0x5;
	s24 =	simm.s32 $0x6;
	v12 =	vmov s3;
	v13 =	vmov s4;
	v15 =	vmov s15  }
0x90: {  	v16 =	vmov s5;
	v17 =	vmov s24;
	v3 =	vmov s12  }
0x91: {  	p1 =	seq.s32 s2, $0x0;
	v11 =	vshll.u32 v11, v2;
	v12 =	vshrl.u32 v12, $0x3;
	v13 =	vshrl.u32 v13, $0x3  }
0x92: {  	s3 =	simm.s32 @!p1 $0x9;
	v15 =	vshrl.u32 v15, $0x3;
	v16 =	vshrl.u32 v16, $0x3;
	v4 =	vmul.u32 $0x50, v3  }
0x93: {  	_ =	swait.ge @!p1 [sflag:s3], $0x1400;
	s24 =	sadd.s32 $0x3, s12;
	v12 =	vshll.u32 v12, v2;
	v13 =	vshll.u32 v13, v2;
	v15 =	vshll.u32 v15, v2  }
0x94: {  	[sflag:s3] =	ssyncset.done @!p1 $0x0;
	s6 =	smul.u32 $0x50, s24;
	v16 =	vshll.u32 v16, v2;
	v5 =	vor.u32 $0x1, v4;
	v11 =	vadd.s32 v4, v11  }
0x95: {  	[sflag:s3] =	ssyncadd.s32 @!p1 $0xFFFFEC00;
	v6 =	vor.u32 $0x2, v4;
	v11 =	vbroadcast v11, $0x0;
	v12 =	vadd.s32 v12, v5  }
0x96: {  	v8 =	vor.u32 $0x4, v4;
	[tilespmem:s21], [sflag:$0x4] =	stream.indirect.gather [hbm4b:s1+s18], $0x40, s6, s18, $0xb8;
	v13 =	vadd.s32 v13, v6;
	v12 =	vbroadcast v12, $0x0;
	[tilespmem:$0x1EAA0] =	vst v63  }
0x97: {  	v9 =	vor.u32 $0x5, v4;
	_ =	swait.ge [sflag:s22], $0x1400;
	v15 =	vadd.s32 v15, v8;
	v13 =	vbroadcast v13, $0x0  }
0x98: {  	s25 =	simm.s32 $0x7;
	v16 =	vadd.s32 v16, v9;
	[sflag:s22] =	ssyncset.done $0x0;
	v15 =	vbroadcast v15, $0x0  }
0x99: {  	v18 =	vmov s25;
	s4 =	simm.s32 $0xEB60;
	v17 =	vshrl.u32 v17, $0x3;
	v16 =	vbroadcast v16, $0x0;
	[sflag:s22] =	ssyncadd.s32 $0xFFFFEC00  }
0x9a: {  	v18 =	vshrl.u32 v18, $0x3;
	v17 =	vshll.u32 v17, v2;
	v10 =	vor.u32 $0x6, v4;
	v22 =	vld [tilespmem:s4+$0xFFFFFF20]  }
0x9b: {  	v18 =	vshll.u32 v18, v2;
	v3 =	vor.u32 $0x7, v4;
	v17 =	vadd.s32 v17, v10;
	v19 =	vld.idx.msk [tilespmem:v11+s17+$0x0], $0xffff  }
0x9c: {  	v11 =	vbroadcast v17, $0x0;
	v17 =	vadd.s32 v18, v3;
	v18 =	vld.idx.msk [tilespmem:v12+s17+$0x0], $0xffff  }
0x9d: {  	v17 =	vbroadcast v17, $0x0;
	v20 =	vld.idx.msk [tilespmem:v13+s17+$0x0], $0xffff  }
0x9e: {  	s11 =	simm.s32 $0x3;
	v21 =	vld.idx.msk [tilespmem:v15+s17+$0x0], $0xffff  }
0x9f: {  	v14 =	vmov s11;
	v13 =	vld.idx.msk [tilespmem:v16+s17+$0x0], $0xffff  }
0xa0: {  	v14 =	vshrl.u32 v14, $0x3;
	v15 =	vld [tilespmem:s4+$0xF0]  }
0xa1: {  	v14 =	vshll.u32 v14, v2;
	v7 =	vor.u32 $0x3, v4;
	v16 =	vld [tilespmem:s4+$0xFFFFFF00]  }
0xa2: {  	v14 =	vadd.s32 v14, v7;
	v12 =	vld.idx.msk [tilespmem:v11+s17+$0x0], $0xffff  }
0xa3: {  	v14 =	vbroadcast v14, $0x0;
	v11 =	vld.idx.msk [tilespmem:v17+s17+$0x0], $0xffff  }
0xa4: {  	v17 =	vld [tilespmem:s4+$0xFFFFFF10]  }
0xa5: {  	v23 =	vld [tilespmem:s4+$0xFFFFFF30]  }
0xa6: {  	v24 =	vld [tilespmem:s4+$0xFFFFFF40]  }
0xa7: {  	v25 =	vld [tilespmem:s4+$0xFFFFFF50];
	v16 =	vmul.f32 v16, v19  }
0xa8: {  	v26 =	vld [tilespmem:s4+$0xFFFFFF60];
	v15 =	vmul.f32 v15, v11  }
0xa9: {  	v14 =	vld.idx.msk [tilespmem:v14+s17+$0x0], $0xffff;
	[tilespmem:s4+$0xFFFFFF00] =	vst v16;
	v17 =	vmul.f32 v17, v19  }
0xaa: {  	v16 =	vld [tilespmem:s4+$0xFFFFFF70];
	[tilespmem:s4+$0xF0] =	vst v15;
	v15 =	vmul.f32 v22, v19  }
0xab: {  	[tilespmem:s4+$0xFFFFFF10] =	vst v17;
	v17 =	vmul.f32 v23, v19;
	v19 =	vld [tilespmem:s4+$0xFFFFFF80]  }
0xac: {  	v22 =	vld [tilespmem:s4+$0xFFFFFF90];
	[tilespmem:s4+$0xFFFFFF20] =	vst v15;
	v15 =	vmul.f32 v24, v18  }
0xad: {  	v23 =	vld [tilespmem:s4+$0xFFFFFFA0];
	[tilespmem:s4+$0xFFFFFF30] =	vst v17;
	v17 =	vmul.f32 v25, v18  }
0xae: {  	s11 =	simm.s32 $0xB;
	v24 =	vld [tilespmem:s4+$0xFFFFFFB0];
	[tilespmem:s4+$0xFFFFFF40] =	vst v15;
	v15 =	vmul.f32 v26, v18  }
0xaf: {  	s31 =	simm.s32 $0x8;
	s15 =	simm.s32 $0xC;
	v27 =	vmov s11;
	v16 =	vmul.f32 v16, v18;
	[tilespmem:s4+$0xFFFFFF50] =	vst v17;
	v17 =	vld [tilespmem:s4+$0xFFFFFFC0]  }
0xb0: {  	s25 =	simm.s32 $0xD;
	v28 =	vmov s15;
	v25 =	vmov s31;
	s31 =	simm.s32 $0xE;
	[tilespmem:s4+$0xFFFFFF60] =	vst v15;
	v15 =	vmul.f32 v19, v20;
	v19 =	vld [tilespmem:s4+$0xFFFFFFD0]  }
0xb1: {  	s5 =	simm.s32 $0x9;
	v29 =	vmov s25;
	[tilespmem:s4+$0xFFFFFF70] =	vst v16;
	v30 =	vmov s31;
	v16 =	vmul.f32 v22, v20;
	v22 =	vld [tilespmem:s4+$0xFFFFFFE0]  }
0xb2: {  	s7 =	simm.s32 $0xA;
	v18 =	vshrl.u32 v25, $0x3;
	v25 =	vmov s5;
	[tilespmem:s4+$0xFFFFFF80] =	vst v15;
	v15 =	vmul.f32 v23, v20;
	v23 =	vld [tilespmem:s4+$0xFFFFFFF0]  }
0xb3: {  	v26 =	vmov s7;
	v18 =	vshll.u32 v18, v2;
	[tilespmem:s4+$0xFFFFFF90] =	vst v16;
	v16 =	vmul.f32 v24, v20;
	v20 =	vld [tilespmem:s4+$0x0]  }
0xb4: {  	v18 =	vadd.s32 v4, v18;
	v24 =	vshrl.u32 v25, $0x3;
	[tilespmem:s4+$0xFFFFFFA0] =	vst v15;
	v15 =	vmul.f32 v17, v14;
	v17 =	vld [tilespmem:s4+$0x10]  }
0xb5: {  	v25 =	vshrl.u32 v26, $0x3;
	v26 =	vshrl.u32 v27, $0x3;
	[tilespmem:s4+$0xFFFFFFB0] =	vst v16;
	v16 =	vmul.f32 v19, v14;
	v19 =	vld [tilespmem:s4+$0x20]  }
0xb6: {  	v27 =	vshrl.u32 v28, $0x3;
	v28 =	vshrl.u32 v29, $0x3;
	[tilespmem:s4+$0xFFFFFFC0] =	vst v15;
	v15 =	vmul.f32 v22, v14;
	v22 =	vld [tilespmem:s4+$0x30]  }
0xb7: {  	v29 =	vshrl.u32 v30, $0x3;
	v24 =	vshll.u32 v24, v2;
	[tilespmem:s4+$0xFFFFFFD0] =	vst v16;
	v14 =	vmul.f32 v23, v14;
	v23 =	vld [tilespmem:s4+$0x40]  }
0xb8: {  	v63 =	vld [tilespmem:s4+$0x50];
	v25 =	vshll.u32 v25, v2;
	v26 =	vshll.u32 v26, v2;
	v16 =	vmul.f32 v20, v21;
	[tilespmem:s4+$0xFFFFFFE0] =	vst v15  }
0xb9: {  	v20 =	vshll.u32 v27, v2;
	v27 =	vshll.u32 v28, v2;
	v28 =	vld [tilespmem:s4+$0x60];
	[tilespmem:s4+$0xFFFFFFF0] =	vst v14;
	v14 =	vmul.f32 v17, v21  }
0xba: {  	v29 =	vshll.u32 v29, v2;
	v26 =	vadd.s32 v26, v7;
	[tilespmem:s4+$0x0] =	vst v16;
	v16 =	vld [tilespmem:s4+$0x70];
	v17 =	vmul.f32 v19, v21  }
0xbb: {  	v15 =	vbroadcast v18, $0x0;
	v18 =	vadd.s32 v24, v5;
	[tilespmem:s4+$0x10] =	vst v14;
	v21 =	vmul.f32 v22, v21;
	v14 =	vld [tilespmem:s4+$0x80]  }
0xbc: {  	v24 =	vadd.s32 v29, v10;
	v19 =	vadd.s32 v25, v6;
	[tilespmem:s4+$0x20] =	vst v17;
	v31 =	vmul.f32 v23, v13;
	v17 =	vld [tilespmem:s4+$0x90]  }
0xbd: {  	v25 =	vmul.f32 v63, v13;
	v22 =	vadd.s32 v20, v8;
	v20 =	vbroadcast v18, $0x0;
	v18 =	vld [tilespmem:s4+$0xA0];
	[tilespmem:s4+$0x30] =	vst v21  }
0xbe: {  	s7 =	simm.s32 $0xF;
	s5 =	simm.s32 $0x10;
	v23 =	vadd.s32 v27, v9;
	v27 =	vmul.f32 v28, v13;
	v21 =	vbroadcast v19, $0x0;
	v19 =	vld [tilespmem:s4+$0xB0];
	[tilespmem:s4+$0x40] =	vst v31  }
.LBB2_7:
0xbf: {  	p2 =	slt.u32 s5, $0x48;
	v26 =	vbroadcast v26, $0x0;
	v28 =	vmov s7;
	[tilespmem:s4+$0x50] =	vst v25;
	v13 =	vmul.f32 v16, v13;
	v16 =	vld [tilespmem:s4+$0xC0]  }
0xc0: {  	v22 =	vbroadcast v22, $0x0;
	v25 =	vshrl.u32 v28, $0x3;
	[tilespmem:s4+$0x60] =	vst v27;
	v14 =	vmul.f32 v14, v12;
	v27 =	vld [tilespmem:s4+$0xD0]  }
0xc1: {  	v23 =	vbroadcast v23, $0x0;
	v25 =	vshll.u32 v25, v2;
	[tilespmem:s4+$0x70] =	vst v13;
	v13 =	vmul.f32 v17, v12;
	v17 =	vld [tilespmem:s4+$0xE0]  }
0xc2: {  	v24 =	vbroadcast v24, $0x0;
	v15 =	vld.idx.msk [tilespmem:v15+s17+$0x0], $0xffff;
	v25 =	vadd.s32 v25, v3;
	[tilespmem:s4+$0x80] =	vst v14;
	v14 =	vmul.f32 v18, v12  }
0xc3: {  	v18 =	vld.idx.msk [tilespmem:v20+s17+$0x0], $0xffff;
	v20 =	vbroadcast v25, $0x0;
	[tilespmem:s4+$0x90] =	vst v13;
	v12 =	vmul.f32 v19, v12  }
0xc4: {  	v19 =	vld.idx.msk [tilespmem:v21+s17+$0x0], $0xffff;
	[tilespmem:s4+$0xA0] =	vst v14;
	v13 =	vmul.f32 v16, v11  }
0xc5: {  	v16 =	vld.idx.msk [tilespmem:v26+s17+$0x0], $0xffff;
	[tilespmem:s4+$0xB0] =	vst v12;
	v12 =	vmul.f32 v27, v11  }
0xc6: {  	v14 =	vld.idx.msk [tilespmem:v22+s17+$0x0], $0xffff;
	[tilespmem:s4+$0xC0] =	vst v13;
	v11 =	vmul.f32 v17, v11  }
0xc7: {  	v13 =	vld.idx.msk [tilespmem:v23+s17+$0x0], $0xffff;
	[tilespmem:s4+$0xD0] =	vst v12  }
0xc8: {  	v12 =	vld.idx.msk [tilespmem:v24+s17+$0x0], $0xffff;
	[tilespmem:s4+$0xE0] =	vst v11  }
0xc9: {  	s4 =	sadd.s32 $0x200, s4;
	v11 =	vld.idx.msk [tilespmem:v20+s17+$0x0], $0xffff  }
0xca: {  	v17 =	vld [tilespmem:s4+$0xF0]  }
0xcb: {  	v20 =	vld [tilespmem:s4+$0xFFFFFF00]  }
0xcc: {  	v21 =	vld [tilespmem:s4+$0xFFFFFF10]  }
0xcd: {  	v22 =	vld [tilespmem:s4+$0xFFFFFF20]  }
0xce: {  	v23 =	vld [tilespmem:s4+$0xFFFFFF30]  }
0xcf: {  	v24 =	vld [tilespmem:s4+$0xFFFFFF40];
	v17 =	vmul.f32 v17, v11  }
0xd0: {  	v20 =	vmul.f32 v20, v15;
	v25 =	vld [tilespmem:s4+$0xFFFFFF50]  }
0xd1: {  	v21 =	vmul.f32 v21, v15;
	v26 =	vld [tilespmem:s4+$0xFFFFFF60];
	[tilespmem:s4+$0xF0] =	vst v17  }
0xd2: {  	[tilespmem:s4+$0xFFFFFF00] =	vst v20;
	v17 =	vmul.f32 v22, v15;
	v20 =	vld [tilespmem:s4+$0xFFFFFF70]  }
0xd3: {  	[tilespmem:s4+$0xFFFFFF10] =	vst v21;
	v15 =	vmul.f32 v23, v15;
	v21 =	vld [tilespmem:s4+$0xFFFFFF80]  }
0xd4: {  	[tilespmem:s4+$0xFFFFFF20] =	vst v17;
	v17 =	vmul.f32 v24, v18;
	v22 =	vld [tilespmem:s4+$0xFFFFFF90]  }
0xd5: {  	[tilespmem:s4+$0xFFFFFF30] =	vst v15;
	v15 =	vmul.f32 v25, v18;
	v23 =	vld [tilespmem:s4+$0xFFFFFFA0]  }
0xd6: {  	[tilespmem:s4+$0xFFFFFF40] =	vst v17;
	v17 =	vmul.f32 v26, v18;
	v24 =	vld [tilespmem:s4+$0xFFFFFFB0]  }
0xd7: {  	s3 =	sadd.s32 $0x1, s5;
	v25 =	vmov s5;
	[tilespmem:s4+$0xFFFFFF50] =	vst v15;
	v15 =	vmul.f32 v20, v18;
	v18 =	vld [tilespmem:s4+$0xFFFFFFC0]  }
0xd8: {  	s7 =	sadd.s32 $0x3, s5;
	v20 =	vshrl.u32 v25, $0x3;
	v25 =	vmov s3;
	s3 =	sadd.s32 $0x2, s5;
	[tilespmem:s4+$0xFFFFFF60] =	vst v17;
	v17 =	vmul.f32 v21, v19;
	v21 =	vld [tilespmem:s4+$0xFFFFFFD0]  }
0xd9: {  	v27 =	vmov s7;
	s7 =	sadd.s32 $0x5, s5;
	v26 =	vmov s3;
	s3 =	sadd.s32 $0x4, s5;
	[tilespmem:s4+$0xFFFFFF70] =	vst v15;
	v15 =	vmul.f32 v22, v19;
	v22 =	vld [tilespmem:s4+$0xFFFFFFE0]  }
0xda: {  	v29 =	vmov s7;
	v28 =	vmov s3;
	s3 =	sadd.s32 $0x6, s5;
	[tilespmem:s4+$0xFFFFFF80] =	vst v17;
	v17 =	vmul.f32 v23, v19;
	v23 =	vld [tilespmem:s4+$0xFFFFFFF0]  }
0xdb: {  	v20 =	vshll.u32 v20, v2;
	v30 =	vmov s3;
	[tilespmem:s4+$0xFFFFFF90] =	vst v15;
	v15 =	vmul.f32 v24, v19;
	v19 =	vld [tilespmem:s4+$0x0]  }
0xdc: {  	v24 =	vshrl.u32 v25, $0x3;
	v25 =	vshrl.u32 v26, $0x3;
	[tilespmem:s4+$0xFFFFFFA0] =	vst v17;
	v17 =	vmul.f32 v18, v16;
	v18 =	vld [tilespmem:s4+$0x10]  }
0xdd: {  	v26 =	vshrl.u32 v27, $0x3;
	v27 =	vshrl.u32 v28, $0x3;
	[tilespmem:s4+$0xFFFFFFB0] =	vst v15;
	v15 =	vmul.f32 v21, v16;
	v21 =	vld [tilespmem:s4+$0x20]  }
0xde: {  	v28 =	vshrl.u32 v29, $0x3;
	v29 =	vshrl.u32 v30, $0x3;
	[tilespmem:s4+$0xFFFFFFC0] =	vst v17;
	v17 =	vmul.f32 v22, v16;
	v22 =	vld [tilespmem:s4+$0x30]  }
0xdf: {  	v20 =	vadd.s32 v4, v20;
	v24 =	vshll.u32 v24, v2;
	[tilespmem:s4+$0xFFFFFFD0] =	vst v15;
	v15 =	vmul.f32 v23, v16;
	v23 =	vld [tilespmem:s4+$0x40]  }
0xe0: {  	v25 =	vshll.u32 v25, v2;
	v26 =	vshll.u32 v26, v2;
	[tilespmem:s4+$0xFFFFFFE0] =	vst v17;
	v16 =	vmul.f32 v19, v14;
	v19 =	vld [tilespmem:s4+$0x50]  }
0xe1: {  	v17 =	vshll.u32 v27, v2;
	v27 =	vshll.u32 v28, v2;
	[tilespmem:s4+$0xFFFFFFF0] =	vst v15;
	v18 =	vmul.f32 v18, v14;
	v28 =	vld [tilespmem:s4+$0x60]  }
.Ltmp2:
0xe2: {  	v29 =	vshll.u32 v29, v2;
	v15 =	vbroadcast v20, $0x0;
	[tilespmem:s4+$0x0] =	vst v16;
	v20 =	vmul.f32 v21, v14;
	v16 =	vld [tilespmem:s4+$0x70];
	(pc) =	sbr.rel @p2 .LBB2_7-.Ltmp2, $4  }
0xe3: {  	v21 =	vadd.s32 v24, v5;
	v24 =	vadd.s32 v25, v6;
	[tilespmem:s4+$0x10] =	vst v18;
	v18 =	vmul.f32 v22, v14;
	v14 =	vld [tilespmem:s4+$0x80]  }
0xe4: {  	v26 =	vadd.s32 v26, v7;
	v22 =	vadd.s32 v17, v8;
	[tilespmem:s4+$0x20] =	vst v20;
	v30 =	vmul.f32 v23, v13;
	v17 =	vld [tilespmem:s4+$0x90]  }
0xe5: {  	v20 =	vbroadcast v21, $0x0;
	v23 =	vadd.s32 v27, v9;
	[tilespmem:s4+$0x30] =	vst v18;
	v25 =	vmul.f32 v19, v13;
	v18 =	vld [tilespmem:s4+$0xA0]  }
0xe6: {  	s7 =	sadd.s32 $0x7, s5;
	s5 =	sadd.s32 $0x8, s5;
	v21 =	vbroadcast v24, $0x0;
	v24 =	vadd.s32 v29, v10;
	[tilespmem:s4+$0x40] =	vst v30;
	v27 =	vmul.f32 v28, v13;
	v19 =	vld [tilespmem:s4+$0xB0]  }
0xe7: {  	v5 =	vmov s7  }
0xe8: {  	v6 =	vld [tilespmem:s4+$0xC0];
	v5 =	vshrl.u32 v5, $0x3  }
0xe9: {  	v8 =	vld [tilespmem:s4+$0xD0];
	v5 =	vshll.u32 v5, v2  }
0xea: {  	v4 =	vbroadcast v26, $0x0;
	v10 =	vld [tilespmem:s4+$0xE0];
	v13 =	vmul.f32 v16, v13;
	v3 =	vadd.s32 v5, v3  }
0xeb: {  	v15 =	vld.idx.msk [tilespmem:v15+s17+$0x0], $0xffff;
	s7 =	sadd.s32 $0x200, s4;
	v3 =	vbroadcast v3, $0x0  }
0xec: {  	v7 =	vbroadcast v22, $0x0;
	[tilespmem:s4+$0x70] =	vst v13;
	v13 =	vmul.f32 v17, v12;
	v17 =	vld [tilespmem:s7+$0xFFFFFF00]  }
0xed: {  	v5 =	vld.idx.msk [tilespmem:v20+s17+$0x0], $0xffff  }
0xee: {  	v9 =	vbroadcast v23, $0x0;
	v20 =	vld.idx.msk [tilespmem:v21+s17+$0x0], $0xffff  }
0xef: {  	[tilespmem:s4+$0x90] =	vst v13;
	v13 =	vld [tilespmem:s7+$0xFFFFFF20]  }
0xf0: {  	v22 =	vbroadcast v24, $0x0;
	v4 =	vld.idx.msk [tilespmem:v4+s17+$0x0], $0xffff  }
0xf1: {  	v16 =	vld.idx.msk [tilespmem:v3+s17+$0x0], $0xffff;
	v3 =	vmul.f32 v14, v12  }
0xf2: {  	[tilespmem:s4+$0x50] =	vst v25;
	v7 =	vld.idx.msk [tilespmem:v7+s17+$0x0], $0xffff  }
0xf3: {  	v14 =	vld [tilespmem:s7+$0xF0];
	[tilespmem:s4+$0x80] =	vst v3;
	v3 =	vmul.f32 v18, v12  }
0xf4: {  	[tilespmem:s4+$0x60] =	vst v27;
	v8 =	vmul.f32 v8, v11;
	v9 =	vld.idx.msk [tilespmem:v9+s17+$0x0], $0xffff  }
0xf5: {  	v18 =	vld [tilespmem:s7+$0xFFFFFF10];
	[tilespmem:s4+$0xA0] =	vst v3;
	v3 =	vmul.f32 v6, v11  }
0xf6: {  	v21 =	vld.idx.msk [tilespmem:v22+s17+$0x0], $0xffff;
	[tilespmem:s4+$0xD0] =	vst v8;
	v12 =	vmul.f32 v19, v12  }
0xf7: {  	v6 =	vld [tilespmem:s7+$0xFFFFFF30];
	[tilespmem:s4+$0xC0] =	vst v3;
	v3 =	vmul.f32 v10, v11  }
0xf8: {  	[tilespmem:s4+$0xB0] =	vst v12;
	v12 =	vld [tilespmem:s7+$0xFFFFFF40];
	v8 =	vmul.f32 v14, v16  }
0xf9: {  	v10 =	vld [tilespmem:s7+$0xFFFFFF50];
	[tilespmem:s4+$0xE0] =	vst v3;
	v3 =	vmul.f32 v17, v15  }
0xfa: {  	v11 =	vld [tilespmem:s7+$0xFFFFFF60];
	[tilespmem:s7+$0xF0] =	vst v8;
	v17 =	vmul.f32 v18, v15  }
0xfb: {  	v14 =	vld [tilespmem:s7+$0xFFFFFF70];
	[tilespmem:s7+$0xFFFFFF00] =	vst v3;
	v3 =	vmul.f32 v13, v15  }
0xfc: {  	v8 =	vld [tilespmem:s7+$0xFFFFFF80];
	v6 =	vmul.f32 v6, v15;
	[tilespmem:s7+$0xFFFFFF10] =	vst v17  }
0xfd: {  	v13 =	vld [tilespmem:s7+$0xFFFFFF90];
	[tilespmem:s7+$0xFFFFFF20] =	vst v3;
	v3 =	vmul.f32 v12, v5  }
0xfe: {  	v15 =	vld [tilespmem:s7+$0xFFFFFFA0];
	[tilespmem:s7+$0xFFFFFF30] =	vst v6;
	v6 =	vmul.f32 v10, v5  }
0xff: {  	v12 =	vld [tilespmem:s7+$0xFFFFFFB0];
	[tilespmem:s7+$0xFFFFFF40] =	vst v3;
	v3 =	vmul.f32 v11, v5  }
0x100: {  	v10 =	vld [tilespmem:s7+$0xFFFFFFC0];
	[tilespmem:s7+$0xFFFFFF50] =	vst v6;
	v5 =	vmul.f32 v14, v5  }
0x101: {  	v11 =	vld [tilespmem:s7+$0xFFFFFFD0];
	[tilespmem:s7+$0xFFFFFF60] =	vst v3;
	v3 =	vmul.f32 v8, v20  }
0x102: {  	v6 =	vld [tilespmem:s7+$0xFFFFFFE0];
	[tilespmem:s7+$0xFFFFFF70] =	vst v5;
	v5 =	vmul.f32 v13, v20  }
0x103: {  	v8 =	vld [tilespmem:s7+$0xFFFFFFF0];
	[tilespmem:s7+$0xFFFFFF80] =	vst v3;
	v3 =	vmul.f32 v15, v20  }
0x104: {  	v13 =	vld [tilespmem:s7+$0x0];
	[tilespmem:s7+$0xFFFFFF90] =	vst v5;
	v5 =	vmul.f32 v12, v20  }
0x105: {  	v14 =	vld [tilespmem:s7+$0x10];
	[tilespmem:s7+$0xFFFFFFA0] =	vst v3;
	v3 =	vmul.f32 v10, v4  }
0x106: {  	v12 =	vld [tilespmem:s7+$0x20];
	[tilespmem:s7+$0xFFFFFFB0] =	vst v5;
	v5 =	vmul.f32 v11, v4  }
0x107: {  	v10 =	vld [tilespmem:s7+$0x30];
	[tilespmem:s7+$0xFFFFFFC0] =	vst v3;
	v3 =	vmul.f32 v6, v4  }
0x108: {  	v11 =	vld [tilespmem:s7+$0x40];
	[tilespmem:s7+$0xFFFFFFD0] =	vst v5;
	v4 =	vmul.f32 v8, v4  }
0x109: {  	v6 =	vld [tilespmem:s7+$0x50];
	[tilespmem:s7+$0xFFFFFFE0] =	vst v3;
	v3 =	vmul.f32 v13, v7  }
0x10a: {  	v5 =	vld [tilespmem:s7+$0x60];
	[tilespmem:s7+$0xFFFFFFF0] =	vst v4;
	v4 =	vmul.f32 v14, v7  }
0x10b: {  	v8 =	vld [tilespmem:s7+$0x70];
	[tilespmem:s7+$0x0] =	vst v3;
	v3 =	vmul.f32 v12, v7  }
0x10c: {  	[tilespmem:s7+$0x10] =	vst v4;
	v4 =	vmul.f32 v10, v7;
	v7 =	vld [tilespmem:s7+$0xA0]  }
0x10d: {  	v10 =	vld [tilespmem:s7+$0xB0];
	[tilespmem:s7+$0x20] =	vst v3;
	v3 =	vmul.f32 v11, v9  }
0x10e: {  	v12 =	vld [tilespmem:s7+$0x90];
	[tilespmem:s7+$0x30] =	vst v4;
	v4 =	vmul.f32 v6, v9  }
0x10f: {  	v13 =	vld [tilespmem:s7+$0x80];
	[tilespmem:s7+$0x40] =	vst v3;
	v3 =	vmul.f32 v5, v9  }
0x110: {  	v6 =	vld [tilespmem:s7+$0xC0];
	[tilespmem:s7+$0x50] =	vst v4;
	v4 =	vmul.f32 v8, v9  }
0x111: {  	v5 =	vld [tilespmem:s7+$0xD0];
	v7 =	vmul.f32 v7, v21;
	[tilespmem:s7+$0x60] =	vst v3  }
0x112: {  	v8 =	vld [tilespmem:s7+$0xE0];
	v10 =	vmul.f32 v10, v21;
	[tilespmem:s7+$0x70] =	vst v4  }
0x113: {  	s15 =	simm.s32 $0x2;
	v4 =	vmul.f32 v12, v21;
	[tilespmem:s7+$0xA0] =	vst v7  }
0x114: {  	s5 =	sadd.s32 $0x1, s12;
	v14 =	vmov s15;
	s15 =	simm.s32 $0x6;
	v3 =	vmul.f32 v13, v21;
	[tilespmem:s7+$0xB0] =	vst v10  }
0x115: {  	v17 =	vmov s15;
	v9 =	vmov s5;
	[tilespmem:s7+$0x90] =	vst v4;
	v4 =	vmul.f32 v6, v16  }
0x116: {  	s4 =	smul.u32 $0x640, s2;
	v14 =	vshrl.u32 v14, $0x3;
	[tilespmem:s7+$0x80] =	vst v3;
	v3 =	vmul.u32 $0x50, v9;
	v11 =	vmul.f32 v5, v16  }
0x117: {  	s3 =	simm.s32 $0x0;
	s31 =	simm.s32 $0x5;
	v17 =	vshrl.u32 v17, $0x3;
	v14 =	vshll.u32 v14, v2;
	v12 =	vmul.f32 v8, v16;
	[tilespmem:s7+$0xC0] =	vst v4  }
0x118: {  	s11 =	sshra.s32 s4, $0x2;
	v13 =	vmov s3;
	s3 =	simm.s32 $0x3;
	v16 =	vmov s31;
	v5 =	vor.u32 $0x1, v3;
	[tilespmem:s7+$0xD0] =	vst v11  }
0x119: {  	s25 =	simm.s32 $0x1;
	s11 =	sadd.s32 $0x4E20, s11;
	v6 =	vor.u32 $0x2, v3;
	v11 =	vshrl.u32 v13, $0x3;
	[tilespmem:s7+$0xE0] =	vst v12;
	v12 =	vmov s3;
	s3 =	simm.s32 @!p1 $0xA  }
0x11a: {  	v7 =	vor.u32 $0x3, v3;
	v9 =	vor.u32 $0x5, v3;
	[spmem:s13] =	stream.indirect.scatter.add.f32 [tilespmem:s14], [sflag:$0x6], $0x40, s11, s18, $0xb8;
	v11 =	vshll.u32 v11, v2;
	[tilespmem:$0x1EAA0] =	vst v63  }
0x11b: {  	s31 =	sadd.s32 $0x4, s12;
	v16 =	vshrl.u32 v16, $0x3;
	v13 =	vmov s25;
	_ =	swait.ge @!p1 [sflag:s3], $0x1400;
	v11 =	vadd.s32 v3, v11  }
0x11c: {  	s7 =	smul.u32 $0x50, s31;
	v14 =	vadd.s32 v14, v6;
	v13 =	vshrl.u32 v13, $0x3;
	[sflag:s3] =	ssyncset.done @!p1 $0x0;
	v11 =	vbroadcast v11, $0x0  }
0x11d: {  	s25 =	simm.s32 $0x4;
	v12 =	vshrl.u32 v12, $0x3;
	v14 =	vbroadcast v14, $0x0;
	v13 =	vshll.u32 v13, v2;
	[sflag:s3] =	ssyncadd.s32 @!p1 $0xFFFFEC00  }
0x11e: {  	v16 =	vshll.u32 v16, v2;
	v12 =	vshll.u32 v12, v2;
	v13 =	vadd.s32 v13, v5;
	[tilespmem:s23], [sflag:$0x5] =	stream.indirect.gather [hbm4b:s1+s18], $0x40, s7, s18, $0xb8;
	[tilespmem:$0x1EAA0] =	vst v63  }
0x11f: {  	v15 =	vmov s25;
	v12 =	vadd.s32 v12, v7;
	v13 =	vbroadcast v13, $0x0;
	_ =	swait.ge [sflag:s26], $0x1400  }
0x120: {  	v16 =	vadd.s32 v16, v9;
	v15 =	vshrl.u32 v15, $0x3;
	v12 =	vbroadcast v12, $0x0;
	[sflag:s26] =	ssyncset.done $0x0  }
0x121: {  	v8 =	vor.u32 $0x4, v3;
	s25 =	simm.s32 $0x7;
	v16 =	vbroadcast v16, $0x0;
	v15 =	vshll.u32 v15, v2;
	[sflag:s26] =	ssyncadd.s32 $0xFFFFEC00  }
0x122: {  	v17 =	vshll.u32 v17, v2;
	v18 =	vmov s25;
	v15 =	vadd.s32 v15, v8;
	v19 =	vld.idx.msk [tilespmem:v11+s17+$0x0], $0xffff  }
0x123: {  	s15 =	simm.s32 $0xFF60;
	v10 =	vor.u32 $0x6, v3;
	v18 =	vshrl.u32 v18, $0x3;
	v15 =	vbroadcast v15, $0x0;
	v14 =	vld.idx.msk [tilespmem:v14+s17+$0x0], $0xffff  }
0x124: {  	v4 =	vor.u32 $0x7, v3;
	v17 =	vadd.s32 v17, v10;
	v18 =	vshll.u32 v18, v2;
	v22 =	vld [tilespmem:s15+$0xFFFFFF20]  }
0x125: {  	v11 =	vbroadcast v17, $0x0;
	v17 =	vadd.s32 v18, v4;
	v18 =	vld.idx.msk [tilespmem:v13+s17+$0x0], $0xffff  }
0x126: {  	v17 =	vbroadcast v17, $0x0;
	v20 =	vld.idx.msk [tilespmem:v12+s17+$0x0], $0xffff  }
0x127: {  	v13 =	vld.idx.msk [tilespmem:v16+s17+$0x0], $0xffff  }
0x128: {  	v16 =	vld [tilespmem:s15+$0xFFFFFF00]  }
0x129: {  	v21 =	vld.idx.msk [tilespmem:v15+s17+$0x0], $0xffff  }
0x12a: {  	v15 =	vld [tilespmem:s15+$0xF0]  }
0x12b: {  	v12 =	vld.idx.msk [tilespmem:v11+s17+$0x0], $0xffff  }
0x12c: {  	v11 =	vld.idx.msk [tilespmem:v17+s17+$0x0], $0xffff  }
0x12d: {  	v17 =	vld [tilespmem:s15+$0xFFFFFF10]  }
0x12e: {  	v23 =	vld [tilespmem:s15+$0xFFFFFF30]  }
0x12f: {  	v24 =	vld [tilespmem:s15+$0xFFFFFF40]  }
0x130: {  	v25 =	vld [tilespmem:s15+$0xFFFFFF50];
	v16 =	vmul.f32 v16, v19  }
0x131: {  	v26 =	vld [tilespmem:s15+$0xFFFFFF60];
	v15 =	vmul.f32 v15, v11  }
0x132: {  	v63 =	vld [tilespmem:s15+$0x50];
	[tilespmem:s15+$0xFFFFFF00] =	vst v16;
	v17 =	vmul.f32 v17, v19  }
0x133: {  	v16 =	vld [tilespmem:s15+$0xFFFFFF70];
	[tilespmem:s15+$0xF0] =	vst v15;
	v15 =	vmul.f32 v22, v19  }
0x134: {  	[tilespmem:s15+$0xFFFFFF10] =	vst v17;
	v17 =	vmul.f32 v23, v19;
	v19 =	vld [tilespmem:s15+$0xFFFFFF80]  }
0x135: {  	v22 =	vld [tilespmem:s15+$0xFFFFFF90];
	[tilespmem:s15+$0xFFFFFF20] =	vst v15;
	v15 =	vmul.f32 v24, v18  }
0x136: {  	v23 =	vld [tilespmem:s15+$0xFFFFFFA0];
	[tilespmem:s15+$0xFFFFFF30] =	vst v17;
	v17 =	vmul.f32 v25, v18  }
0x137: {  	s11 =	simm.s32 $0x8;
	v24 =	vld [tilespmem:s15+$0xFFFFFFB0];
	[tilespmem:s15+$0xFFFFFF40] =	vst v15;
	v15 =	vmul.f32 v26, v18  }
0x138: {  	s25 =	simm.s32 $0x9;
	v16 =	vmul.f32 v16, v18;
	v25 =	vmov s11;
	[tilespmem:s15+$0xFFFFFF50] =	vst v17;
	v17 =	vld [tilespmem:s15+$0xFFFFFFC0]  }
0x139: {  	s11 =	simm.s32 $0xA;
	v18 =	vshrl.u32 v25, $0x3;
	v25 =	vmov s25;
	s25 =	simm.s32 $0xB;
	[tilespmem:s15+$0xFFFFFF60] =	vst v15;
	v15 =	vmul.f32 v19, v14;
	v19 =	vld [tilespmem:s15+$0xFFFFFFD0]  }
0x13a: {  	[tilespmem:s15+$0xFFFFFF70] =	vst v16;
	v26 =	vmov s11;
	s11 =	simm.s32 $0xC;
	v27 =	vmov s25;
	v16 =	vmul.f32 v22, v14;
	v22 =	vld [tilespmem:s15+$0xFFFFFFE0]  }
0x13b: {  	s25 =	simm.s32 $0xD;
	v28 =	vmov s11;
	v18 =	vshll.u32 v18, v2;
	[tilespmem:s15+$0xFFFFFF80] =	vst v15;
	v15 =	vmul.f32 v23, v14;
	v23 =	vld [tilespmem:s15+$0xFFFFFFF0]  }
0x13c: {  	v29 =	vmov s25;
	s25 =	simm.s32 $0xE;
	v18 =	vadd.s32 v3, v18;
	[tilespmem:s15+$0xFFFFFF90] =	vst v16;
	v16 =	vld [tilespmem:s15+$0x0];
	v14 =	vmul.f32 v24, v14  }
0x13d: {  	v30 =	vmov s25;
	v24 =	vshrl.u32 v25, $0x3;
	[tilespmem:s15+$0xFFFFFFA0] =	vst v15;
	v15 =	vmul.f32 v17, v20;
	v17 =	vld [tilespmem:s15+$0x10]  }
0x13e: {  	v25 =	vshrl.u32 v26, $0x3;
	v26 =	vshrl.u32 v27, $0x3;
	[tilespmem:s15+$0xFFFFFFB0] =	vst v14;
	v14 =	vmul.f32 v19, v20;
	v19 =	vld [tilespmem:s15+$0x20]  }
0x13f: {  	v27 =	vshrl.u32 v28, $0x3;
	v28 =	vshrl.u32 v29, $0x3;
	[tilespmem:s15+$0xFFFFFFC0] =	vst v15;
	v15 =	vmul.f32 v22, v20;
	v22 =	vld [tilespmem:s15+$0x30]  }
0x140: {  	v29 =	vshrl.u32 v30, $0x3;
	v24 =	vshll.u32 v24, v2;
	[tilespmem:s15+$0xFFFFFFD0] =	vst v14;
	v14 =	vmul.f32 v23, v20;
	v20 =	vld [tilespmem:s15+$0x40]  }
0x141: {  	v27 =	vshll.u32 v27, v2;
	v28 =	vshll.u32 v28, v2;
	v16 =	vmul.f32 v16, v21;
	[tilespmem:s15+$0xFFFFFFE0] =	vst v15  }
0x142: {  	v31 =	vld [tilespmem:s15+$0x60];
	v29 =	vshll.u32 v29, v2;
	v23 =	vshll.u32 v25, v2;
	[tilespmem:s15+$0xFFFFFFF0] =	vst v14;
	v14 =	vmul.f32 v17, v21  }
0x143: {  	v25 =	vshll.u32 v26, v2;
	v15 =	vbroadcast v18, $0x0;
	[tilespmem:s15+$0x0] =	vst v16;
	v16 =	vld [tilespmem:s15+$0x70];
	v17 =	vmul.f32 v19, v21  }
0x144: {  	v18 =	vadd.s32 v24, v5;
	v26 =	vadd.s32 v25, v7;
	[tilespmem:s15+$0x10] =	vst v14;
	v21 =	vmul.f32 v22, v21;
	v14 =	vld [tilespmem:s15+$0x80]  }
0x145: {  	v25 =	vmul.f32 v63, v13;
	v22 =	vadd.s32 v27, v8;
	[tilespmem:s15+$0x20] =	vst v17;
	v27 =	vmul.f32 v20, v13;
	v17 =	vld [tilespmem:s15+$0x90]  }
0x146: {  	v24 =	vadd.s32 v29, v10;
	v19 =	vadd.s32 v23, v6;
	v20 =	vbroadcast v18, $0x0;
	v18 =	vld [tilespmem:s15+$0xA0];
	[tilespmem:s15+$0x30] =	vst v21  }
0x147: {  	s3 =	simm.s32 $0xF;
	s11 =	simm.s32 $0x10;
	v23 =	vadd.s32 v28, v9;
	v21 =	vbroadcast v19, $0x0;
	v19 =	vld [tilespmem:s15+$0xB0];
	[tilespmem:s15+$0x40] =	vst v27;
	v27 =	vmul.f32 v31, v13  }
.LBB2_9:
0x148: {  	p1 =	slt.u32 s11, $0x48;
	v26 =	vbroadcast v26, $0x0;
	v28 =	vmov s3;
	[tilespmem:s15+$0x50] =	vst v25;
	v13 =	vmul.f32 v16, v13;
	v16 =	vld [tilespmem:s15+$0xC0]  }
0x149: {  	v22 =	vbroadcast v22, $0x0;
	v25 =	vshrl.u32 v28, $0x3;
	[tilespmem:s15+$0x60] =	vst v27;
	v14 =	vmul.f32 v14, v12;
	v27 =	vld [tilespmem:s15+$0xD0]  }
0x14a: {  	v23 =	vbroadcast v23, $0x0;
	v25 =	vshll.u32 v25, v2;
	[tilespmem:s15+$0x70] =	vst v13;
	v13 =	vmul.f32 v17, v12;
	v17 =	vld [tilespmem:s15+$0xE0]  }
0x14b: {  	v24 =	vbroadcast v24, $0x0;
	v15 =	vld.idx.msk [tilespmem:v15+s17+$0x0], $0xffff;
	v25 =	vadd.s32 v25, v4;
	[tilespmem:s15+$0x80] =	vst v14;
	v14 =	vmul.f32 v18, v12  }
0x14c: {  	v18 =	vld.idx.msk [tilespmem:v20+s17+$0x0], $0xffff;
	v20 =	vbroadcast v25, $0x0;
	[tilespmem:s15+$0x90] =	vst v13;
	v12 =	vmul.f32 v19, v12  }
0x14d: {  	v19 =	vld.idx.msk [tilespmem:v21+s17+$0x0], $0xffff;
	[tilespmem:s15+$0xA0] =	vst v14;
	v13 =	vmul.f32 v16, v11  }
0x14e: {  	v16 =	vld.idx.msk [tilespmem:v26+s17+$0x0], $0xffff;
	[tilespmem:s15+$0xB0] =	vst v12;
	v12 =	vmul.f32 v27, v11  }
0x14f: {  	v14 =	vld.idx.msk [tilespmem:v22+s17+$0x0], $0xffff;
	[tilespmem:s15+$0xC0] =	vst v13;
	v11 =	vmul.f32 v17, v11  }
0x150: {  	v13 =	vld.idx.msk [tilespmem:v23+s17+$0x0], $0xffff;
	[tilespmem:s15+$0xD0] =	vst v12  }
0x151: {  	v12 =	vld.idx.msk [tilespmem:v24+s17+$0x0], $0xffff;
	[tilespmem:s15+$0xE0] =	vst v11  }
0x152: {  	s15 =	sadd.s32 $0x200, s15;
	v11 =	vld.idx.msk [tilespmem:v20+s17+$0x0], $0xffff  }
0x153: {  	v17 =	vld [tilespmem:s15+$0xF0]  }
0x154: {  	v20 =	vld [tilespmem:s15+$0xFFFFFF00]  }
0x155: {  	v21 =	vld [tilespmem:s15+$0xFFFFFF10]  }
0x156: {  	v22 =	vld [tilespmem:s15+$0xFFFFFF20]  }
0x157: {  	v23 =	vld [tilespmem:s15+$0xFFFFFF30]  }
0x158: {  	v24 =	vld [tilespmem:s15+$0xFFFFFF40];
	v17 =	vmul.f32 v17, v11  }
0x159: {  	v20 =	vmul.f32 v20, v15;
	v25 =	vld [tilespmem:s15+$0xFFFFFF50]  }
0x15a: {  	v21 =	vmul.f32 v21, v15;
	v26 =	vld [tilespmem:s15+$0xFFFFFF60];
	[tilespmem:s15+$0xF0] =	vst v17  }
0x15b: {  	[tilespmem:s15+$0xFFFFFF00] =	vst v20;
	v17 =	vmul.f32 v22, v15;
	v20 =	vld [tilespmem:s15+$0xFFFFFF70]  }
0x15c: {  	[tilespmem:s15+$0xFFFFFF10] =	vst v21;
	v15 =	vmul.f32 v23, v15;
	v21 =	vld [tilespmem:s15+$0xFFFFFF80]  }
0x15d: {  	[tilespmem:s15+$0xFFFFFF20] =	vst v17;
	v17 =	vmul.f32 v24, v18;
	v22 =	vld [tilespmem:s15+$0xFFFFFF90]  }
0x15e: {  	[tilespmem:s15+$0xFFFFFF30] =	vst v15;
	v15 =	vmul.f32 v25, v18;
	v23 =	vld [tilespmem:s15+$0xFFFFFFA0]  }
0x15f: {  	[tilespmem:s15+$0xFFFFFF40] =	vst v17;
	v17 =	vmul.f32 v26, v18;
	v24 =	vld [tilespmem:s15+$0xFFFFFFB0]  }
0x160: {  	s3 =	sadd.s32 $0x1, s11;
	v25 =	vmov s11;
	[tilespmem:s15+$0xFFFFFF50] =	vst v15;
	v15 =	vmul.f32 v20, v18;
	v18 =	vld [tilespmem:s15+$0xFFFFFFC0]  }
0x161: {  	s25 =	sadd.s32 $0x3, s11;
	v20 =	vshrl.u32 v25, $0x3;
	v25 =	vmov s3;
	s3 =	sadd.s32 $0x2, s11;
	[tilespmem:s15+$0xFFFFFF60] =	vst v17;
	v17 =	vmul.f32 v21, v19;
	v21 =	vld [tilespmem:s15+$0xFFFFFFD0]  }
0x162: {  	v27 =	vmov s25;
	s25 =	sadd.s32 $0x5, s11;
	v26 =	vmov s3;
	s3 =	sadd.s32 $0x4, s11;
	[tilespmem:s15+$0xFFFFFF70] =	vst v15;
	v15 =	vmul.f32 v22, v19;
	v22 =	vld [tilespmem:s15+$0xFFFFFFE0]  }
0x163: {  	v29 =	vmov s25;
	v28 =	vmov s3;
	s3 =	sadd.s32 $0x6, s11;
	[tilespmem:s15+$0xFFFFFF80] =	vst v17;
	v17 =	vmul.f32 v23, v19;
	v23 =	vld [tilespmem:s15+$0xFFFFFFF0]  }
0x164: {  	v20 =	vshll.u32 v20, v2;
	v30 =	vmov s3;
	[tilespmem:s15+$0xFFFFFF90] =	vst v15;
	v15 =	vmul.f32 v24, v19;
	v19 =	vld [tilespmem:s15+$0x0]  }
0x165: {  	v24 =	vshrl.u32 v25, $0x3;
	v25 =	vshrl.u32 v26, $0x3;
	[tilespmem:s15+$0xFFFFFFA0] =	vst v17;
	v17 =	vmul.f32 v18, v16;
	v18 =	vld [tilespmem:s15+$0x10]  }
0x166: {  	v26 =	vshrl.u32 v27, $0x3;
	v27 =	vshrl.u32 v28, $0x3;
	[tilespmem:s15+$0xFFFFFFB0] =	vst v15;
	v15 =	vmul.f32 v21, v16;
	v21 =	vld [tilespmem:s15+$0x20]  }
0x167: {  	v28 =	vshrl.u32 v29, $0x3;
	v29 =	vshrl.u32 v30, $0x3;
	[tilespmem:s15+$0xFFFFFFC0] =	vst v17;
	v17 =	vmul.f32 v22, v16;
	v22 =	vld [tilespmem:s15+$0x30]  }
0x168: {  	v20 =	vadd.s32 v3, v20;
	v24 =	vshll.u32 v24, v2;
	[tilespmem:s15+$0xFFFFFFD0] =	vst v15;
	v15 =	vmul.f32 v23, v16;
	v23 =	vld [tilespmem:s15+$0x40]  }
0x169: {  	v25 =	vshll.u32 v25, v2;
	v26 =	vshll.u32 v26, v2;
	[tilespmem:s15+$0xFFFFFFE0] =	vst v17;
	v16 =	vmul.f32 v19, v14;
	v19 =	vld [tilespmem:s15+$0x50]  }
0x16a: {  	v17 =	vshll.u32 v27, v2;
	v27 =	vshll.u32 v28, v2;
	[tilespmem:s15+$0xFFFFFFF0] =	vst v15;
	v18 =	vmul.f32 v18, v14;
	v28 =	vld [tilespmem:s15+$0x60]  }
.Ltmp3:
0x16b: {  	v29 =	vshll.u32 v29, v2;
	v15 =	vbroadcast v20, $0x0;
	[tilespmem:s15+$0x0] =	vst v16;
	v20 =	vmul.f32 v21, v14;
	v16 =	vld [tilespmem:s15+$0x70];
	(pc) =	sbr.rel @p1 .LBB2_9-.Ltmp3, $4  }
0x16c: {  	v21 =	vadd.s32 v24, v5;
	v24 =	vadd.s32 v25, v6;
	[tilespmem:s15+$0x10] =	vst v18;
	v18 =	vmul.f32 v22, v14;
	v14 =	vld [tilespmem:s15+$0x80]  }
0x16d: {  	v26 =	vadd.s32 v26, v7;
	v22 =	vadd.s32 v17, v8;
	[tilespmem:s15+$0x20] =	vst v20;
	v30 =	vmul.f32 v23, v13;
	v17 =	vld [tilespmem:s15+$0x90]  }
0x16e: {  	v20 =	vbroadcast v21, $0x0;
	v23 =	vadd.s32 v27, v9;
	[tilespmem:s15+$0x30] =	vst v18;
	v25 =	vmul.f32 v19, v13;
	v18 =	vld [tilespmem:s15+$0xA0]  }
0x16f: {  	s3 =	sadd.s32 $0x7, s11;
	s11 =	sadd.s32 $0x8, s11;
	v21 =	vbroadcast v24, $0x0;
	v24 =	vadd.s32 v29, v10;
	[tilespmem:s15+$0x40] =	vst v30;
	v27 =	vmul.f32 v28, v13;
	v19 =	vld [tilespmem:s15+$0xB0]  }
0x170: {  	_ = 	snop  }
0x171: {  	v6 =	vld [tilespmem:s15+$0xC0]  }
0x172: {  	v8 =	vld [tilespmem:s15+$0xD0]  }
0x173: {  	v10 =	vld [tilespmem:s15+$0xE0]  }
0x174: {  	v5 =	vmov s3;
	v15 =	vld.idx.msk [tilespmem:v15+s17+$0x0], $0xffff;
	v13 =	vmul.f32 v16, v13;
	s11 =	sadd.s32 $0x200, s15  }
0x175: {  	v5 =	vshrl.u32 v5, $0x3;
	v16 =	vld [tilespmem:s11+$0xF0]  }
0x176: {  	v3 =	vbroadcast v26, $0x0;
	v5 =	vshll.u32 v5, v2;
	[tilespmem:s15+$0x70] =	vst v13;
	v13 =	vmul.f32 v17, v12;
	v17 =	vld [tilespmem:s11+$0xFFFFFF00]  }
0x177: {  	v7 =	vbroadcast v22, $0x0;
	v14 =	vmul.f32 v14, v12;
	v4 =	vadd.s32 v5, v4;
	v5 =	vld.idx.msk [tilespmem:v20+s17+$0x0], $0xffff  }
0x178: {  	v20 =	vld.idx.msk [tilespmem:v21+s17+$0x0], $0xffff;
	v4 =	vbroadcast v4, $0x0  }
0x179: {  	v9 =	vbroadcast v23, $0x0;
	[tilespmem:s15+$0x80] =	vst v14;
	v14 =	vmul.f32 v18, v12;
	v18 =	vld [tilespmem:s11+$0xFFFFFF10]  }
0x17a: {  	v22 =	vbroadcast v24, $0x0;
	[tilespmem:s15+$0x90] =	vst v13;
	v13 =	vld [tilespmem:s11+$0xFFFFFF20]  }
0x17b: {  	[tilespmem:s15+$0xA0] =	vst v14;
	v14 =	vld [tilespmem:s11+$0xFFFFFF30]  }
0x17c: {  	v3 =	vld.idx.msk [tilespmem:v3+s17+$0x0], $0xffff  }
0x17d: {  	[tilespmem:s15+$0x50] =	vst v25;
	v6 =	vmul.f32 v6, v11;
	v7 =	vld.idx.msk [tilespmem:v7+s17+$0x0], $0xffff  }
0x17e: {  	[tilespmem:s15+$0x60] =	vst v27;
	v12 =	vmul.f32 v19, v12;
	v4 =	vld.idx.msk [tilespmem:v4+s17+$0x0], $0xffff  }
0x17f: {  	v9 =	vld.idx.msk [tilespmem:v9+s17+$0x0], $0xffff;
	[tilespmem:s15+$0xC0] =	vst v6;
	v6 =	vmul.f32 v10, v11  }
0x180: {  	v8 =	vmul.f32 v8, v11;
	v21 =	vld.idx.msk [tilespmem:v22+s17+$0x0], $0xffff;
	[tilespmem:s15+$0xB0] =	vst v12  }
0x181: {  	v12 =	vld [tilespmem:s11+$0xFFFFFF40];
	[tilespmem:s15+$0xE0] =	vst v6;
	v6 =	vmul.f32 v17, v15  }
0x182: {  	v10 =	vld [tilespmem:s11+$0xFFFFFF50];
	[tilespmem:s15+$0xD0] =	vst v8;
	v17 =	vmul.f32 v18, v15  }
0x183: {  	v11 =	vld [tilespmem:s11+$0xFFFFFF60];
	[tilespmem:s11+$0xFFFFFF00] =	vst v6;
	v8 =	vmul.f32 v16, v4  }
0x184: {  	v6 =	vmul.f32 v13, v15;
	[tilespmem:s11+$0xFFFFFF10] =	vst v17;
	v16 =	vld [tilespmem:s11+$0xFFFFFF70]  }
0x185: {  	v14 =	vmul.f32 v14, v15;
	[tilespmem:s11+$0xF0] =	vst v8;
	v8 =	vld [tilespmem:s11+$0xFFFFFF80]  }
0x186: {  	v13 =	vld [tilespmem:s11+$0xFFFFFF90];
	[tilespmem:s11+$0xFFFFFF20] =	vst v6;
	v6 =	vmul.f32 v12, v5  }
0x187: {  	v15 =	vld [tilespmem:s11+$0xFFFFFFA0];
	[tilespmem:s11+$0xFFFFFF30] =	vst v14;
	v10 =	vmul.f32 v10, v5  }
0x188: {  	v12 =	vld [tilespmem:s11+$0xFFFFFFB0];
	[tilespmem:s11+$0xFFFFFF40] =	vst v6;
	v6 =	vmul.f32 v11, v5  }
0x189: {  	v14 =	vld [tilespmem:s11+$0xFFFFFFC0];
	[tilespmem:s11+$0xFFFFFF50] =	vst v10;
	v5 =	vmul.f32 v16, v5  }
0x18a: {  	v11 =	vld [tilespmem:s11+$0xFFFFFFD0];
	[tilespmem:s11+$0xFFFFFF60] =	vst v6;
	v6 =	vmul.f32 v8, v20  }
0x18b: {  	v10 =	vld [tilespmem:s11+$0xFFFFFFE0];
	[tilespmem:s11+$0xFFFFFF70] =	vst v5;
	v5 =	vmul.f32 v13, v20  }
0x18c: {  	v8 =	vld [tilespmem:s11+$0xFFFFFFF0];
	[tilespmem:s11+$0xFFFFFF80] =	vst v6;
	v6 =	vmul.f32 v15, v20  }
0x18d: {  	v13 =	vld [tilespmem:s11+$0x0];
	[tilespmem:s11+$0xFFFFFF90] =	vst v5;
	v5 =	vmul.f32 v12, v20  }
0x18e: {  	v15 =	vld [tilespmem:s11+$0x10];
	[tilespmem:s11+$0xFFFFFFA0] =	vst v6;
	v6 =	vmul.f32 v14, v3  }
0x18f: {  	v12 =	vld [tilespmem:s11+$0x20];
	[tilespmem:s11+$0xFFFFFFB0] =	vst v5;
	v5 =	vmul.f32 v11, v3  }
0x190: {  	v14 =	vld [tilespmem:s11+$0x30];
	[tilespmem:s11+$0xFFFFFFC0] =	vst v6;
	v6 =	vmul.f32 v10, v3  }
0x191: {  	[tilespmem:s11+$0xFFFFFFD0] =	vst v5;
	v3 =	vmul.f32 v8, v3;
	v5 =	vld [tilespmem:s11+$0x60]  }
0x192: {  	v11 =	vld [tilespmem:s11+$0x40];
	[tilespmem:s11+$0xFFFFFFE0] =	vst v6;
	v6 =	vmul.f32 v13, v7  }
0x193: {  	v10 =	vld [tilespmem:s11+$0x50];
	[tilespmem:s11+$0xFFFFFFF0] =	vst v3;
	v3 =	vmul.f32 v15, v7  }
0x194: {  	v13 =	vld [tilespmem:s11+$0x80];
	[tilespmem:s11+$0x0] =	vst v6;
	v6 =	vmul.f32 v12, v7  }
0x195: {  	v8 =	vld [tilespmem:s11+$0x70];
	[tilespmem:s11+$0x10] =	vst v3;
	v3 =	vmul.f32 v14, v7  }
0x196: {  	v12 =	vld [tilespmem:s11+$0x90];
	v5 =	vmul.f32 v5, v9;
	[tilespmem:s11+$0x20] =	vst v6  }
0x197: {  	v7 =	vld [tilespmem:s11+$0xA0];
	v6 =	vmul.f32 v11, v9;
	[tilespmem:s11+$0x30] =	vst v3  }
0x198: {  	v11 =	vld [tilespmem:s11+$0xB0];
	v3 =	vmul.f32 v10, v9;
	[tilespmem:s11+$0x60] =	vst v5  }
0x199: {  	s25 =	simm.s32 $0x1;
	v10 =	vld [tilespmem:s11+$0xC0];
	v5 =	vmul.f32 v13, v21;
	[tilespmem:s11+$0x40] =	vst v6  }
0x19a: {  	v14 =	vmov s25;
	s25 =	simm.s32 $0x3;
	v6 =	vld [tilespmem:s11+$0xD0];
	[tilespmem:s11+$0x50] =	vst v3;
	v3 =	vmul.f32 v8, v9  }
0x19b: {  	v15 =	vmov s25;
	s25 =	simm.s32 $0x5;
	v14 =	vshrl.u32 v14, $0x3;
	v8 =	vld [tilespmem:s11+$0xE0];
	v9 =	vmul.f32 v12, v21;
	[tilespmem:s11+$0x80] =	vst v5  }
0x19c: {  	s15 =	sadd.s32 $0x2, s12;
	s12 =	simm.s32 $0x0;
	v16 =	vmov s25;
	v15 =	vshrl.u32 v15, $0x3;
	v5 =	vmul.f32 v7, v21;
	[tilespmem:s11+$0x70] =	vst v3  }
0x19d: {  	s25 =	simm.s32 $0x6;
	v14 =	vshll.u32 v14, v2;
	v13 =	vmov s12;
	v7 =	vmul.f32 v11, v21;
	[tilespmem:s11+$0x90] =	vst v9  }
0x19e: {  	v17 =	vmov s25;
	v3 =	vmov s15;
	v10 =	vmul.f32 v10, v4;
	[tilespmem:s11+$0xA0] =	vst v5  }
0x19f: {  	s3 =	smul.u32 $0x140, s5;
	v16 =	vshrl.u32 v16, $0x3;
	v3 =	vmul.u32 $0x50, v3;
	v11 =	vmul.f32 v6, v4;
	[tilespmem:s11+$0xB0] =	vst v7  }
0x1a0: {  	v15 =	vshll.u32 v15, v2;
	v17 =	vshrl.u32 v17, $0x3;
	v12 =	vmul.f32 v8, v4;
	[tilespmem:s11+$0xC0] =	vst v10  }
0x1a1: {  	s3 =	sshra.s32 s3, $0x2;
	v16 =	vshll.u32 v16, v2;
	v17 =	vshll.u32 v17, v2;
	v4 =	vor.u32 $0x1, v3;
	[tilespmem:s11+$0xD0] =	vst v11  }
0x1a2: {  	s3 =	sadd.s32 $0x4E20, s3;
	s12 =	simm.s32 $0x2;
	v5 =	vor.u32 $0x2, v3;
	v6 =	vor.u32 $0x3, v3;
	[tilespmem:s11+$0xE0] =	vst v12;
	v12 =	vshrl.u32 v13, $0x3  }
0x1a3: {  	v8 =	vor.u32 $0x4, v3;
	v9 =	vor.u32 $0x5, v3;
	[spmem:s13] =	stream.indirect.scatter.add.f32 [tilespmem:s19], [sflag:$0x7], $0x40, s3, s18, $0xb8;
	v12 =	vshll.u32 v12, v2;
	[tilespmem:$0x1EAA0] =	vst v63  }
0x1a4: {  	p1 =	seq.s32 s2, $0x31;
	v10 =	vor.u32 $0x6, v3;
	v11 =	vmov s12;
	s12 =	simm.s32 $0x4;
	_ =	swait.ge [sflag:s28], $0x1400;
	v12 =	vadd.s32 v3, v12  }
0x1a5: {  	s5 =	simm.s32 @!p1 $0xEA60;
	v14 =	vadd.s32 v14, v4;
	v13 =	vmov s12;
	s12 =	sshra.s32 @!p1 s4, $0x2;
	[sflag:s28] =	ssyncset.done $0x0;
	v12 =	vbroadcast v12, $0x0  }
0x1a6: {  	v15 =	vadd.s32 v15, v6;
	v14 =	vbroadcast v14, $0x0;
	v11 =	vshrl.u32 v11, $0x3;
	s4 =	simm.s32 @!p1 $0x50;
	s3 =	sadd.s32 @!p1 $0x190, s12;
	[sflag:s28] =	ssyncadd.s32 $0xFFFFEC00  }
0x1a7: {  	v15 =	vbroadcast v15, $0x0;
	v13 =	vshrl.u32 v13, $0x3;
	v11 =	vshll.u32 v11, v2;
	[tilespmem:s5], [sflag:$0x1] =	stream.indirect.gather @!p1 [hbm4b:s1+s4], $0x40, s3, s4, $0xb8;
	[tilespmem:$0x1EAA0] =	vst v63  }
0x1a8: {  	v7 =	vor.u32 $0x7, v3;
	s11 =	simm.s32 $0x7;
	v13 =	vshll.u32 v13, v2;
	v11 =	vadd.s32 v11, v5;
	_ =	swait.ge [sflag:s29], $0x1400  }
0x1a9: {  	v18 =	vmov s11;
	v11 =	vbroadcast v11, $0x0;
	v13 =	vadd.s32 v13, v8;
	[sflag:s29] =	ssyncset.done $0x0  }
0x1aa: {  	v16 =	vadd.s32 v16, v9;
	v18 =	vshrl.u32 v18, $0x3;
	v13 =	vbroadcast v13, $0x0;
	[sflag:s29] =	ssyncadd.s32 $0xFFFFEC00  }
0x1ab: {  	v17 =	vadd.s32 v17, v10;
	v16 =	vbroadcast v16, $0x0;
	v18 =	vshll.u32 v18, v2;
	v19 =	vld.idx.msk [tilespmem:v12+s17+$0x0], $0xffff  }
0x1ac: {  	v12 =	vbroadcast v17, $0x0;
	v17 =	vadd.s32 v18, v7;
	v14 =	vld.idx.msk [tilespmem:v14+s17+$0x0], $0xffff  }
0x1ad: {  	s4 =	simm.s32 $0x11360;
	v15 =	vld.idx.msk [tilespmem:v15+s17+$0x0], $0xffff;
	v17 =	vbroadcast v17, $0x0  }
0x1ae: {  	v21 =	vld [tilespmem:s4+$0xFFFFFF10]  }
0x1af: {  	v18 =	vld.idx.msk [tilespmem:v11+s17+$0x0], $0xffff  }
0x1b0: {  	v20 =	vld.idx.msk [tilespmem:v13+s17+$0x0], $0xffff  }
0x1b1: {  	v13 =	vld.idx.msk [tilespmem:v16+s17+$0x0], $0xffff  }
0x1b2: {  	v16 =	vld [tilespmem:s4+$0xF0]  }
0x1b3: {  	v11 =	vld.idx.msk [tilespmem:v17+s17+$0x0], $0xffff  }
0x1b4: {  	v17 =	vld [tilespmem:s4+$0xFFFFFF00]  }
0x1b5: {  	v22 =	vld [tilespmem:s4+$0xFFFFFF20]  }
0x1b6: {  	v23 =	vld [tilespmem:s4+$0xFFFFFF30]  }
0x1b7: {  	v24 =	vld [tilespmem:s4+$0xFFFFFF40]  }
0x1b8: {  	v25 =	vld [tilespmem:s4+$0xFFFFFF50];
	v16 =	vmul.f32 v16, v11  }
0x1b9: {  	v26 =	vld [tilespmem:s4+$0xFFFFFF60];
	v17 =	vmul.f32 v17, v19  }
0x1ba: {  	v21 =	vmul.f32 v21, v19;
	v12 =	vld.idx.msk [tilespmem:v12+s17+$0x0], $0xffff;
	[tilespmem:s4+$0xF0] =	vst v16  }
0x1bb: {  	[tilespmem:s4+$0xFFFFFF00] =	vst v17;
	v16 =	vmul.f32 v22, v19;
	v17 =	vld [tilespmem:s4+$0xFFFFFF70]  }
0x1bc: {  	[tilespmem:s4+$0xFFFFFF10] =	vst v21;
	v21 =	vld [tilespmem:s4+$0xFFFFFF80];
	v19 =	vmul.f32 v23, v19  }
0x1bd: {  	v22 =	vld [tilespmem:s4+$0xFFFFFF90];
	[tilespmem:s4+$0xFFFFFF20] =	vst v16;
	v16 =	vmul.f32 v24, v14  }
0x1be: {  	v23 =	vld [tilespmem:s4+$0xFFFFFFA0];
	[tilespmem:s4+$0xFFFFFF30] =	vst v19;
	v19 =	vmul.f32 v25, v14  }
0x1bf: {  	s25 =	simm.s32 $0x8;
	v24 =	vld [tilespmem:s4+$0xFFFFFFB0];
	[tilespmem:s4+$0xFFFFFF40] =	vst v16;
	v16 =	vmul.f32 v26, v14  }
0x1c0: {  	v25 =	vmov s25;
	s25 =	simm.s32 $0xB;
	[tilespmem:s4+$0xFFFFFF50] =	vst v19;
	v14 =	vmul.f32 v17, v14;
	v17 =	vld [tilespmem:s4+$0xFFFFFFC0]  }
0x1c1: {  	s11 =	simm.s32 $0xA;
	s5 =	simm.s32 $0x9;
	v27 =	vmov s25;
	v19 =	vshrl.u32 v25, $0x3;
	[tilespmem:s4+$0xFFFFFF60] =	vst v16;
	v16 =	vmul.f32 v21, v18;
	v21 =	vld [tilespmem:s4+$0xFFFFFFD0]  }
0x1c2: {  	s25 =	simm.s32 $0xE;
	v25 =	vmov s5;
	v26 =	vmov s11;
	s5 =	simm.s32 $0xC;
	[tilespmem:s4+$0xFFFFFF70] =	vst v14;
	v14 =	vmul.f32 v22, v18;
	v22 =	vld [tilespmem:s4+$0xFFFFFFE0]  }
0x1c3: {  	s11 =	simm.s32 $0xD;
	v30 =	vmov s25;
	v28 =	vmov s5;
	[tilespmem:s4+$0xFFFFFF80] =	vst v16;
	v16 =	vmul.f32 v23, v18;
	v23 =	vld [tilespmem:s4+$0xFFFFFFF0]  }
0x1c4: {  	v29 =	vmov s11;
	v19 =	vshll.u32 v19, v2;
	[tilespmem:s4+$0xFFFFFF90] =	vst v14;
	v14 =	vmul.f32 v24, v18;
	v18 =	vld [tilespmem:s4+$0x0]  }
0x1c5: {  	v19 =	vadd.s32 v3, v19;
	v24 =	vshrl.u32 v25, $0x3;
	[tilespmem:s4+$0xFFFFFFA0] =	vst v16;
	v16 =	vmul.f32 v17, v15;
	v17 =	vld [tilespmem:s4+$0x10]  }
0x1c6: {  	v25 =	vshrl.u32 v26, $0x3;
	v26 =	vshrl.u32 v27, $0x3;
	[tilespmem:s4+$0xFFFFFFB0] =	vst v14;
	v14 =	vmul.f32 v21, v15;
	v21 =	vld [tilespmem:s4+$0x20]  }
0x1c7: {  	v27 =	vshrl.u32 v28, $0x3;
	v28 =	vshrl.u32 v29, $0x3;
	[tilespmem:s4+$0xFFFFFFC0] =	vst v16;
	v16 =	vmul.f32 v22, v15;
	v22 =	vld [tilespmem:s4+$0x30]  }
0x1c8: {  	v29 =	vshrl.u32 v30, $0x3;
	v24 =	vshll.u32 v24, v2;
	[tilespmem:s4+$0xFFFFFFD0] =	vst v14;
	v14 =	vmul.f32 v23, v15;
	v23 =	vld [tilespmem:s4+$0x40]  }
0x1c9: {  	v25 =	vshll.u32 v25, v2;
	v26 =	vshll.u32 v26, v2;
	[tilespmem:s4+$0xFFFFFFE0] =	vst v16;
	v16 =	vmul.f32 v18, v20;
	v18 =	vld [tilespmem:s4+$0x50]  }
0x1ca: {  	v63 =	vld [tilespmem:s4+$0x60];
	v27 =	vshll.u32 v27, v2;
	v28 =	vshll.u32 v28, v2;
	[tilespmem:s4+$0xFFFFFFF0] =	vst v14;
	v14 =	vmul.f32 v17, v20  }
0x1cb: {  	v26 =	vadd.s32 v26, v6;
	v15 =	vbroadcast v19, $0x0;
	[tilespmem:s4+$0x0] =	vst v16;
	v17 =	vmul.f32 v21, v20;
	v16 =	vld [tilespmem:s4+$0x70]  }
0x1cc: {  	v21 =	vadd.s32 v24, v4;
	v24 =	vadd.s32 v25, v5;
	[tilespmem:s4+$0x10] =	vst v14;
	v25 =	vmul.f32 v22, v20;
	v14 =	vld [tilespmem:s4+$0x80]  }
0x1cd: {  	v22 =	vadd.s32 v27, v8;
	v20 =	vbroadcast v21, $0x0;
	[tilespmem:s4+$0x20] =	vst v17;
	v27 =	vmul.f32 v23, v13;
	v17 =	vld [tilespmem:s4+$0x90]  }
0x1ce: {  	v19 =	vshll.u32 v29, v2;
	v21 =	vbroadcast v24, $0x0;
	[tilespmem:s4+$0x30] =	vst v25;
	v25 =	vmul.f32 v18, v13;
	v18 =	vld [tilespmem:s4+$0xA0]  }
0x1cf: {  	s3 =	simm.s32 $0xF;
	s5 =	simm.s32 $0x10;
	v24 =	vadd.s32 v19, v10;
	v19 =	vld [tilespmem:s4+$0xB0];
	v23 =	vadd.s32 v28, v9;
	[tilespmem:s4+$0x40] =	vst v27;
	v27 =	vmul.f32 v63, v13  }
.LBB2_11:
0x1d0: {  	p2 =	slt.u32 s5, $0x48;
	v26 =	vbroadcast v26, $0x0;
	v28 =	vmov s3;
	[tilespmem:s4+$0x50] =	vst v25;
	v13 =	vmul.f32 v16, v13;
	v16 =	vld [tilespmem:s4+$0xC0]  }
0x1d1: {  	v22 =	vbroadcast v22, $0x0;
	v25 =	vshrl.u32 v28, $0x3;
	[tilespmem:s4+$0x60] =	vst v27;
	v14 =	vmul.f32 v14, v12;
	v27 =	vld [tilespmem:s4+$0xD0]  }
0x1d2: {  	v23 =	vbroadcast v23, $0x0;
	v25 =	vshll.u32 v25, v2;
	[tilespmem:s4+$0x70] =	vst v13;
	v13 =	vmul.f32 v17, v12;
	v17 =	vld [tilespmem:s4+$0xE0]  }
0x1d3: {  	v24 =	vbroadcast v24, $0x0;
	v15 =	vld.idx.msk [tilespmem:v15+s17+$0x0], $0xffff;
	v25 =	vadd.s32 v25, v7;
	[tilespmem:s4+$0x80] =	vst v14;
	v14 =	vmul.f32 v18, v12  }
0x1d4: {  	v18 =	vld.idx.msk [tilespmem:v20+s17+$0x0], $0xffff;
	v20 =	vbroadcast v25, $0x0;
	[tilespmem:s4+$0x90] =	vst v13;
	v12 =	vmul.f32 v19, v12  }
0x1d5: {  	v19 =	vld.idx.msk [tilespmem:v21+s17+$0x0], $0xffff;
	[tilespmem:s4+$0xA0] =	vst v14;
	v13 =	vmul.f32 v16, v11  }
0x1d6: {  	v16 =	vld.idx.msk [tilespmem:v26+s17+$0x0], $0xffff;
	[tilespmem:s4+$0xB0] =	vst v12;
	v12 =	vmul.f32 v27, v11  }
0x1d7: {  	v14 =	vld.idx.msk [tilespmem:v22+s17+$0x0], $0xffff;
	[tilespmem:s4+$0xC0] =	vst v13;
	v11 =	vmul.f32 v17, v11  }
0x1d8: {  	v13 =	vld.idx.msk [tilespmem:v23+s17+$0x0], $0xffff;
	[tilespmem:s4+$0xD0] =	vst v12  }
0x1d9: {  	v12 =	vld.idx.msk [tilespmem:v24+s17+$0x0], $0xffff;
	[tilespmem:s4+$0xE0] =	vst v11  }
0x1da: {  	s4 =	sadd.s32 $0x200, s4;
	v11 =	vld.idx.msk [tilespmem:v20+s17+$0x0], $0xffff  }
0x1db: {  	v17 =	vld [tilespmem:s4+$0xF0]  }
0x1dc: {  	v20 =	vld [tilespmem:s4+$0xFFFFFF00]  }
0x1dd: {  	v21 =	vld [tilespmem:s4+$0xFFFFFF10]  }
0x1de: {  	v22 =	vld [tilespmem:s4+$0xFFFFFF20]  }
0x1df: {  	v23 =	vld [tilespmem:s4+$0xFFFFFF30]  }
0x1e0: {  	v24 =	vld [tilespmem:s4+$0xFFFFFF40];
	v17 =	vmul.f32 v17, v11  }
0x1e1: {  	v20 =	vmul.f32 v20, v15;
	v25 =	vld [tilespmem:s4+$0xFFFFFF50]  }
0x1e2: {  	v21 =	vmul.f32 v21, v15;
	v26 =	vld [tilespmem:s4+$0xFFFFFF60];
	[tilespmem:s4+$0xF0] =	vst v17  }
0x1e3: {  	[tilespmem:s4+$0xFFFFFF00] =	vst v20;
	v17 =	vmul.f32 v22, v15;
	v20 =	vld [tilespmem:s4+$0xFFFFFF70]  }
0x1e4: {  	[tilespmem:s4+$0xFFFFFF10] =	vst v21;
	v15 =	vmul.f32 v23, v15;
	v21 =	vld [tilespmem:s4+$0xFFFFFF80]  }
0x1e5: {  	[tilespmem:s4+$0xFFFFFF20] =	vst v17;
	v17 =	vmul.f32 v24, v18;
	v22 =	vld [tilespmem:s4+$0xFFFFFF90]  }
0x1e6: {  	[tilespmem:s4+$0xFFFFFF30] =	vst v15;
	v15 =	vmul.f32 v25, v18;
	v23 =	vld [tilespmem:s4+$0xFFFFFFA0]  }
0x1e7: {  	[tilespmem:s4+$0xFFFFFF40] =	vst v17;
	v17 =	vmul.f32 v26, v18;
	v24 =	vld [tilespmem:s4+$0xFFFFFFB0]  }
0x1e8: {  	s3 =	sadd.s32 $0x1, s5;
	v25 =	vmov s5;
	[tilespmem:s4+$0xFFFFFF50] =	vst v15;
	v15 =	vmul.f32 v20, v18;
	v18 =	vld [tilespmem:s4+$0xFFFFFFC0]  }
0x1e9: {  	s11 =	sadd.s32 $0x3, s5;
	v20 =	vshrl.u32 v25, $0x3;
	v25 =	vmov s3;
	s3 =	sadd.s32 $0x2, s5;
	[tilespmem:s4+$0xFFFFFF60] =	vst v17;
	v17 =	vmul.f32 v21, v19;
	v21 =	vld [tilespmem:s4+$0xFFFFFFD0]  }
0x1ea: {  	v27 =	vmov s11;
	s11 =	sadd.s32 $0x5, s5;
	v26 =	vmov s3;
	s3 =	sadd.s32 $0x4, s5;
	[tilespmem:s4+$0xFFFFFF70] =	vst v15;
	v15 =	vmul.f32 v22, v19;
	v22 =	vld [tilespmem:s4+$0xFFFFFFE0]  }
0x1eb: {  	v29 =	vmov s11;
	v28 =	vmov s3;
	s3 =	sadd.s32 $0x6, s5;
	[tilespmem:s4+$0xFFFFFF80] =	vst v17;
	v17 =	vmul.f32 v23, v19;
	v23 =	vld [tilespmem:s4+$0xFFFFFFF0]  }
0x1ec: {  	v20 =	vshll.u32 v20, v2;
	v30 =	vmov s3;
	[tilespmem:s4+$0xFFFFFF90] =	vst v15;
	v15 =	vmul.f32 v24, v19;
	v19 =	vld [tilespmem:s4+$0x0]  }
0x1ed: {  	v24 =	vshrl.u32 v25, $0x3;
	v25 =	vshrl.u32 v26, $0x3;
	[tilespmem:s4+$0xFFFFFFA0] =	vst v17;
	v17 =	vmul.f32 v18, v16;
	v18 =	vld [tilespmem:s4+$0x10]  }
0x1ee: {  	v26 =	vshrl.u32 v27, $0x3;
	v27 =	vshrl.u32 v28, $0x3;
	[tilespmem:s4+$0xFFFFFFB0] =	vst v15;
	v15 =	vmul.f32 v21, v16;
	v21 =	vld [tilespmem:s4+$0x20]  }
0x1ef: {  	v28 =	vshrl.u32 v29, $0x3;
	v29 =	vshrl.u32 v30, $0x3;
	[tilespmem:s4+$0xFFFFFFC0] =	vst v17;
	v17 =	vmul.f32 v22, v16;
	v22 =	vld [tilespmem:s4+$0x30]  }
0x1f0: {  	v20 =	vadd.s32 v3, v20;
	v24 =	vshll.u32 v24, v2;
	[tilespmem:s4+$0xFFFFFFD0] =	vst v15;
	v15 =	vmul.f32 v23, v16;
	v23 =	vld [tilespmem:s4+$0x40]  }
0x1f1: {  	v25 =	vshll.u32 v25, v2;
	v26 =	vshll.u32 v26, v2;
	[tilespmem:s4+$0xFFFFFFE0] =	vst v17;
	v16 =	vmul.f32 v19, v14;
	v19 =	vld [tilespmem:s4+$0x50]  }
0x1f2: {  	v17 =	vshll.u32 v27, v2;
	v27 =	vshll.u32 v28, v2;
	[tilespmem:s4+$0xFFFFFFF0] =	vst v15;
	v18 =	vmul.f32 v18, v14;
	v28 =	vld [tilespmem:s4+$0x60]  }
.Ltmp4:
0x1f3: {  	v29 =	vshll.u32 v29, v2;
	v15 =	vbroadcast v20, $0x0;
	[tilespmem:s4+$0x0] =	vst v16;
	v20 =	vmul.f32 v21, v14;
	v16 =	vld [tilespmem:s4+$0x70];
	(pc) =	sbr.rel @p2 .LBB2_11-.Ltmp4, $4  }
0x1f4: {  	v21 =	vadd.s32 v24, v4;
	v24 =	vadd.s32 v25, v5;
	[tilespmem:s4+$0x10] =	vst v18;
	v18 =	vmul.f32 v22, v14;
	v14 =	vld [tilespmem:s4+$0x80]  }
0x1f5: {  	v26 =	vadd.s32 v26, v6;
	v22 =	vadd.s32 v17, v8;
	[tilespmem:s4+$0x20] =	vst v20;
	v30 =	vmul.f32 v23, v13;
	v17 =	vld [tilespmem:s4+$0x90]  }
0x1f6: {  	v20 =	vbroadcast v21, $0x0;
	v23 =	vadd.s32 v27, v9;
	[tilespmem:s4+$0x30] =	vst v18;
	v25 =	vmul.f32 v19, v13;
	v18 =	vld [tilespmem:s4+$0xA0]  }
0x1f7: {  	s3 =	sadd.s32 $0x7, s5;
	s5 =	sadd.s32 $0x8, s5;
	v21 =	vbroadcast v24, $0x0;
	v24 =	vadd.s32 v29, v10;
	[tilespmem:s4+$0x40] =	vst v30;
	v27 =	vmul.f32 v28, v13;
	v19 =	vld [tilespmem:s4+$0xB0]  }
0x1f8: {  	_ = 	snop  }
0x1f9: {  	v5 =	vld [tilespmem:s4+$0xC0]  }
0x1fa: {  	v8 =	vld [tilespmem:s4+$0xD0]  }
0x1fb: {  	v10 =	vld [tilespmem:s4+$0xE0]  }
0x1fc: {  	v4 =	vmov s3;
	v15 =	vld.idx.msk [tilespmem:v15+s17+$0x0], $0xffff;
	v13 =	vmul.f32 v16, v13;
	s5 =	sadd.s32 $0x200, s4  }
0x1fd: {  	v4 =	vshrl.u32 v4, $0x3;
	v16 =	vld [tilespmem:s5+$0xF0]  }
0x1fe: {  	v3 =	vbroadcast v26, $0x0;
	v4 =	vshll.u32 v4, v2;
	[tilespmem:s4+$0x70] =	vst v13;
	v13 =	vmul.f32 v17, v12;
	v17 =	vld [tilespmem:s5+$0xFFFFFF00]  }
0x1ff: {  	v6 =	vbroadcast v22, $0x0;
	v14 =	vmul.f32 v14, v12;
	v4 =	vadd.s32 v4, v7;
	v7 =	vld.idx.msk [tilespmem:v20+s17+$0x0], $0xffff  }
0x200: {  	v20 =	vld.idx.msk [tilespmem:v21+s17+$0x0], $0xffff;
	v4 =	vbroadcast v4, $0x0  }
0x201: {  	v9 =	vbroadcast v23, $0x0;
	[tilespmem:s4+$0x80] =	vst v14;
	v14 =	vmul.f32 v18, v12;
	v18 =	vld [tilespmem:s5+$0xFFFFFF10]  }
0x202: {  	v22 =	vbroadcast v24, $0x0;
	[tilespmem:s4+$0x90] =	vst v13;
	v13 =	vld [tilespmem:s5+$0xFFFFFF20]  }
0x203: {  	[tilespmem:s4+$0xA0] =	vst v14;
	v14 =	vld [tilespmem:s5+$0xFFFFFF30]  }
0x204: {  	v3 =	vld.idx.msk [tilespmem:v3+s17+$0x0], $0xffff  }
0x205: {  	[tilespmem:s4+$0x50] =	vst v25;
	v5 =	vmul.f32 v5, v11;
	v6 =	vld.idx.msk [tilespmem:v6+s17+$0x0], $0xffff  }
0x206: {  	[tilespmem:s4+$0x60] =	vst v27;
	v12 =	vmul.f32 v19, v12;
	v4 =	vld.idx.msk [tilespmem:v4+s17+$0x0], $0xffff  }
0x207: {  	v9 =	vld.idx.msk [tilespmem:v9+s17+$0x0], $0xffff;
	[tilespmem:s4+$0xC0] =	vst v5;
	v5 =	vmul.f32 v10, v11  }
0x208: {  	v8 =	vmul.f32 v8, v11;
	v21 =	vld.idx.msk [tilespmem:v22+s17+$0x0], $0xffff;
	[tilespmem:s4+$0xB0] =	vst v12  }
0x209: {  	v12 =	vld [tilespmem:s5+$0xFFFFFF40];
	[tilespmem:s4+$0xE0] =	vst v5;
	v5 =	vmul.f32 v17, v15  }
0x20a: {  	v10 =	vld [tilespmem:s5+$0xFFFFFF50];
	[tilespmem:s4+$0xD0] =	vst v8;
	v17 =	vmul.f32 v18, v15  }
0x20b: {  	v11 =	vld [tilespmem:s5+$0xFFFFFF60];
	[tilespmem:s5+$0xFFFFFF00] =	vst v5;
	v8 =	vmul.f32 v16, v4  }
0x20c: {  	v5 =	vmul.f32 v13, v15;
	[tilespmem:s5+$0xFFFFFF10] =	vst v17;
	v16 =	vld [tilespmem:s5+$0xFFFFFF70]  }
0x20d: {  	v14 =	vmul.f32 v14, v15;
	[tilespmem:s5+$0xF0] =	vst v8;
	v8 =	vld [tilespmem:s5+$0xFFFFFF80]  }
0x20e: {  	v13 =	vld [tilespmem:s5+$0xFFFFFF90];
	[tilespmem:s5+$0xFFFFFF20] =	vst v5;
	v5 =	vmul.f32 v12, v7  }
0x20f: {  	v15 =	vld [tilespmem:s5+$0xFFFFFFA0];
	[tilespmem:s5+$0xFFFFFF30] =	vst v14;
	v10 =	vmul.f32 v10, v7  }
0x210: {  	v12 =	vld [tilespmem:s5+$0xFFFFFFB0];
	[tilespmem:s5+$0xFFFFFF40] =	vst v5;
	v5 =	vmul.f32 v11, v7  }
0x211: {  	v14 =	vld [tilespmem:s5+$0xFFFFFFC0];
	[tilespmem:s5+$0xFFFFFF50] =	vst v10;
	v7 =	vmul.f32 v16, v7  }
0x212: {  	v11 =	vld [tilespmem:s5+$0xFFFFFFD0];
	[tilespmem:s5+$0xFFFFFF60] =	vst v5;
	v5 =	vmul.f32 v8, v20  }
0x213: {  	v10 =	vld [tilespmem:s5+$0xFFFFFFE0];
	[tilespmem:s5+$0xFFFFFF70] =	vst v7;
	v7 =	vmul.f32 v13, v20  }
0x214: {  	v8 =	vld [tilespmem:s5+$0xFFFFFFF0];
	[tilespmem:s5+$0xFFFFFF80] =	vst v5;
	v5 =	vmul.f32 v15, v20  }
0x215: {  	v13 =	vld [tilespmem:s5+$0x0];
	[tilespmem:s5+$0xFFFFFF90] =	vst v7;
	v7 =	vmul.f32 v12, v20  }
0x216: {  	v15 =	vld [tilespmem:s5+$0x10];
	[tilespmem:s5+$0xFFFFFFA0] =	vst v5;
	v5 =	vmul.f32 v14, v3  }
0x217: {  	v12 =	vld [tilespmem:s5+$0x20];
	[tilespmem:s5+$0xFFFFFFB0] =	vst v7;
	v7 =	vmul.f32 v11, v3  }
0x218: {  	v14 =	vld [tilespmem:s5+$0x30];
	[tilespmem:s5+$0xFFFFFFC0] =	vst v5;
	v5 =	vmul.f32 v10, v3  }
0x219: {  	v11 =	vld [tilespmem:s5+$0x40];
	[tilespmem:s5+$0xFFFFFFD0] =	vst v7;
	v3 =	vmul.f32 v8, v3  }
0x21a: {  	v10 =	vld [tilespmem:s5+$0x50];
	[tilespmem:s5+$0xFFFFFFE0] =	vst v5;
	v5 =	vmul.f32 v13, v6  }
0x21b: {  	v7 =	vld [tilespmem:s5+$0x60];
	[tilespmem:s5+$0xFFFFFFF0] =	vst v3;
	v3 =	vmul.f32 v15, v6  }
0x21c: {  	v8 =	vld [tilespmem:s5+$0x70];
	[tilespmem:s5+$0x0] =	vst v5;
	v5 =	vmul.f32 v12, v6  }
0x21d: {  	v12 =	vld [tilespmem:s5+$0x90];
	[tilespmem:s5+$0x10] =	vst v3;
	v3 =	vmul.f32 v14, v6  }
0x21e: {  	v13 =	vld [tilespmem:s5+$0x80];
	[tilespmem:s5+$0x20] =	vst v5;
	v5 =	vmul.f32 v11, v9  }
0x21f: {  	v11 =	vld [tilespmem:s5+$0xB0];
	[tilespmem:s5+$0x30] =	vst v3;
	v3 =	vmul.f32 v10, v9  }
0x220: {  	v10 =	vld [tilespmem:s5+$0xC0];
	[tilespmem:s5+$0x40] =	vst v5;
	v5 =	vmul.f32 v7, v9  }
0x221: {  	v6 =	vld [tilespmem:s5+$0xA0];
	[tilespmem:s5+$0x50] =	vst v3;
	v3 =	vmul.f32 v8, v9  }
0x222: {  	v7 =	vld [tilespmem:s5+$0xD0];
	v9 =	vmul.f32 v12, v21;
	[tilespmem:s5+$0x60] =	vst v5  }
0x223: {  	v8 =	vld [tilespmem:s5+$0xE0];
	v5 =	vmul.f32 v13, v21;
	[tilespmem:s5+$0x70] =	vst v3  }
0x224: {  	s11 =	simm.s32 $0x2;
	v11 =	vmul.f32 v11, v21;
	[tilespmem:s5+$0x90] =	vst v9  }
0x225: {  	v14 =	vmov s11;
	s11 =	simm.s32 $0x6;
	v10 =	vmul.f32 v10, v4;
	[tilespmem:s5+$0x80] =	vst v5  }
0x226: {  	v17 =	vmov s11;
	v3 =	vmov s24;
	v5 =	vmul.f32 v6, v21;
	[tilespmem:s5+$0xB0] =	vst v11  }
0x227: {  	s15 =	smul.u32 $0x140, s15;
	v14 =	vshrl.u32 v14, $0x3;
	v3 =	vmul.u32 $0x50, v3;
	v12 =	vmul.f32 v7, v4;
	[tilespmem:s5+$0xC0] =	vst v10  }
0x228: {  	v17 =	vshrl.u32 v17, $0x3;
	v14 =	vshll.u32 v14, v2;
	s24 =	simm.s32 $0x0;
	v13 =	vmul.f32 v8, v4;
	[tilespmem:s5+$0xA0] =	vst v5  }
0x229: {  	s3 =	sshra.s32 s15, $0x2;
	v17 =	vshll.u32 v17, v2;
	v6 =	vor.u32 $0x2, v3;
	v11 =	vmov s24;
	[tilespmem:s5+$0xD0] =	vst v12  }
0x22a: {  	s3 =	sadd.s32 $0x4E20, s3;
	v7 =	vor.u32 $0x3, v3;
	v8 =	vor.u32 $0x4, v3;
	s24 =	simm.s32 $0x4;
	v11 =	vshrl.u32 v11, $0x3;
	[tilespmem:s5+$0xE0] =	vst v13  }
0x22b: {  	v9 =	vor.u32 $0x5, v3;
	v15 =	vmov s24;
	v11 =	vshll.u32 v11, v2;
	[spmem:s13] =	stream.indirect.scatter.add.f32 [tilespmem:s20], [sflag:$0x8], $0x40, s3, s18, $0xb8;
	[tilespmem:$0x1EAA0] =	vst v63  }
0x22c: {  	s25 =	simm.s32 $0x1;
	s15 =	simm.s32 $0x3;
	v14 =	vadd.s32 v14, v6;
	v15 =	vshrl.u32 v15, $0x3;
	v11 =	vadd.s32 v3, v11;
	_ =	swait.ge [sflag:s30], $0x1400  }
0x22d: {  	s4 =	simm.s32 @!p1 $0x50;
	v12 =	vmov s25;
	s25 =	simm.s32 $0x5;
	v15 =	vshll.u32 v15, v2;
	v11 =	vbroadcast v11, $0x0;
	[sflag:s30] =	ssyncset.done $0x0  }
0x22e: {  	v5 =	vor.u32 $0x1, v3;
	s5 =	simm.s32 @!p1 $0xFE60;
	v14 =	vbroadcast v14, $0x0;
	s3 =	sadd.s32 @!p1 $0x1E0, s12;
	v15 =	vadd.s32 v15, v8;
	[sflag:s30] =	ssyncadd.s32 $0xFFFFEC00  }
0x22f: {  	v13 =	vmov s15;
	v12 =	vshrl.u32 v12, $0x3;
	v15 =	vbroadcast v15, $0x0;
	[tilespmem:s5], [sflag:$0x2] =	stream.indirect.gather @!p1 [hbm4b:s1+s4], $0x40, s3, s4, $0xb8;
	[tilespmem:$0x1EAA0] =	vst v63  }
0x230: {  	v16 =	vmov s25;
	v13 =	vshrl.u32 v13, $0x3;
	v12 =	vshll.u32 v12, v2;
	_ =	swait.ge [sflag:s8], $0x1400  }
0x231: {  	v16 =	vshrl.u32 v16, $0x3;
	v13 =	vshll.u32 v13, v2;
	v12 =	vadd.s32 v12, v5;
	[sflag:s8] =	ssyncset.done $0x0  }
0x232: {  	s15 =	simm.s32 $0x7;
	v16 =	vshll.u32 v16, v2;
	v13 =	vadd.s32 v13, v7;
	v12 =	vbroadcast v12, $0x0;
	[sflag:s8] =	ssyncadd.s32 $0xFFFFEC00  }
0x233: {  	v18 =	vmov s15;
	v13 =	vbroadcast v13, $0x0;
	v16 =	vadd.s32 v16, v9;
	v19 =	vld.idx.msk [tilespmem:v11+s17+$0x0], $0xffff  }
0x234: {  	v10 =	vor.u32 $0x6, v3;
	v18 =	vshrl.u32 v18, $0x3;
	v16 =	vbroadcast v16, $0x0;
	v14 =	vld.idx.msk [tilespmem:v14+s17+$0x0], $0xffff  }
0x235: {  	v4 =	vor.u32 $0x7, v3;
	v17 =	vadd.s32 v17, v10;
	v18 =	vshll.u32 v18, v2;
	s4 =	simm.s32 $0x12760;
	v21 =	vld.idx.msk [tilespmem:v15+s17+$0x0], $0xffff  }
0x236: {  	v11 =	vbroadcast v17, $0x0;
	v17 =	vadd.s32 v18, v4;
	v15 =	vld [tilespmem:s4+$0xF0]  }
0x237: {  	v22 =	vld [tilespmem:s4+$0xFFFFFF20];
	v17 =	vbroadcast v17, $0x0  }
0x238: {  	v18 =	vld.idx.msk [tilespmem:v12+s17+$0x0], $0xffff  }
0x239: {  	v20 =	vld.idx.msk [tilespmem:v13+s17+$0x0], $0xffff  }
0x23a: {  	v13 =	vld.idx.msk [tilespmem:v16+s17+$0x0], $0xffff  }
0x23b: {  	v16 =	vld [tilespmem:s4+$0xFFFFFF00]  }
0x23c: {  	v12 =	vld.idx.msk [tilespmem:v11+s17+$0x0], $0xffff  }
0x23d: {  	v11 =	vld.idx.msk [tilespmem:v17+s17+$0x0], $0xffff  }
0x23e: {  	v17 =	vld [tilespmem:s4+$0xFFFFFF10]  }
0x23f: {  	v23 =	vld [tilespmem:s4+$0xFFFFFF30]  }
0x240: {  	v24 =	vld [tilespmem:s4+$0xFFFFFF40]  }
0x241: {  	v25 =	vld [tilespmem:s4+$0xFFFFFF50];
	v16 =	vmul.f32 v16, v19  }
0x242: {  	v26 =	vld [tilespmem:s4+$0xFFFFFF60];
	v15 =	vmul.f32 v15, v11  }
0x243: {  	v63 =	vld [tilespmem:s4+$0x50];
	[tilespmem:s4+$0xFFFFFF00] =	vst v16;
	v17 =	vmul.f32 v17, v19  }
0x244: {  	v16 =	vld [tilespmem:s4+$0xFFFFFF70];
	[tilespmem:s4+$0xF0] =	vst v15;
	v15 =	vmul.f32 v22, v19  }
0x245: {  	[tilespmem:s4+$0xFFFFFF10] =	vst v17;
	v17 =	vmul.f32 v23, v19;
	v19 =	vld [tilespmem:s4+$0xFFFFFF80]  }
0x246: {  	v22 =	vld [tilespmem:s4+$0xFFFFFF90];
	[tilespmem:s4+$0xFFFFFF20] =	vst v15;
	v15 =	vmul.f32 v24, v18  }
0x247: {  	v23 =	vld [tilespmem:s4+$0xFFFFFFA0];
	[tilespmem:s4+$0xFFFFFF30] =	vst v17;
	v17 =	vmul.f32 v25, v18  }
0x248: {  	s11 =	simm.s32 $0xB;
	v24 =	vld [tilespmem:s4+$0xFFFFFFB0];
	[tilespmem:s4+$0xFFFFFF40] =	vst v15;
	v15 =	vmul.f32 v26, v18  }
0x249: {  	v27 =	vmov s11;
	s24 =	simm.s32 $0x8;
	s15 =	simm.s32 $0xC;
	v16 =	vmul.f32 v16, v18;
	[tilespmem:s4+$0xFFFFFF50] =	vst v17;
	v17 =	vld [tilespmem:s4+$0xFFFFFFC0]  }
0x24a: {  	v28 =	vmov s15;
	v25 =	vmov s24;
	s24 =	simm.s32 $0xD;
	[tilespmem:s4+$0xFFFFFF60] =	vst v15;
	v15 =	vmul.f32 v19, v14;
	v19 =	vld [tilespmem:s4+$0xFFFFFFD0]  }
0x24b: {  	s25 =	simm.s32 $0x9;
	s5 =	simm.s32 $0xA;
	[tilespmem:s4+$0xFFFFFF70] =	vst v16;
	v29 =	vmov s24;
	v18 =	vshrl.u32 v25, $0x3;
	v16 =	vmul.f32 v22, v14;
	v22 =	vld [tilespmem:s4+$0xFFFFFFE0]  }
0x24c: {  	v25 =	vmov s25;
	v26 =	vmov s5;
	s25 =	simm.s32 $0xE;
	[tilespmem:s4+$0xFFFFFF80] =	vst v15;
	v15 =	vmul.f32 v23, v14;
	v23 =	vld [tilespmem:s4+$0xFFFFFFF0]  }
0x24d: {  	v18 =	vshll.u32 v18, v2;
	v30 =	vmov s25;
	[tilespmem:s4+$0xFFFFFF90] =	vst v16;
	v16 =	vld [tilespmem:s4+$0x0];
	v14 =	vmul.f32 v24, v14  }
0x24e: {  	v18 =	vadd.s32 v3, v18;
	v24 =	vshrl.u32 v25, $0x3;
	[tilespmem:s4+$0xFFFFFFA0] =	vst v15;
	v15 =	vmul.f32 v17, v20;
	v17 =	vld [tilespmem:s4+$0x10]  }
0x24f: {  	v25 =	vshrl.u32 v26, $0x3;
	v26 =	vshrl.u32 v27, $0x3;
	[tilespmem:s4+$0xFFFFFFB0] =	vst v14;
	v14 =	vmul.f32 v19, v20;
	v19 =	vld [tilespmem:s4+$0x20]  }
0x250: {  	v27 =	vshrl.u32 v28, $0x3;
	v28 =	vshrl.u32 v29, $0x3;
	[tilespmem:s4+$0xFFFFFFC0] =	vst v15;
	v15 =	vmul.f32 v22, v20;
	v22 =	vld [tilespmem:s4+$0x30]  }
0x251: {  	v29 =	vshrl.u32 v30, $0x3;
	v24 =	vshll.u32 v24, v2;
	[tilespmem:s4+$0xFFFFFFD0] =	vst v14;
	v14 =	vmul.f32 v23, v20;
	v20 =	vld [tilespmem:s4+$0x40]  }
0x252: {  	v27 =	vshll.u32 v27, v2;
	v28 =	vshll.u32 v28, v2;
	v16 =	vmul.f32 v16, v21;
	[tilespmem:s4+$0xFFFFFFE0] =	vst v15  }
0x253: {  	v31 =	vld [tilespmem:s4+$0x60];
	v29 =	vshll.u32 v29, v2;
	v23 =	vshll.u32 v25, v2;
	[tilespmem:s4+$0xFFFFFFF0] =	vst v14;
	v14 =	vmul.f32 v17, v21  }
0x254: {  	v25 =	vshll.u32 v26, v2;
	v15 =	vbroadcast v18, $0x0;
	[tilespmem:s4+$0x0] =	vst v16;
	v16 =	vld [tilespmem:s4+$0x70];
	v17 =	vmul.f32 v19, v21  }
0x255: {  	v18 =	vadd.s32 v24, v5;
	v26 =	vadd.s32 v25, v7;
	[tilespmem:s4+$0x10] =	vst v14;
	v21 =	vmul.f32 v22, v21;
	v14 =	vld [tilespmem:s4+$0x80]  }
0x256: {  	v25 =	vmul.f32 v63, v13;
	v22 =	vadd.s32 v27, v8;
	[tilespmem:s4+$0x20] =	vst v17;
	v27 =	vmul.f32 v20, v13;
	v17 =	vld [tilespmem:s4+$0x90]  }
0x257: {  	v24 =	vadd.s32 v29, v10;
	v19 =	vadd.s32 v23, v6;
	v20 =	vbroadcast v18, $0x0;
	v18 =	vld [tilespmem:s4+$0xA0];
	[tilespmem:s4+$0x30] =	vst v21  }
0x258: {  	s3 =	simm.s32 $0xF;
	s5 =	simm.s32 $0x10;
	v23 =	vadd.s32 v28, v9;
	v21 =	vbroadcast v19, $0x0;
	v19 =	vld [tilespmem:s4+$0xB0];
	[tilespmem:s4+$0x40] =	vst v27;
	v27 =	vmul.f32 v31, v13  }
.LBB2_13:
0x259: {  	p2 =	slt.u32 s5, $0x48;
	v26 =	vbroadcast v26, $0x0;
	v28 =	vmov s3;
	[tilespmem:s4+$0x50] =	vst v25;
	v13 =	vmul.f32 v16, v13;
	v16 =	vld [tilespmem:s4+$0xC0]  }
0x25a: {  	v22 =	vbroadcast v22, $0x0;
	v25 =	vshrl.u32 v28, $0x3;
	[tilespmem:s4+$0x60] =	vst v27;
	v14 =	vmul.f32 v14, v12;
	v27 =	vld [tilespmem:s4+$0xD0]  }
0x25b: {  	v23 =	vbroadcast v23, $0x0;
	v25 =	vshll.u32 v25, v2;
	[tilespmem:s4+$0x70] =	vst v13;
	v13 =	vmul.f32 v17, v12;
	v17 =	vld [tilespmem:s4+$0xE0]  }
0x25c: {  	v24 =	vbroadcast v24, $0x0;
	v15 =	vld.idx.msk [tilespmem:v15+s17+$0x0], $0xffff;
	v25 =	vadd.s32 v25, v4;
	[tilespmem:s4+$0x80] =	vst v14;
	v14 =	vmul.f32 v18, v12  }
0x25d: {  	v18 =	vld.idx.msk [tilespmem:v20+s17+$0x0], $0xffff;
	v20 =	vbroadcast v25, $0x0;
	[tilespmem:s4+$0x90] =	vst v13;
	v12 =	vmul.f32 v19, v12  }
0x25e: {  	v19 =	vld.idx.msk [tilespmem:v21+s17+$0x0], $0xffff;
	[tilespmem:s4+$0xA0] =	vst v14;
	v13 =	vmul.f32 v16, v11  }
0x25f: {  	v16 =	vld.idx.msk [tilespmem:v26+s17+$0x0], $0xffff;
	[tilespmem:s4+$0xB0] =	vst v12;
	v12 =	vmul.f32 v27, v11  }
0x260: {  	v14 =	vld.idx.msk [tilespmem:v22+s17+$0x0], $0xffff;
	[tilespmem:s4+$0xC0] =	vst v13;
	v11 =	vmul.f32 v17, v11  }
0x261: {  	v13 =	vld.idx.msk [tilespmem:v23+s17+$0x0], $0xffff;
	[tilespmem:s4+$0xD0] =	vst v12  }
0x262: {  	v12 =	vld.idx.msk [tilespmem:v24+s17+$0x0], $0xffff;
	[tilespmem:s4+$0xE0] =	vst v11  }
0x263: {  	s4 =	sadd.s32 $0x200, s4;
	v11 =	vld.idx.msk [tilespmem:v20+s17+$0x0], $0xffff  }
0x264: {  	v17 =	vld [tilespmem:s4+$0xF0]  }
0x265: {  	v20 =	vld [tilespmem:s4+$0xFFFFFF00]  }
0x266: {  	v21 =	vld [tilespmem:s4+$0xFFFFFF10]  }
0x267: {  	v22 =	vld [tilespmem:s4+$0xFFFFFF20]  }
0x268: {  	v23 =	vld [tilespmem:s4+$0xFFFFFF30]  }
0x269: {  	v24 =	vld [tilespmem:s4+$0xFFFFFF40];
	v17 =	vmul.f32 v17, v11  }
0x26a: {  	v20 =	vmul.f32 v20, v15;
	v25 =	vld [tilespmem:s4+$0xFFFFFF50]  }
0x26b: {  	v21 =	vmul.f32 v21, v15;
	v26 =	vld [tilespmem:s4+$0xFFFFFF60];
	[tilespmem:s4+$0xF0] =	vst v17  }
0x26c: {  	[tilespmem:s4+$0xFFFFFF00] =	vst v20;
	v17 =	vmul.f32 v22, v15;
	v20 =	vld [tilespmem:s4+$0xFFFFFF70]  }
0x26d: {  	[tilespmem:s4+$0xFFFFFF10] =	vst v21;
	v15 =	vmul.f32 v23, v15;
	v21 =	vld [tilespmem:s4+$0xFFFFFF80]  }
0x26e: {  	[tilespmem:s4+$0xFFFFFF20] =	vst v17;
	v17 =	vmul.f32 v24, v18;
	v22 =	vld [tilespmem:s4+$0xFFFFFF90]  }
0x26f: {  	[tilespmem:s4+$0xFFFFFF30] =	vst v15;
	v15 =	vmul.f32 v25, v18;
	v23 =	vld [tilespmem:s4+$0xFFFFFFA0]  }
0x270: {  	[tilespmem:s4+$0xFFFFFF40] =	vst v17;
	v17 =	vmul.f32 v26, v18;
	v24 =	vld [tilespmem:s4+$0xFFFFFFB0]  }
0x271: {  	s3 =	sadd.s32 $0x1, s5;
	v25 =	vmov s5;
	[tilespmem:s4+$0xFFFFFF50] =	vst v15;
	v15 =	vmul.f32 v20, v18;
	v18 =	vld [tilespmem:s4+$0xFFFFFFC0]  }
0x272: {  	s11 =	sadd.s32 $0x3, s5;
	v20 =	vshrl.u32 v25, $0x3;
	v25 =	vmov s3;
	s3 =	sadd.s32 $0x2, s5;
	[tilespmem:s4+$0xFFFFFF60] =	vst v17;
	v17 =	vmul.f32 v21, v19;
	v21 =	vld [tilespmem:s4+$0xFFFFFFD0]  }
0x273: {  	v27 =	vmov s11;
	s11 =	sadd.s32 $0x5, s5;
	v26 =	vmov s3;
	s3 =	sadd.s32 $0x4, s5;
	[tilespmem:s4+$0xFFFFFF70] =	vst v15;
	v15 =	vmul.f32 v22, v19;
	v22 =	vld [tilespmem:s4+$0xFFFFFFE0]  }
0x274: {  	v29 =	vmov s11;
	v28 =	vmov s3;
	s3 =	sadd.s32 $0x6, s5;
	[tilespmem:s4+$0xFFFFFF80] =	vst v17;
	v17 =	vmul.f32 v23, v19;
	v23 =	vld [tilespmem:s4+$0xFFFFFFF0]  }
0x275: {  	v20 =	vshll.u32 v20, v2;
	v30 =	vmov s3;
	[tilespmem:s4+$0xFFFFFF90] =	vst v15;
	v15 =	vmul.f32 v24, v19;
	v19 =	vld [tilespmem:s4+$0x0]  }
0x276: {  	v24 =	vshrl.u32 v25, $0x3;
	v25 =	vshrl.u32 v26, $0x3;
	[tilespmem:s4+$0xFFFFFFA0] =	vst v17;
	v17 =	vmul.f32 v18, v16;
	v18 =	vld [tilespmem:s4+$0x10]  }
0x277: {  	v26 =	vshrl.u32 v27, $0x3;
	v27 =	vshrl.u32 v28, $0x3;
	[tilespmem:s4+$0xFFFFFFB0] =	vst v15;
	v15 =	vmul.f32 v21, v16;
	v21 =	vld [tilespmem:s4+$0x20]  }
0x278: {  	v28 =	vshrl.u32 v29, $0x3;
	v29 =	vshrl.u32 v30, $0x3;
	[tilespmem:s4+$0xFFFFFFC0] =	vst v17;
	v17 =	vmul.f32 v22, v16;
	v22 =	vld [tilespmem:s4+$0x30]  }
0x279: {  	v20 =	vadd.s32 v3, v20;
	v24 =	vshll.u32 v24, v2;
	[tilespmem:s4+$0xFFFFFFD0] =	vst v15;
	v15 =	vmul.f32 v23, v16;
	v23 =	vld [tilespmem:s4+$0x40]  }
0x27a: {  	v25 =	vshll.u32 v25, v2;
	v26 =	vshll.u32 v26, v2;
	[tilespmem:s4+$0xFFFFFFE0] =	vst v17;
	v16 =	vmul.f32 v19, v14;
	v19 =	vld [tilespmem:s4+$0x50]  }
0x27b: {  	v17 =	vshll.u32 v27, v2;
	v27 =	vshll.u32 v28, v2;
	[tilespmem:s4+$0xFFFFFFF0] =	vst v15;
	v18 =	vmul.f32 v18, v14;
	v28 =	vld [tilespmem:s4+$0x60]  }
.Ltmp5:
0x27c: {  	v29 =	vshll.u32 v29, v2;
	v15 =	vbroadcast v20, $0x0;
	[tilespmem:s4+$0x0] =	vst v16;
	v20 =	vmul.f32 v21, v14;
	v16 =	vld [tilespmem:s4+$0x70];
	(pc) =	sbr.rel @p2 .LBB2_13-.Ltmp5, $4  }
0x27d: {  	v21 =	vadd.s32 v24, v5;
	v24 =	vadd.s32 v25, v6;
	[tilespmem:s4+$0x10] =	vst v18;
	v18 =	vmul.f32 v22, v14;
	v14 =	vld [tilespmem:s4+$0x80]  }
0x27e: {  	v26 =	vadd.s32 v26, v7;
	v22 =	vadd.s32 v17, v8;
	[tilespmem:s4+$0x20] =	vst v20;
	v30 =	vmul.f32 v23, v13;
	v17 =	vld [tilespmem:s4+$0x90]  }
0x27f: {  	v20 =	vbroadcast v21, $0x0;
	v23 =	vadd.s32 v27, v9;
	[tilespmem:s4+$0x30] =	vst v18;
	v25 =	vmul.f32 v19, v13;
	v18 =	vld [tilespmem:s4+$0xA0]  }
0x280: {  	s3 =	sadd.s32 $0x7, s5;
	s5 =	sadd.s32 $0x8, s5;
	v21 =	vbroadcast v24, $0x0;
	v24 =	vadd.s32 v29, v10;
	[tilespmem:s4+$0x40] =	vst v30;
	v27 =	vmul.f32 v28, v13;
	v19 =	vld [tilespmem:s4+$0xB0]  }
0x281: {  	_ = 	snop  }
0x282: {  	v6 =	vld [tilespmem:s4+$0xC0]  }
0x283: {  	v8 =	vld [tilespmem:s4+$0xD0]  }
0x284: {  	v10 =	vld [tilespmem:s4+$0xE0]  }
0x285: {  	v5 =	vmov s3;
	v15 =	vld.idx.msk [tilespmem:v15+s17+$0x0], $0xffff;
	v13 =	vmul.f32 v16, v13;
	s5 =	sadd.s32 $0x200, s4  }
0x286: {  	v5 =	vshrl.u32 v5, $0x3;
	v16 =	vld [tilespmem:s5+$0xF0]  }
0x287: {  	v3 =	vbroadcast v26, $0x0;
	v5 =	vshll.u32 v5, v2;
	[tilespmem:s4+$0x70] =	vst v13;
	v13 =	vmul.f32 v17, v12;
	v17 =	vld [tilespmem:s5+$0xFFFFFF00]  }
0x288: {  	v7 =	vbroadcast v22, $0x0;
	v14 =	vmul.f32 v14, v12;
	v4 =	vadd.s32 v5, v4;
	v5 =	vld.idx.msk [tilespmem:v20+s17+$0x0], $0xffff  }
0x289: {  	v20 =	vld.idx.msk [tilespmem:v21+s17+$0x0], $0xffff;
	v4 =	vbroadcast v4, $0x0  }
0x28a: {  	v9 =	vbroadcast v23, $0x0;
	[tilespmem:s4+$0x80] =	vst v14;
	v14 =	vmul.f32 v18, v12;
	v18 =	vld [tilespmem:s5+$0xFFFFFF10]  }
0x28b: {  	v22 =	vbroadcast v24, $0x0;
	[tilespmem:s4+$0x90] =	vst v13;
	v13 =	vld [tilespmem:s5+$0xFFFFFF20]  }
0x28c: {  	[tilespmem:s4+$0xA0] =	vst v14;
	v14 =	vld [tilespmem:s5+$0xFFFFFF30]  }
0x28d: {  	v3 =	vld.idx.msk [tilespmem:v3+s17+$0x0], $0xffff  }
0x28e: {  	[tilespmem:s4+$0x50] =	vst v25;
	v6 =	vmul.f32 v6, v11;
	v7 =	vld.idx.msk [tilespmem:v7+s17+$0x0], $0xffff  }
0x28f: {  	[tilespmem:s4+$0x60] =	vst v27;
	v12 =	vmul.f32 v19, v12;
	v4 =	vld.idx.msk [tilespmem:v4+s17+$0x0], $0xffff  }
0x290: {  	v9 =	vld.idx.msk [tilespmem:v9+s17+$0x0], $0xffff;
	[tilespmem:s4+$0xC0] =	vst v6;
	v6 =	vmul.f32 v10, v11  }
0x291: {  	v8 =	vmul.f32 v8, v11;
	v21 =	vld.idx.msk [tilespmem:v22+s17+$0x0], $0xffff;
	[tilespmem:s4+$0xB0] =	vst v12  }
0x292: {  	v12 =	vld [tilespmem:s5+$0xFFFFFF40];
	[tilespmem:s4+$0xE0] =	vst v6;
	v6 =	vmul.f32 v17, v15  }
0x293: {  	v10 =	vld [tilespmem:s5+$0xFFFFFF50];
	[tilespmem:s4+$0xD0] =	vst v8;
	v17 =	vmul.f32 v18, v15  }
0x294: {  	v11 =	vld [tilespmem:s5+$0xFFFFFF60];
	[tilespmem:s5+$0xFFFFFF00] =	vst v6;
	v8 =	vmul.f32 v16, v4  }
0x295: {  	v6 =	vmul.f32 v13, v15;
	[tilespmem:s5+$0xFFFFFF10] =	vst v17;
	v16 =	vld [tilespmem:s5+$0xFFFFFF70]  }
0x296: {  	v14 =	vmul.f32 v14, v15;
	[tilespmem:s5+$0xF0] =	vst v8;
	v8 =	vld [tilespmem:s5+$0xFFFFFF80]  }
0x297: {  	v13 =	vld [tilespmem:s5+$0xFFFFFF90];
	[tilespmem:s5+$0xFFFFFF20] =	vst v6;
	v6 =	vmul.f32 v12, v5  }
0x298: {  	v15 =	vld [tilespmem:s5+$0xFFFFFFA0];
	[tilespmem:s5+$0xFFFFFF30] =	vst v14;
	v10 =	vmul.f32 v10, v5  }
0x299: {  	v12 =	vld [tilespmem:s5+$0xFFFFFFB0];
	[tilespmem:s5+$0xFFFFFF40] =	vst v6;
	v6 =	vmul.f32 v11, v5  }
0x29a: {  	v14 =	vld [tilespmem:s5+$0xFFFFFFC0];
	[tilespmem:s5+$0xFFFFFF50] =	vst v10;
	v5 =	vmul.f32 v16, v5  }
0x29b: {  	v11 =	vld [tilespmem:s5+$0xFFFFFFD0];
	[tilespmem:s5+$0xFFFFFF60] =	vst v6;
	v6 =	vmul.f32 v8, v20  }
0x29c: {  	v10 =	vld [tilespmem:s5+$0xFFFFFFE0];
	[tilespmem:s5+$0xFFFFFF70] =	vst v5;
	v5 =	vmul.f32 v13, v20  }
0x29d: {  	v8 =	vld [tilespmem:s5+$0xFFFFFFF0];
	[tilespmem:s5+$0xFFFFFF80] =	vst v6;
	v6 =	vmul.f32 v15, v20  }
0x29e: {  	v13 =	vld [tilespmem:s5+$0x0];
	[tilespmem:s5+$0xFFFFFF90] =	vst v5;
	v5 =	vmul.f32 v12, v20  }
0x29f: {  	v15 =	vld [tilespmem:s5+$0x10];
	[tilespmem:s5+$0xFFFFFFA0] =	vst v6;
	v6 =	vmul.f32 v14, v3  }
0x2a0: {  	v12 =	vld [tilespmem:s5+$0x20];
	[tilespmem:s5+$0xFFFFFFB0] =	vst v5;
	v5 =	vmul.f32 v11, v3  }
0x2a1: {  	v14 =	vld [tilespmem:s5+$0x30];
	[tilespmem:s5+$0xFFFFFFC0] =	vst v6;
	v6 =	vmul.f32 v10, v3  }
0x2a2: {  	[tilespmem:s5+$0xFFFFFFD0] =	vst v5;
	v3 =	vmul.f32 v8, v3;
	v5 =	vld [tilespmem:s5+$0x60]  }
0x2a3: {  	v11 =	vld [tilespmem:s5+$0x40];
	[tilespmem:s5+$0xFFFFFFE0] =	vst v6;
	v6 =	vmul.f32 v13, v7  }
0x2a4: {  	v10 =	vld [tilespmem:s5+$0x50];
	[tilespmem:s5+$0xFFFFFFF0] =	vst v3;
	v3 =	vmul.f32 v15, v7  }
0x2a5: {  	v13 =	vld [tilespmem:s5+$0x80];
	[tilespmem:s5+$0x0] =	vst v6;
	v6 =	vmul.f32 v12, v7  }
0x2a6: {  	v8 =	vld [tilespmem:s5+$0x70];
	[tilespmem:s5+$0x10] =	vst v3;
	v3 =	vmul.f32 v14, v7  }
0x2a7: {  	v12 =	vld [tilespmem:s5+$0x90];
	v5 =	vmul.f32 v5, v9;
	[tilespmem:s5+$0x20] =	vst v6  }
0x2a8: {  	v7 =	vld [tilespmem:s5+$0xA0];
	v6 =	vmul.f32 v11, v9;
	[tilespmem:s5+$0x30] =	vst v3  }
0x2a9: {  	v11 =	vld [tilespmem:s5+$0xB0];
	v3 =	vmul.f32 v10, v9;
	[tilespmem:s5+$0x60] =	vst v5  }
0x2aa: {  	v10 =	vld [tilespmem:s5+$0xC0];
	v5 =	vmul.f32 v13, v21;
	[tilespmem:s5+$0x40] =	vst v6  }
0x2ab: {  	s25 =	simm.s32 $0x4;
	v6 =	vld [tilespmem:s5+$0xD0];
	[tilespmem:s5+$0x50] =	vst v3;
	v3 =	vmul.f32 v8, v9  }
0x2ac: {  	v15 =	vmov s25;
	v8 =	vld [tilespmem:s5+$0xE0];
	v9 =	vmul.f32 v12, v21;
	[tilespmem:s5+$0x80] =	vst v5  }
0x2ad: {  	s15 =	simm.s32 $0x2;
	v15 =	vshrl.u32 v15, $0x3;
	v5 =	vmul.f32 v7, v21;
	[tilespmem:s5+$0x70] =	vst v3  }
0x2ae: {  	s4 =	simm.s32 $0x0;
	v14 =	vmov s15;
	v15 =	vshll.u32 v15, v2;
	v7 =	vmul.f32 v11, v21;
	[tilespmem:s5+$0x90] =	vst v9  }
0x2af: {  	v13 =	vmov s4;
	s4 =	simm.s32 $0x6;
	v3 =	vmov s31;
	v10 =	vmul.f32 v10, v4;
	[tilespmem:s5+$0xA0] =	vst v5  }
0x2b0: {  	v17 =	vmov s4;
	v3 =	vmul.u32 $0x50, v3;
	v11 =	vmul.f32 v6, v4;
	[tilespmem:s5+$0xB0] =	vst v7  }
0x2b1: {  	v14 =	vshrl.u32 v14, $0x3;
	v17 =	vshrl.u32 v17, $0x3;
	v12 =	vmul.f32 v8, v4;
	[tilespmem:s5+$0xC0] =	vst v10  }
0x2b2: {  	v14 =	vshll.u32 v14, v2;
	v17 =	vshll.u32 v17, v2;
	v5 =	vor.u32 $0x1, v3;
	[tilespmem:s5+$0xD0] =	vst v11  }
0x2b3: {  	s31 =	sadd.s32 $0x4E20, s6;
	v6 =	vor.u32 $0x2, v3;
	v7 =	vor.u32 $0x3, v3;
	v11 =	vshrl.u32 v13, $0x3;
	[tilespmem:s5+$0xE0] =	vst v12  }
0x2b4: {  	v8 =	vor.u32 $0x4, v3;
	v9 =	vor.u32 $0x5, v3;
	[spmem:s13] =	stream.indirect.scatter.add.f32 [tilespmem:s21], [sflag:$0x9], $0x40, s31, s18, $0xb8;
	v11 =	vshll.u32 v11, v2;
	[tilespmem:$0x1EAA0] =	vst v63  }
0x2b5: {  	s11 =	simm.s32 $0x1;
	s24 =	simm.s32 $0x3;
	v14 =	vadd.s32 v14, v6;
	v15 =	vadd.s32 v15, v8;
	_ =	swait.ge [sflag:s9], $0x1400;
	v11 =	vadd.s32 v3, v11  }
0x2b6: {  	s3 =	sadd.s32 @!p1 $0x230, s12;
	s4 =	simm.s32 @!p1 $0x50;
	v13 =	vmov s11;
	v12 =	vmov s24;
	[sflag:s9] =	ssyncset.done $0x0;
	v11 =	vbroadcast v11, $0x0  }
0x2b7: {  	s11 =	simm.s32 $0x5;
	s5 =	simm.s32 @!p1 $0x11260;
	v14 =	vbroadcast v14, $0x0;
	v15 =	vbroadcast v15, $0x0;
	v13 =	vshrl.u32 v13, $0x3;
	[sflag:s9] =	ssyncadd.s32 $0xFFFFEC00  }
0x2b8: {  	v16 =	vmov s11;
	v12 =	vshrl.u32 v12, $0x3;
	v13 =	vshll.u32 v13, v2;
	[tilespmem:s5], [sflag:$0x3] =	stream.indirect.gather @!p1 [hbm4b:s1+s4], $0x40, s3, s4, $0xb8;
	[tilespmem:$0x1EAA0] =	vst v63  }
0x2b9: {  	v16 =	vshrl.u32 v16, $0x3;
	v12 =	vshll.u32 v12, v2;
	v13 =	vadd.s32 v13, v5;
	_ =	swait.ge [sflag:s10], $0x1400  }
0x2ba: {  	v16 =	vshll.u32 v16, v2;
	v12 =	vadd.s32 v12, v7;
	v13 =	vbroadcast v13, $0x0;
	s5 =	simm.s32 $0x7;
	[sflag:s10] =	ssyncset.done $0x0  }
0x2bb: {  	v12 =	vbroadcast v12, $0x0;
	v16 =	vadd.s32 v16, v9;
	v18 =	vmov s5;
	[sflag:s10] =	ssyncadd.s32 $0xFFFFEC00  }
0x2bc: {  	v10 =	vor.u32 $0x6, v3;
	v16 =	vbroadcast v16, $0x0;
	v18 =	vshrl.u32 v18, $0x3;
	v19 =	vld.idx.msk [tilespmem:v11+s17+$0x0], $0xffff  }
0x2bd: {  	v4 =	vor.u32 $0x7, v3;
	v17 =	vadd.s32 v17, v10;
	v18 =	vshll.u32 v18, v2;
	v14 =	vld.idx.msk [tilespmem:v14+s17+$0x0], $0xffff  }
0x2be: {  	s4 =	simm.s32 $0x13B60;
	v11 =	vbroadcast v17, $0x0;
	v17 =	vadd.s32 v18, v4;
	v21 =	vld.idx.msk [tilespmem:v15+s17+$0x0], $0xffff  }
0x2bf: {  	v15 =	vld [tilespmem:s4+$0xF0];
	v17 =	vbroadcast v17, $0x0  }
0x2c0: {  	v18 =	vld.idx.msk [tilespmem:v13+s17+$0x0], $0xffff  }
0x2c1: {  	v20 =	vld.idx.msk [tilespmem:v12+s17+$0x0], $0xffff  }
0x2c2: {  	v13 =	vld.idx.msk [tilespmem:v16+s17+$0x0], $0xffff  }
0x2c3: {  	v16 =	vld [tilespmem:s4+$0xFFFFFF00]  }
0x2c4: {  	v12 =	vld.idx.msk [tilespmem:v11+s17+$0x0], $0xffff  }
0x2c5: {  	v11 =	vld.idx.msk [tilespmem:v17+s17+$0x0], $0xffff  }
0x2c6: {  	v17 =	vld [tilespmem:s4+$0xFFFFFF10]  }
0x2c7: {  	v22 =	vld [tilespmem:s4+$0xFFFFFF20]  }
0x2c8: {  	v23 =	vld [tilespmem:s4+$0xFFFFFF30]  }
0x2c9: {  	v24 =	vld [tilespmem:s4+$0xFFFFFF40];
	v16 =	vmul.f32 v16, v19  }
0x2ca: {  	v25 =	vld [tilespmem:s4+$0xFFFFFF50];
	v15 =	vmul.f32 v15, v11  }
0x2cb: {  	v26 =	vld [tilespmem:s4+$0xFFFFFF60];
	[tilespmem:s4+$0xFFFFFF00] =	vst v16;
	v17 =	vmul.f32 v17, v19  }
0x2cc: {  	v16 =	vld [tilespmem:s4+$0xFFFFFF70];
	[tilespmem:s4+$0xF0] =	vst v15;
	v15 =	vmul.f32 v22, v19  }
0x2cd: {  	[tilespmem:s4+$0xFFFFFF10] =	vst v17;
	v17 =	vmul.f32 v23, v19;
	v19 =	vld [tilespmem:s4+$0xFFFFFF80]  }
0x2ce: {  	v22 =	vld [tilespmem:s4+$0xFFFFFF90];
	[tilespmem:s4+$0xFFFFFF20] =	vst v15;
	v15 =	vmul.f32 v24, v18  }
0x2cf: {  	v23 =	vld [tilespmem:s4+$0xFFFFFFA0];
	[tilespmem:s4+$0xFFFFFF30] =	vst v17;
	v17 =	vmul.f32 v25, v18  }
0x2d0: {  	s25 =	simm.s32 $0xD;
	v24 =	vld [tilespmem:s4+$0xFFFFFFB0];
	[tilespmem:s4+$0xFFFFFF40] =	vst v15;
	v15 =	vmul.f32 v26, v18  }
0x2d1: {  	v29 =	vmov s25;
	s15 =	simm.s32 $0xB;
	s24 =	simm.s32 $0xC;
	v16 =	vmul.f32 v16, v18;
	[tilespmem:s4+$0xFFFFFF50] =	vst v17;
	v17 =	vld [tilespmem:s4+$0xFFFFFFC0]  }
0x2d2: {  	v27 =	vmov s15;
	s6 =	simm.s32 $0x8;
	v28 =	vmov s24;
	s31 =	simm.s32 $0xE;
	[tilespmem:s4+$0xFFFFFF60] =	vst v15;
	v15 =	vmul.f32 v19, v14;
	v19 =	vld [tilespmem:s4+$0xFFFFFFD0]  }
0x2d3: {  	s11 =	simm.s32 $0x9;
	v30 =	vmov s31;
	v25 =	vmov s6;
	[tilespmem:s4+$0xFFFFFF70] =	vst v16;
	v16 =	vmul.f32 v22, v14;
	v22 =	vld [tilespmem:s4+$0xFFFFFFE0]  }
0x2d4: {  	s12 =	simm.s32 $0xA;
	v18 =	vshrl.u32 v25, $0x3;
	v25 =	vmov s11;
	[tilespmem:s4+$0xFFFFFF80] =	vst v15;
	v15 =	vmul.f32 v23, v14;
	v23 =	vld [tilespmem:s4+$0xFFFFFFF0]  }
0x2d5: {  	v26 =	vmov s12;
	v18 =	vshll.u32 v18, v2;
	[tilespmem:s4+$0xFFFFFF90] =	vst v16;
	v16 =	vld [tilespmem:s4+$0x0];
	v14 =	vmul.f32 v24, v14  }
0x2d6: {  	v18 =	vadd.s32 v3, v18;
	v24 =	vshrl.u32 v25, $0x3;
	[tilespmem:s4+$0xFFFFFFA0] =	vst v15;
	v15 =	vmul.f32 v17, v20;
	v17 =	vld [tilespmem:s4+$0x10]  }
0x2d7: {  	v25 =	vshrl.u32 v26, $0x3;
	v26 =	vshrl.u32 v27, $0x3;
	[tilespmem:s4+$0xFFFFFFB0] =	vst v14;
	v14 =	vmul.f32 v19, v20;
	v19 =	vld [tilespmem:s4+$0x20]  }
0x2d8: {  	v27 =	vshrl.u32 v28, $0x3;
	v28 =	vshrl.u32 v29, $0x3;
	[tilespmem:s4+$0xFFFFFFC0] =	vst v15;
	v15 =	vmul.f32 v22, v20;
	v22 =	vld [tilespmem:s4+$0x30]  }
0x2d9: {  	v29 =	vshrl.u32 v30, $0x3;
	v24 =	vshll.u32 v24, v2;
	[tilespmem:s4+$0xFFFFFFD0] =	vst v14;
	v14 =	vmul.f32 v23, v20;
	v20 =	vld [tilespmem:s4+$0x40]  }
0x2da: {  	v63 =	vld [tilespmem:s4+$0x50];
	v27 =	vshll.u32 v27, v2;
	v28 =	vshll.u32 v28, v2;
	v16 =	vmul.f32 v16, v21;
	[tilespmem:s4+$0xFFFFFFE0] =	vst v15  }
0x2db: {  	v31 =	vld [tilespmem:s4+$0x60];
	v29 =	vshll.u32 v29, v2;
	v23 =	vshll.u32 v25, v2;
	[tilespmem:s4+$0xFFFFFFF0] =	vst v14;
	v14 =	vmul.f32 v17, v21  }
0x2dc: {  	v25 =	vshll.u32 v26, v2;
	v15 =	vbroadcast v18, $0x0;
	[tilespmem:s4+$0x0] =	vst v16;
	v16 =	vld [tilespmem:s4+$0x70];
	v17 =	vmul.f32 v19, v21  }
0x2dd: {  	v18 =	vadd.s32 v24, v5;
	v23 =	vadd.s32 v23, v6;
	[tilespmem:s4+$0x10] =	vst v14;
	v21 =	vmul.f32 v22, v21;
	v14 =	vld [tilespmem:s4+$0x80]  }
0x2de: {  	v26 =	vadd.s32 v25, v7;
	v24 =	vadd.s32 v28, v9;
	[tilespmem:s4+$0x20] =	vst v17;
	v20 =	vmul.f32 v20, v13;
	v17 =	vld [tilespmem:s4+$0x90]  }
0x2df: {  	v25 =	vmul.f32 v63, v13;
	v19 =	vbroadcast v18, $0x0;
	v18 =	vld [tilespmem:s4+$0xA0];
	v22 =	vadd.s32 v27, v8;
	[tilespmem:s4+$0x30] =	vst v21  }
0x2e0: {  	s3 =	simm.s32 $0xF;
	s5 =	simm.s32 $0x10;
	v27 =	vmul.f32 v31, v13;
	v21 =	vbroadcast v23, $0x0;
	v23 =	vadd.s32 v29, v10;
	[tilespmem:s4+$0x40] =	vst v20;
	v20 =	vld [tilespmem:s4+$0xB0]  }
.LBB2_15:
0x2e1: {  	p1 =	slt.u32 s5, $0x48;
	v26 =	vbroadcast v26, $0x0;
	v28 =	vmov s3;
	[tilespmem:s4+$0x50] =	vst v25;
	v13 =	vmul.f32 v16, v13;
	v16 =	vld [tilespmem:s4+$0xC0]  }
0x2e2: {  	v22 =	vbroadcast v22, $0x0;
	v25 =	vshrl.u32 v28, $0x3;
	[tilespmem:s4+$0x60] =	vst v27;
	v14 =	vmul.f32 v14, v12;
	v27 =	vld [tilespmem:s4+$0xD0]  }
0x2e3: {  	v24 =	vbroadcast v24, $0x0;
	v25 =	vshll.u32 v25, v2;
	[tilespmem:s4+$0x70] =	vst v13;
	v13 =	vmul.f32 v17, v12;
	v17 =	vld [tilespmem:s4+$0xE0]  }
0x2e4: {  	v23 =	vbroadcast v23, $0x0;
	v15 =	vld.idx.msk [tilespmem:v15+s17+$0x0], $0xffff;
	v25 =	vadd.s32 v25, v4;
	[tilespmem:s4+$0x80] =	vst v14;
	v14 =	vmul.f32 v18, v12  }
0x2e5: {  	v18 =	vld.idx.msk [tilespmem:v19+s17+$0x0], $0xffff;
	v19 =	vbroadcast v25, $0x0;
	[tilespmem:s4+$0x90] =	vst v13;
	v12 =	vmul.f32 v20, v12  }
0x2e6: {  	v20 =	vld.idx.msk [tilespmem:v21+s17+$0x0], $0xffff;
	[tilespmem:s4+$0xA0] =	vst v14;
	v13 =	vmul.f32 v16, v11  }
0x2e7: {  	v16 =	vld.idx.msk [tilespmem:v26+s17+$0x0], $0xffff;
	[tilespmem:s4+$0xB0] =	vst v12;
	v12 =	vmul.f32 v27, v11  }
0x2e8: {  	v14 =	vld.idx.msk [tilespmem:v22+s17+$0x0], $0xffff;
	[tilespmem:s4+$0xC0] =	vst v13;
	v11 =	vmul.f32 v17, v11  }
0x2e9: {  	v13 =	vld.idx.msk [tilespmem:v24+s17+$0x0], $0xffff;
	[tilespmem:s4+$0xD0] =	vst v12  }
0x2ea: {  	v12 =	vld.idx.msk [tilespmem:v23+s17+$0x0], $0xffff;
	[tilespmem:s4+$0xE0] =	vst v11  }
0x2eb: {  	s4 =	sadd.s32 $0x200, s4;
	v11 =	vld.idx.msk [tilespmem:v19+s17+$0x0], $0xffff  }
0x2ec: {  	v17 =	vld [tilespmem:s4+$0xF0]  }
0x2ed: {  	v19 =	vld [tilespmem:s4+$0xFFFFFF00]  }
0x2ee: {  	v21 =	vld [tilespmem:s4+$0xFFFFFF10]  }
0x2ef: {  	v22 =	vld [tilespmem:s4+$0xFFFFFF20]  }
0x2f0: {  	v23 =	vld [tilespmem:s4+$0xFFFFFF30]  }
0x2f1: {  	v24 =	vld [tilespmem:s4+$0xFFFFFF40];
	v17 =	vmul.f32 v17, v11  }
0x2f2: {  	v19 =	vmul.f32 v19, v15;
	v25 =	vld [tilespmem:s4+$0xFFFFFF50]  }
0x2f3: {  	v21 =	vmul.f32 v21, v15;
	v26 =	vld [tilespmem:s4+$0xFFFFFF60];
	[tilespmem:s4+$0xF0] =	vst v17  }
0x2f4: {  	[tilespmem:s4+$0xFFFFFF00] =	vst v19;
	v17 =	vmul.f32 v22, v15;
	v19 =	vld [tilespmem:s4+$0xFFFFFF70]  }
0x2f5: {  	[tilespmem:s4+$0xFFFFFF10] =	vst v21;
	v15 =	vmul.f32 v23, v15;
	v21 =	vld [tilespmem:s4+$0xFFFFFF80]  }
0x2f6: {  	[tilespmem:s4+$0xFFFFFF20] =	vst v17;
	v17 =	vmul.f32 v24, v18;
	v22 =	vld [tilespmem:s4+$0xFFFFFF90]  }
0x2f7: {  	[tilespmem:s4+$0xFFFFFF30] =	vst v15;
	v15 =	vmul.f32 v25, v18;
	v23 =	vld [tilespmem:s4+$0xFFFFFFA0]  }
0x2f8: {  	[tilespmem:s4+$0xFFFFFF40] =	vst v17;
	v17 =	vmul.f32 v26, v18;
	v24 =	vld [tilespmem:s4+$0xFFFFFFB0]  }
0x2f9: {  	s3 =	sadd.s32 $0x1, s5;
	v25 =	vmov s5;
	[tilespmem:s4+$0xFFFFFF50] =	vst v15;
	v15 =	vmul.f32 v19, v18;
	v18 =	vld [tilespmem:s4+$0xFFFFFFC0]  }
0x2fa: {  	s6 =	sadd.s32 $0x3, s5;
	v19 =	vshrl.u32 v25, $0x3;
	v25 =	vmov s3;
	s3 =	sadd.s32 $0x2, s5;
	[tilespmem:s4+$0xFFFFFF60] =	vst v17;
	v17 =	vmul.f32 v21, v20;
	v21 =	vld [tilespmem:s4+$0xFFFFFFD0]  }
0x2fb: {  	v27 =	vmov s6;
	s6 =	sadd.s32 $0x5, s5;
	v26 =	vmov s3;
	s3 =	sadd.s32 $0x4, s5;
	[tilespmem:s4+$0xFFFFFF70] =	vst v15;
	v15 =	vmul.f32 v22, v20;
	v22 =	vld [tilespmem:s4+$0xFFFFFFE0]  }
0x2fc: {  	v29 =	vmov s6;
	v28 =	vmov s3;
	s3 =	sadd.s32 $0x6, s5;
	[tilespmem:s4+$0xFFFFFF80] =	vst v17;
	v17 =	vmul.f32 v23, v20;
	v23 =	vld [tilespmem:s4+$0xFFFFFFF0]  }
0x2fd: {  	v19 =	vshll.u32 v19, v2;
	v30 =	vmov s3;
	[tilespmem:s4+$0xFFFFFF90] =	vst v15;
	v15 =	vmul.f32 v24, v20;
	v20 =	vld [tilespmem:s4+$0x0]  }
0x2fe: {  	v24 =	vshrl.u32 v25, $0x3;
	v25 =	vshrl.u32 v26, $0x3;
	[tilespmem:s4+$0xFFFFFFA0] =	vst v17;
	v17 =	vmul.f32 v18, v16;
	v18 =	vld [tilespmem:s4+$0x10]  }
0x2ff: {  	v26 =	vshrl.u32 v27, $0x3;
	v27 =	vshrl.u32 v28, $0x3;
	[tilespmem:s4+$0xFFFFFFB0] =	vst v15;
	v15 =	vmul.f32 v21, v16;
	v21 =	vld [tilespmem:s4+$0x20]  }
0x300: {  	v28 =	vshrl.u32 v29, $0x3;
	v29 =	vshrl.u32 v30, $0x3;
	[tilespmem:s4+$0xFFFFFFC0] =	vst v17;
	v17 =	vmul.f32 v22, v16;
	v22 =	vld [tilespmem:s4+$0x30]  }
0x301: {  	v19 =	vadd.s32 v3, v19;
	v24 =	vshll.u32 v24, v2;
	[tilespmem:s4+$0xFFFFFFD0] =	vst v15;
	v15 =	vmul.f32 v23, v16;
	v23 =	vld [tilespmem:s4+$0x40]  }
0x302: {  	v25 =	vshll.u32 v25, v2;
	v26 =	vshll.u32 v26, v2;
	[tilespmem:s4+$0xFFFFFFE0] =	vst v17;
	v16 =	vmul.f32 v20, v14;
	v20 =	vld [tilespmem:s4+$0x50]  }
0x303: {  	v17 =	vshll.u32 v27, v2;
	v27 =	vshll.u32 v28, v2;
	[tilespmem:s4+$0xFFFFFFF0] =	vst v15;
	v18 =	vmul.f32 v18, v14;
	v28 =	vld [tilespmem:s4+$0x60]  }
.Ltmp6:
0x304: {  	v29 =	vshll.u32 v29, v2;
	v15 =	vbroadcast v19, $0x0;
	[tilespmem:s4+$0x0] =	vst v16;
	v19 =	vmul.f32 v21, v14;
	v16 =	vld [tilespmem:s4+$0x70];
	(pc) =	sbr.rel @p1 .LBB2_15-.Ltmp6, $4  }
0x305: {  	v30 =	vadd.s32 v25, v6;
	v21 =	vadd.s32 v24, v5;
	[tilespmem:s4+$0x10] =	vst v18;
	v18 =	vmul.f32 v22, v14;
	v14 =	vld [tilespmem:s4+$0x80]  }
0x306: {  	v26 =	vadd.s32 v26, v7;
	v22 =	vadd.s32 v17, v8;
	[tilespmem:s4+$0x20] =	vst v19;
	v31 =	vmul.f32 v23, v13;
	v17 =	vld [tilespmem:s4+$0x90]  }
0x307: {  	v24 =	vadd.s32 v27, v9;
	v19 =	vbroadcast v21, $0x0;
	[tilespmem:s4+$0x30] =	vst v18;
	v25 =	vmul.f32 v20, v13;
	v18 =	vld [tilespmem:s4+$0xA0]  }
0x308: {  	s3 =	sadd.s32 $0x7, s5;
	s5 =	sadd.s32 $0x8, s5;
	v21 =	vbroadcast v30, $0x0;
	v23 =	vadd.s32 v29, v10;
	[tilespmem:s4+$0x40] =	vst v31;
	v27 =	vmul.f32 v28, v13;
	v20 =	vld [tilespmem:s4+$0xB0]  }
0x309: {  	_ = 	snop  }
0x30a: {  	v6 =	vld [tilespmem:s4+$0xC0]  }
0x30b: {  	v8 =	vld [tilespmem:s4+$0xD0]  }
0x30c: {  	v10 =	vld [tilespmem:s4+$0xE0]  }
0x30d: {  	v49 =	vld.idx.msk [tilespmem:v15+s17+$0x0], $0xffff  }
0x30e: {  	v19 =	vld.idx.msk [tilespmem:v19+s17+$0x0], $0xffff  }
0x30f: {  	s5 =	sadd.s32 $0x200, s4;
	v21 =	vld.idx.msk [tilespmem:v21+s17+$0x0], $0xffff  }
0x310: {  	v53 =	vld [tilespmem:s5+$0xF0]  }
0x311: {  	v55 =	vld [tilespmem:s5+$0xFFFFFF00]  }
0x312: {  	[tilespmem:s4+$0x50] =	vst v25;
	v13 =	vmul.f32 v16, v13;
	v56 =	vld [tilespmem:s5+$0xFFFFFF10]  }
0x313: {  	[tilespmem:s4+$0x60] =	vst v27;
	v14 =	vmul.f32 v14, v12;
	v57 =	vld [tilespmem:s5+$0xFFFFFF20]  }
0x314: {  	v59 =	vld [tilespmem:s5+$0xFFFFFF30];
	[tilespmem:s4+$0x70] =	vst v13;
	v51 =	vmul.f32 v17, v12  }
0x315: {  	v60 =	vld [tilespmem:s5+$0xFFFFFF40];
	[tilespmem:s4+$0x80] =	vst v14;
	v52 =	vmul.f32 v18, v12  }
0x316: {  	v63 =	vld [tilespmem:s5+$0xFFFFFF50];
	[tilespmem:s4+$0x90] =	vst v51;
	v54 =	vmul.f32 v20, v12  }
0x317: {  	v50 =	vbroadcast v23, $0x0;
	v23 =	vld [tilespmem:s5+$0xFFFFFF70];
	[tilespmem:s4+$0xA0] =	vst v52;
	v6 =	vmul.f32 v6, v11  }
0x318: {  	v9 =	vbroadcast v24, $0x0;
	v24 =	vld [tilespmem:s5+$0xFFFFFF80];
	v8 =	vmul.f32 v8, v11;
	[tilespmem:s4+$0xB0] =	vst v54  }
0x319: {  	v3 =	vbroadcast v26, $0x0;
	v26 =	vld [tilespmem:s5+$0xFFFFFF90];
	v58 =	vmul.f32 v10, v11;
	[tilespmem:s4+$0xC0] =	vst v6  }
0x31a: {  	v5 =	vmov s3;
	v28 =	vld [tilespmem:s5+$0xFFFFFFA0];
	v62 =	vmul.f32 v55, v49;
	[tilespmem:s4+$0xD0] =	vst v8  }
0x31b: {  	v5 =	vshrl.u32 v5, $0x3;
	v30 =	vld [tilespmem:s5+$0xFFFFFFB0];
	v14 =	vmul.f32 v56, v49;
	[tilespmem:s4+$0xE0] =	vst v58  }
0x31c: {  	v7 =	vbroadcast v22, $0x0;
	v32 =	vld [tilespmem:s5+$0xFFFFFFC0];
	v5 =	vshll.u32 v5, v2;
	v22 =	vmul.f32 v57, v49;
	[tilespmem:s5+$0xFFFFFF00] =	vst v62  }
0x31d: {  	v34 =	vld [tilespmem:s5+$0xFFFFFFD0];
	v4 =	vadd.s32 v5, v4;
	v5 =	vmul.f32 v59, v49;
	[tilespmem:s5+$0xFFFFFF10] =	vst v14  }
0x31e: {  	v36 =	vld [tilespmem:s5+$0xFFFFFFE0];
	v25 =	vmul.f32 v60, v19;
	[tilespmem:s5+$0xFFFFFF20] =	vst v22  }
0x31f: {  	v38 =	vld [tilespmem:s5+$0xFFFFFFF0];
	v27 =	vmul.f32 v63, v19;
	[tilespmem:s5+$0xFFFFFF30] =	vst v5  }
0x320: {  	v20 =	vld [tilespmem:s5+$0xFFFFFF60];
	v31 =	vmul.f32 v23, v19;
	[tilespmem:s5+$0xFFFFFF40] =	vst v25  }
0x321: {  	v3 =	vld.idx.msk [tilespmem:v3+s17+$0x0], $0xffff;
	v33 =	vmul.f32 v24, v21;
	[tilespmem:s5+$0xFFFFFF50] =	vst v27  }
0x322: {  	v40 =	vld [tilespmem:s5+$0x0];
	v35 =	vmul.f32 v26, v21;
	[tilespmem:s5+$0xFFFFFF70] =	vst v31  }
0x323: {  	v42 =	vld [tilespmem:s5+$0x10];
	v37 =	vmul.f32 v28, v21;
	[tilespmem:s5+$0xFFFFFF80] =	vst v33  }
0x324: {  	v44 =	vld [tilespmem:s5+$0x20];
	v39 =	vmul.f32 v30, v21;
	[tilespmem:s5+$0xFFFFFF90] =	vst v35  }
0x325: {  	v7 =	vld.idx.msk [tilespmem:v7+s17+$0x0], $0xffff;
	[tilespmem:s5+$0xFFFFFFA0] =	vst v37;
	v29 =	vmul.f32 v20, v19  }
0x326: {  	v46 =	vld [tilespmem:s5+$0x30];
	v4 =	vbroadcast v4, $0x0;
	[tilespmem:s5+$0xFFFFFFB0] =	vst v39;
	v41 =	vmul.f32 v32, v3  }
0x327: {  	v47 =	vld [tilespmem:s5+$0x40];
	[tilespmem:s5+$0xFFFFFF60] =	vst v29;
	v43 =	vmul.f32 v34, v3  }
0x328: {  	v9 =	vld.idx.msk [tilespmem:v9+s17+$0x0], $0xffff;
	v45 =	vmul.f32 v36, v3;
	[tilespmem:s5+$0xFFFFFFC0] =	vst v41  }
0x329: {  	v15 =	vld.idx.msk [tilespmem:v50+s17+$0x0], $0xffff;
	v3 =	vmul.f32 v38, v3;
	[tilespmem:s5+$0xFFFFFFD0] =	vst v43  }
0x32a: {  	v50 =	vld [tilespmem:s5+$0x60];
	v48 =	vmul.f32 v40, v7;
	[tilespmem:s5+$0xFFFFFFE0] =	vst v45  }
0x32b: {  	v49 =	vld [tilespmem:s5+$0x50];
	v51 =	vmul.f32 v44, v7;
	[tilespmem:s5+$0xFFFFFFF0] =	vst v3  }
0x32c: {  	v4 =	vld.idx.msk [tilespmem:v4+s17+$0x0], $0xffff;
	v3 =	vmul.f32 v42, v7;
	[tilespmem:s5+$0x0] =	vst v48  }
0x32d: {  	v52 =	vld [tilespmem:s5+$0x70];
	v5 =	vmul.f32 v47, v9;
	[tilespmem:s5+$0x20] =	vst v51  }
0x32e: {  	v55 =	vld [tilespmem:s5+$0xA0];
	[tilespmem:s5+$0x10] =	vst v3;
	v3 =	vmul.f32 v46, v7  }
0x32f: {  	v54 =	vld [tilespmem:s5+$0x90];
	v56 =	vmul.f32 v50, v9;
	[tilespmem:s5+$0x40] =	vst v5  }
0x330: {  	v58 =	vld [tilespmem:s5+$0xC0];
	[tilespmem:s5+$0x30] =	vst v3;
	v3 =	vmul.f32 v49, v9  }
0x331: {  	v57 =	vld [tilespmem:s5+$0xB0];
	[tilespmem:s5+$0x60] =	vst v56;
	v61 =	vmul.f32 v53, v4  }
0x332: {  	v53 =	vld [tilespmem:s5+$0x80];
	[tilespmem:s5+$0x50] =	vst v3;
	v3 =	vmul.f32 v52, v9  }
0x333: {  	v60 =	vld [tilespmem:s5+$0xD0];
	v62 =	vmul.f32 v55, v15;
	[tilespmem:s5+$0xF0] =	vst v61  }
0x334: {  	v61 =	vld [tilespmem:s5+$0xE0];
	[tilespmem:s5+$0x70] =	vst v3;
	v3 =	vmul.f32 v54, v15  }
0x335: {  	[tilespmem:s5+$0xA0] =	vst v62;
	v63 =	vmul.f32 v58, v4  }
0x336: {  	s2 =	sadd.s32 $0x1, s2;
	[tilespmem:s5+$0x90] =	vst v3;
	v3 =	vmul.f32 v57, v15  }
0x337: {  	p1 =	sne.s32 s2, $0x32;
	[tilespmem:s5+$0xC0] =	vst v63;
	v59 =	vmul.f32 v53, v15  }
.Ltmp7:
0x338: {  	[tilespmem:s5+$0xB0] =	vst v3;
	v3 =	vmul.f32 v60, v4;
	(pc) =	sbr.rel @p1 .LBB2_6-.Ltmp7, $4  }
0x339: {  	[tilespmem:s5+$0x80] =	vst v59;
	v4 =	vmul.f32 v61, v4  }
0x33a: {  	[tilespmem:s5+$0xD0] =	vst v3  }
0x33b: {  	s31 =	sadd.s32 $0x4E20, s7;
	[tilespmem:s5+$0xE0] =	vst v4  }
0x33c: {  	[spmem:s13] =	stream.indirect.scatter.add.f32 [tilespmem:s23], [sflag:$0xA], $0x40, s31, s18, $0xb8;
	[tilespmem:$0x1EAA0] =	vst v63  }
0x33d: {  	s0 =	simm.s32 $0x9  }
0x33e: {  	_ =	swait.ge [sflag:s0], $0x1400  }
0x33f: {  	[sflag:s0] =	ssyncset.done $0x0  }
0x340: {  	s12 =	simm.s32 $0xA;
	[sflag:s0] =	ssyncadd.s32 $0xFFFFEC00  }
0x341: {  	_ =	swait.ge [sflag:s12], $0x1400  }
0x342: {  	[sflag:s12] =	ssyncset.done $0x0  }
0x343: {  	[sflag:s12] =	ssyncadd.s32 $0xFFFFEC00  }
0x344: {  	[bflag:$0x0] =	sbarrier.arrive $0xFFFF  }
0x345: {  	s0 =	simm.s32 @p0 $0xEA60;
	s2 =	rddreg [dreg:$0x1a]  }
0x346: {  	[tilespmem:s0], [sflag:$0xB] =	stream.linear.gather @p0 [spmem:s2], $0x1400, $0x38;
	[tilespmem:$0x1EAA0] =	vst v63  }
0x347: {  	s2 =	simm.s32 @p0 $0xB  }
0x348: {  	_ =	swait.ge @p0 [sflag:s2], $0x1400  }
0x349: {  	[sflag:s2] =	ssyncset.done @p0 $0x0  }
0x34a: {  	s3 =	simm.s32 @p0 $0x0;
	s4 =	rddreg [dreg:$0x1b];
	[sflag:s2] =	ssyncadd.s32 @p0 $0xFFFFEC00  }
0x34b: {  	[hbm4b:s4+s3] =	stream.linear.scatter @p0 [tilespmem:s0], [sflag:$0xB], $0x1400, $0x38;
	[tilespmem:$0x1EAA0] =	vst v63  }
0x34c: {  	_ =	swait.ge @p0 [sflag:s2], $0x1400  }
0x34d: {  	s5 =	sld [smem:$0x7F3]  }
0x34e: {  	[sflag:s2] =	ssyncset.done @p0 $0x0  }
0x34f: {  	s4 =	simm.s32 @p0 $0xFE60;
	[sflag:s2] =	ssyncadd.s32 @p0 $0xFFFFEC00  }
0x350: {  	[tilespmem:s4], [sflag:$0xB] =	stream.linear.gather @p0 [spmem:s5], $0x1400, $0x38;
	[tilespmem:$0x1EAA0] =	vst v63  }
0x351: {  	_ =	swait.ge @p0 [sflag:s2], $0x1400  }
0x352: {  	[sflag:s2] =	ssyncset.done @p0 $0x0  }
0x353: {  	s5 =	rddreg [dreg:$0x1c];
	[sflag:s2] =	ssyncadd.s32 @p0 $0xFFFFEC00  }
0x354: {  	[hbm4b:s5+s3] =	stream.linear.scatter @p0 [tilespmem:s4], [sflag:$0xB], $0x1400, $0x38;
	[tilespmem:$0x1EAA0] =	vst v63  }
0x355: {  	_ =	swait.ge @p0 [sflag:s2], $0x1400  }
0x356: {  	s5 =	sld [smem:$0x7F4]  }
0x357: {  	[sflag:s2] =	ssyncset.done @p0 $0x0  }
0x358: {  	[sflag:s2] =	ssyncadd.s32 @p0 $0xFFFFEC00  }
0x359: {  	[tilespmem:s0], [sflag:$0xB] =	stream.linear.gather @p0 [spmem:s5], $0x1400, $0x38;
	[tilespmem:$0x1EAA0] =	vst v63  }
0x35a: {  	_ =	swait.ge @p0 [sflag:s2], $0x1400  }
0x35b: {  	[sflag:s2] =	ssyncset.done @p0 $0x0  }
0x35c: {  	s5 =	rddreg [dreg:$0x1d];
	[sflag:s2] =	ssyncadd.s32 @p0 $0xFFFFEC00  }
0x35d: {  	[hbm4b:s5+s3] =	stream.linear.scatter @p0 [tilespmem:s0], [sflag:$0xB], $0x1400, $0x38;
	[tilespmem:$0x1EAA0] =	vst v63  }
0x35e: {  	_ =	swait.ge @p0 [sflag:s2], $0x1400  }
0x35f: {  	s5 =	sld [smem:$0x7F7]  }
0x360: {  	[sflag:s2] =	ssyncset.done @p0 $0x0  }
0x361: {  	[sflag:s2] =	ssyncadd.s32 @p0 $0xFFFFEC00  }
0x362: {  	[tilespmem:s4], [sflag:$0xB] =	stream.linear.gather @p0 [spmem:s5], $0x1400, $0x38;
	[tilespmem:$0x1EAA0] =	vst v63  }
0x363: {  	_ =	swait.ge @p0 [sflag:s2], $0x1400  }
0x364: {  	[sflag:s2] =	ssyncset.done @p0 $0x0  }
0x365: {  	s5 =	rddreg [dreg:$0x1e];
	[sflag:s2] =	ssyncadd.s32 @p0 $0xFFFFEC00  }
0x366: {  	[hbm4b:s5+s3] =	stream.linear.scatter @p0 [tilespmem:s4], [sflag:$0xB], $0x1400, $0x38;
	[tilespmem:$0x1EAA0] =	vst v63  }
0x367: {  	_ =	swait.ge @p0 [sflag:s2], $0x1400  }
0x368: {  	[sflag:s2] =	ssyncset.done @p0 $0x0  }
0x369: {  	[sflag:s2] =	ssyncadd.s32 @p0 $0xFFFFEC00;
	s2 =	sld [smem:$0x7F9];
	_ =	sdelay $0x2  }
0x36a: {  	[tilespmem:s0], [sflag:$0xB] =	stream.linear.gather @p0 [spmem:s2], $0x1400, $0x38;
	[tilespmem:$0x1EAA0] =	vst v63  }
0x36b: {  	s0 =	simm.s32 @!p0 $0xEA60;
	s2 =	rddreg [dreg:$0x11]  }
0x36c: {  	[tilespmem:s0], [sflag:$0xB] =	stream.linear.gather @!p0 [spmem:s2], $0x1400, $0x38;
	[tilespmem:$0x1EAA0] =	vst v63  }
0x36d: {  	s2 =	simm.s32 @!p0 $0xB  }
0x36e: {  	_ =	swait.ge @!p0 [sflag:s2], $0x1400  }
0x36f: {  	[sflag:s2] =	ssyncset.done @!p0 $0x0  }
0x370: {  	s3 =	simm.s32 @!p0 $0x0;
	s4 =	rddreg [dreg:$0x8];
	[sflag:s2] =	ssyncadd.s32 @!p0 $0xFFFFEC00  }
0x371: {  	[hbm4b:s4+s3] =	stream.linear.scatter @!p0 [tilespmem:s0], [sflag:$0xB], $0x1400, $0x38;
	[tilespmem:$0x1EAA0] =	vst v63  }
0x372: {  	_ =	swait.ge @!p0 [sflag:s2], $0x1400  }
0x373: {  	[sflag:s2] =	ssyncset.done @!p0 $0x0  }
0x374: {  	s4 =	simm.s32 @!p0 $0xFE60;
	s5 =	rddreg [dreg:$0x12];
	[sflag:s2] =	ssyncadd.s32 @!p0 $0xFFFFEC00  }
0x375: {  	[tilespmem:s4], [sflag:$0xB] =	stream.linear.gather @!p0 [spmem:s5], $0x1400, $0x38;
	[tilespmem:$0x1EAA0] =	vst v63  }
0x376: {  	_ =	swait.ge @!p0 [sflag:s2], $0x1400  }
0x377: {  	[sflag:s2] =	ssyncset.done @!p0 $0x0  }
0x378: {  	s5 =	rddreg [dreg:$0x9];
	[sflag:s2] =	ssyncadd.s32 @!p0 $0xFFFFEC00  }
0x379: {  	[hbm4b:s5+s3] =	stream.linear.scatter @!p0 [tilespmem:s4], [sflag:$0xB], $0x1400, $0x38;
	[tilespmem:$0x1EAA0] =	vst v63  }
0x37a: {  	_ =	swait.ge @!p0 [sflag:s2], $0x1400  }
0x37b: {  	[sflag:s2] =	ssyncset.done @!p0 $0x0  }
0x37c: {  	s5 =	rddreg [dreg:$0x13];
	[sflag:s2] =	ssyncadd.s32 @!p0 $0xFFFFEC00  }
0x37d: {  	[tilespmem:s0], [sflag:$0xB] =	stream.linear.gather @!p0 [spmem:s5], $0x1400, $0x38;
	[tilespmem:$0x1EAA0] =	vst v63  }
0x37e: {  	_ =	swait.ge @!p0 [sflag:s2], $0x1400  }
0x37f: {  	[sflag:s2] =	ssyncset.done @!p0 $0x0  }
0x380: {  	s5 =	rddreg [dreg:$0xa];
	[sflag:s2] =	ssyncadd.s32 @!p0 $0xFFFFEC00  }
0x381: {  	[hbm4b:s5+s3] =	stream.linear.scatter @!p0 [tilespmem:s0], [sflag:$0xB], $0x1400, $0x38;
	[tilespmem:$0x1EAA0] =	vst v63  }
0x382: {  	_ =	swait.ge @!p0 [sflag:s2], $0x1400  }
0x383: {  	[sflag:s2] =	ssyncset.done @!p0 $0x0  }
0x384: {  	s5 =	rddreg [dreg:$0x14];
	[sflag:s2] =	ssyncadd.s32 @!p0 $0xFFFFEC00  }
0x385: {  	[tilespmem:s4], [sflag:$0xB] =	stream.linear.gather @!p0 [spmem:s5], $0x1400, $0x38;
	[tilespmem:$0x1EAA0] =	vst v63  }
0x386: {  	_ =	swait.ge @!p0 [sflag:s2], $0x1400  }
0x387: {  	[sflag:s2] =	ssyncset.done @!p0 $0x0  }
0x388: {  	s5 =	rddreg [dreg:$0xb];
	[sflag:s2] =	ssyncadd.s32 @!p0 $0xFFFFEC00  }
0x389: {  	[hbm4b:s5+s3] =	stream.linear.scatter @!p0 [tilespmem:s4], [sflag:$0xB], $0x1400, $0x38;
	[tilespmem:$0x1EAA0] =	vst v63  }
0x38a: {  	_ =	swait.ge @!p0 [sflag:s2], $0x1400  }
0x38b: {  	[sflag:s2] =	ssyncset.done @!p0 $0x0  }
0x38c: {  	s5 =	rddreg [dreg:$0x15];
	[sflag:s2] =	ssyncadd.s32 @!p0 $0xFFFFEC00  }
0x38d: {  	[tilespmem:s0], [sflag:$0xB] =	stream.linear.gather @!p0 [spmem:s5], $0x1400, $0x38;
	[tilespmem:$0x1EAA0] =	vst v63  }
0x38e: {  	_ =	swait.ge @!p0 [sflag:s2], $0x1400  }
0x38f: {  	[sflag:s2] =	ssyncset.done @!p0 $0x0  }
0x390: {  	s5 =	rddreg [dreg:$0xc];
	[sflag:s2] =	ssyncadd.s32 @!p0 $0xFFFFEC00  }
0x391: {  	[hbm4b:s5+s3] =	stream.linear.scatter @!p0 [tilespmem:s0], [sflag:$0xB], $0x1400, $0x38;
	[tilespmem:$0x1EAA0] =	vst v63  }
0x392: {  	_ =	swait.ge @!p0 [sflag:s2], $0x1400  }
0x393: {  	[sflag:s2] =	ssyncset.done @!p0 $0x0  }
0x394: {  	s5 =	rddreg [dreg:$0x16];
	[sflag:s2] =	ssyncadd.s32 @!p0 $0xFFFFEC00  }
0x395: {  	[tilespmem:s4], [sflag:$0xB] =	stream.linear.gather @!p0 [spmem:s5], $0x1400, $0x38;
	[tilespmem:$0x1EAA0] =	vst v63  }
0x396: {  	_ =	swait.ge @!p0 [sflag:s2], $0x1400  }
0x397: {  	[sflag:s2] =	ssyncset.done @!p0 $0x0  }
0x398: {  	s5 =	rddreg [dreg:$0xd];
	[sflag:s2] =	ssyncadd.s32 @!p0 $0xFFFFEC00  }
0x399: {  	[hbm4b:s5+s3] =	stream.linear.scatter @!p0 [tilespmem:s4], [sflag:$0xB], $0x1400, $0x38;
	[tilespmem:$0x1EAA0] =	vst v63  }
0x39a: {  	_ =	swait.ge @!p0 [sflag:s2], $0x1400  }
0x39b: {  	[sflag:s2] =	ssyncset.done @!p0 $0x0  }
0x39c: {  	s5 =	rddreg [dreg:$0x17];
	[sflag:s2] =	ssyncadd.s32 @!p0 $0xFFFFEC00  }
0x39d: {  	[tilespmem:s0], [sflag:$0xB] =	stream.linear.gather @!p0 [spmem:s5], $0x1400, $0x38;
	[tilespmem:$0x1EAA0] =	vst v63  }
0x39e: {  	_ =	swait.ge @!p0 [sflag:s2], $0x1400  }
0x39f: {  	[sflag:s2] =	ssyncset.done @!p0 $0x0  }
0x3a0: {  	s5 =	rddreg [dreg:$0xe];
	[sflag:s2] =	ssyncadd.s32 @!p0 $0xFFFFEC00  }
0x3a1: {  	[hbm4b:s5+s3] =	stream.linear.scatter @!p0 [tilespmem:s0], [sflag:$0xB], $0x1400, $0x38;
	[tilespmem:$0x1EAA0] =	vst v63  }
0x3a2: {  	_ =	swait.ge @!p0 [sflag:s2], $0x1400  }
0x3a3: {  	[sflag:s2] =	ssyncset.done @!p0 $0x0  }
0x3a4: {  	s0 =	rddreg [dreg:$0x18];
	[sflag:s2] =	ssyncadd.s32 @!p0 $0xFFFFEC00  }
0x3a5: {  	[tilespmem:s4], [sflag:$0xB] =	stream.linear.gather @!p0 [spmem:s0], $0x1400, $0x38;
	[tilespmem:$0x1EAA0] =	vst v63  }
0x3a6: {  	_ =	swait.ge [sflag:s16], $0x1400  }
0x3a7: {  	s15 =	simm.s32 $0x0;
	[sflag:s16] =	ssyncset.done $0x0  }
0x3a8: {  	s4 =	simm.s32 @p0 $0xEA60;
	s24 =	rddreg [dreg:$0xf];
	[sflag:s16] =	ssyncadd.s32 $0xFFFFEC00  }
0x3a9: {  	[hbm4b:s24+s15] =	stream.linear.scatter [tilespmem:s4], [sflag:$0xB], $0x1400, $0x38;
	[tilespmem:$0x1EAA0] =	vst v63  }
0x3aa: {  	_ =	swait.ge [sflag:s16], $0x1400  }
0x3ab: {  	s25 =	sld [smem:$0x7F2]  }
0x3ac: {  	s31 =	sld [smem:$0x7F6];
	_ =	sdelay $0x1  }
0x3ad: {  	s2 =	sadd.s32 $0x1, s25  }
0x3ae: {  	p1 =	sne.s32 s2, s31  }
.Ltmp8:
0x3af: {  	_ = 	snop;
	(pc) =	sbr.rel @p1 .LBB2_1-.Ltmp8, $3  }
0x3b0: {  	_ =	sdelay $0x1  }
0x3b1: {  	[sflag:s16] =	ssyncset.done $0x0  }
0x3b2: {  	[sflag:s16] =	ssyncadd.s32 $0xFFFFEC00  }
0x3b3: {  	_ =	sfence.sel $0x180000  }
0x3b4: {  	[bflag:$0x0] =	sbarrier.arrive $0xFFFF  }
0x3b5: {  	_ =	strace $0x90000047  }
0x3b6: {  	s0 =	stileid.u32;
	[bflag:$0x2] =	sbarrier.arrive $0xFFFF  }
0x3b7: {  	p0 =	sne.s32 s0, $0x0;
	s0 =	rddreg [dreg:$0x5]  }
0x3b8: {  	s0 =	sadd.s32 @!p0 $0x100000, s0  }
0x3b9: {  	[sflag:s0] =	ssyncadd.tile.s32 @!p0 $0x1;
	_ =	shalt  }
.Lfunc_end2:
_tile_overlayer_lowered:
.L_overlay_start_2:
0x3ba: {  	(tag) =	ssettag $0x2  }
0x3bb: {  	s0 =	rddreg [dreg:$0x0];
	s2 =	stileid.u32  }
0x3bc: {  	s1 =	rddreg [dreg:$0x1];
	p0 =	sne.s32 s2, $0x0  }
0x3bd: {  	s3 =	rddreg [dreg:$0x2];
	[bflag:$0x3] =	sbarrier.arrive $0xFFFF;
	s2 =	simm.s32 @!p0 $0x1C0B  }
0x3be: {  	[timem:s3], [sflag:s2] =	dma.local @!p0 [hbm:s0], s1  }
0x3bf: {  	s0 =	simm.s32 @!p0 $0xB  }
0x3c0: {  	_ =	swait.ge @!p0 [sflag:s0], s1  }
0x3c1: {  	s1 =	ssub.s32 @!p0 $0x0, s1;
	[sflag:s0] =	ssyncset.done @!p0 $0x0  }
0x3c2: {  	[sflag:s0] =	ssyncadd.s32 @!p0 s1  }
0x3c3: {  	[bflag:$0x3] =	sbarrier.arrive $0xFFFF  }
0x3c4: {  	_ =	shalt  }

</sc_bundles>
